<compile_context>
chip_gen: v7x
topology: tpu7x:2x2x1
jax: 0.10.2.dev20260603
libtpu: 0.0.44.dev20260713+nightly
codegen_flags: <defaults>
</compile_context>

<pallas_src>
import functools

import jax
import jax.numpy as jnp
from jax import lax
from jax.experimental import pallas as pl
from jax.experimental.pallas import tpu as pltpu
from jax.experimental.pallas import tpu_sc as plsc

N = 10000
E = 320000
NC = 2
NS = 16
NW = NC * NS
E_PER_CORE = E // NC
E_PER_TILE = E // NW
K = 40
NCHUNK = E_PER_TILE // K
GK = 5
NG = NCHUNK // GK
N_PAD = 10240
ROWS_PER_TILE = N_PAD // NS


def _sc_agg(z, ei4, zero_rows, zero_deg, with_deg):
    D = z.shape[1]
    mesh = plsc.VectorSubcoreMesh(
        core_axis_name="c", subcore_axis_name="s", num_cores=NC,
        num_subcores=NS)

    out_type = [jax.ShapeDtypeStruct((NC, N_PAD, D), jnp.float32)]
    scratch = [
        pltpu.VMEM((2 * GK, K), jnp.int32),
        pltpu.VMEM((2 * GK, K), jnp.int32),
        pltpu.VMEM((GK, K, D), jnp.float32),
        pltpu.VMEM_SHARED((N_PAD, D), jnp.float32),
        pltpu.SemaphoreType.DMA,
    ] + [pltpu.SemaphoreType.DMA] * (2 * GK)
    if with_deg:
        out_type.append(jax.ShapeDtypeStruct((NW, N_PAD), jnp.float32))
        scratch.append(pltpu.VMEM((N_PAD,), jnp.float32))

    @functools.partial(
        pl.kernel, out_type=out_type, mesh=mesh, scratch_types=scratch,
        compiler_params=pltpu.CompilerParams(needs_layout_passes=False))
    def agg(z_hbm, ei_hbm, zrow_hbm, zdeg_hbm, *rest):
        if with_deg:
            (acc_out, deg_out, src_i, dst_i, rows_v, acc_sh, isem, *sems,
             deg_v) = rest
        else:
            acc_out, src_i, dst_i, rows_v, acc_sh, isem, *sems = rest
        gsem, ssem = sems[:GK], sems[GK:]
        c = lax.axis_index("c")
        s = lax.axis_index("s")
        w = c * NS + s

        pltpu.async_copy(ei_hbm.at[0, w, 0], src_i.at[pl.ds(0, GK)], isem)
        pltpu.async_copy(ei_hbm.at[1, w, 0], dst_i.at[pl.ds(0, GK)], isem)
        r0 = s * ROWS_PER_TILE
        pltpu.sync_copy(zrow_hbm, acc_sh.at[pl.ds(r0, ROWS_PER_TILE)])
        if with_deg:
            pltpu.sync_copy(zdeg_hbm, deg_v)
            ones16 = jnp.full((16,), 1.0, jnp.float32)
            tailmask = lax.iota(jnp.int32, 16) >= 8
        plsc.subcore_barrier()

        def run_group(g, p):
            pltpu.make_async_copy(
                ei_hbm.at[0, w, g], src_i.at[pl.ds(p * GK, GK)], isem).wait()
            pltpu.make_async_copy(
                ei_hbm.at[1, w, g], dst_i.at[pl.ds(p * GK, GK)], isem).wait()

            @pl.when(g < NG - 1)
            def _():
                pltpu.async_copy(ei_hbm.at[0, w, g + 1],
                                 src_i.at[pl.ds((1 - p) * GK, GK)], isem)
                pltpu.async_copy(ei_hbm.at[1, w, g + 1],
                                 dst_i.at[pl.ds((1 - p) * GK, GK)], isem)

            gathers = []
            for u in range(GK):
                gathers.append(pltpu.async_copy(
                    z_hbm.at[src_i.at[p * GK + u]], rows_v.at[u], gsem[u]))
            if with_deg:
                for u in range(GK):
                    r = p * GK + u
                    plsc.addupdate_scatter(
                        deg_v, [dst_i[r, pl.ds(0, 16)]], ones16)
                    plsc.addupdate_scatter(
                        deg_v, [dst_i[r, pl.ds(16, 16)]], ones16)
                    plsc.addupdate_scatter(
                        deg_v, [dst_i[r, pl.ds(24, 16)]], ones16,
                        mask=tailmask)
            scatters = []
            for u in range(GK):
                gathers[u].wait()
                scatters.append(pltpu.async_copy(
                    rows_v.at[u], acc_sh.at[dst_i.at[p * GK + u]], ssem[u],
                    add=True))
            for u in range(GK):
                scatters[u].wait()

        def body(gg, carry):
            run_group(2 * gg, 0)
            run_group(2 * gg + 1, 1)
            return carry

        lax.fori_loop(0, NG // 2, body, 0)
        plsc.subcore_barrier()

        pltpu.sync_copy(acc_sh.at[pl.ds(r0, ROWS_PER_TILE)],
                        acc_out.at[c, pl.ds(r0, ROWS_PER_TILE)])
        if with_deg:
            pltpu.sync_copy(deg_v, deg_out.at[w])

    res = agg(z, ei4, zero_rows, zero_deg)
    if not isinstance(res, (list, tuple)):
        res = (res,)
    return res[0] if not with_deg else tuple(res)


ROW_BLK = 1024
GRID = N_PAD // ROW_BLK


def _deg_col(deg_blk):
    ones = jnp.ones((NW, 1), jnp.float32)
    d = lax.dot_general(deg_blk, ones, (((0,), (0,)), ((), ())),
                        preferred_element_type=jnp.float32)
    return jnp.maximum(d, 1.0)


def _tc_stage0(h, W_self0, W_neigh0, b0):
    def body(h_ref, ws_ref, wn_ref, b_ref, s_ref, z_ref):
        hblk = h_ref[...]
        s_ref[...] = jnp.dot(hblk, ws_ref[...],
                             preferred_element_type=jnp.float32) + b_ref[...]
        z_ref[...] = jnp.dot(hblk, wn_ref[...],
                             preferred_element_type=jnp.float32)

    H = W_self0.shape[1]
    return pl.pallas_call(
        body,
        grid=(GRID,),
        in_specs=[
            pl.BlockSpec((ROW_BLK, h.shape[1]), lambda i: (i, 0)),
            pl.BlockSpec(W_self0.shape, lambda i: (0, 0)),
            pl.BlockSpec(W_neigh0.shape, lambda i: (0, 0)),
            pl.BlockSpec((1, H), lambda i: (0, 0)),
        ],
        out_specs=[
            pl.BlockSpec((ROW_BLK, H), lambda i: (i, 0)),
            pl.BlockSpec((ROW_BLK, H), lambda i: (i, 0)),
        ],
        out_shape=[
            jax.ShapeDtypeStruct((N_PAD, H), jnp.float32),
            jax.ShapeDtypeStruct((N_PAD, H), jnp.float32),
        ],
    )(h, W_self0, W_neigh0, b0)


def _tc_stage1(s0, acc0, deg, W_self1, W_neigh1, b1):
    def body(s0_ref, acc_ref, deg_ref, ws_ref, wn_ref, b_ref, s_ref, z_ref):
        agg = acc_ref[0] + acc_ref[1]
        rdeg = 1.0 / _deg_col(deg_ref[...])
        h1 = jnp.maximum(s0_ref[...] + agg * rdeg, 0.0)
        s_ref[...] = jnp.dot(h1, ws_ref[...],
                             preferred_element_type=jnp.float32) + b_ref[...]
        z_ref[...] = jnp.dot(h1, wn_ref[...],
                             preferred_element_type=jnp.float32)

    H = s0.shape[1]
    C = W_self1.shape[1]
    return pl.pallas_call(
        body,
        grid=(GRID,),
        in_specs=[
            pl.BlockSpec((ROW_BLK, H), lambda i: (i, 0)),
            pl.BlockSpec((NC, ROW_BLK, H), lambda i: (0, i, 0)),
            pl.BlockSpec((NW, ROW_BLK), lambda i: (0, i)),
            pl.BlockSpec(W_self1.shape, lambda i: (0, 0)),
            pl.BlockSpec(W_neigh1.shape, lambda i: (0, 0)),
            pl.BlockSpec((1, C), lambda i: (0, 0)),
        ],
        out_specs=[
            pl.BlockSpec((ROW_BLK, C), lambda i: (i, 0)),
            pl.BlockSpec((ROW_BLK, C), lambda i: (i, 0)),
        ],
        out_shape=[
            jax.ShapeDtypeStruct((N_PAD, C), jnp.float32),
            jax.ShapeDtypeStruct((N_PAD, C), jnp.float32),
        ],
    )(s0, acc0, deg, W_self1, W_neigh1, b1)


def _tc_stage2(s1, acc1, deg, C):
    def body(s1_ref, acc_ref, deg_ref, o_ref):
        agg = acc_ref[0] + acc_ref[1]
        rdeg = 1.0 / _deg_col(deg_ref[...])
        o_ref[...] = (s1_ref[...] + agg * rdeg)[:, :C]

    H = s1.shape[1]
    return pl.pallas_call(
        body,
        grid=(GRID,),
        in_specs=[
            pl.BlockSpec((ROW_BLK, H), lambda i: (i, 0)),
            pl.BlockSpec((NC, ROW_BLK, H), lambda i: (0, i, 0)),
            pl.BlockSpec((NW, ROW_BLK), lambda i: (0, i)),
        ],
        out_specs=pl.BlockSpec((ROW_BLK, C), lambda i: (i, 0)),
        out_shape=jax.ShapeDtypeStruct((N, C), jnp.float32),
    )(s1, acc1, deg)


def kernel(h, edge_index, W_self0, W_neigh0, b0, W_self1, W_neigh1, b1):
    ei4 = edge_index.reshape(2, NW, NG, GK, K)
    zero128 = jnp.zeros((ROWS_PER_TILE, 128), jnp.float32)
    zero_deg = jnp.zeros((N_PAD,), jnp.float32)

    C = W_self1.shape[1]
    pad = ((0, 0), (0, 128 - C))
    Ws1 = jnp.pad(W_self1, pad)
    Wn1 = jnp.pad(W_neigh1, pad)
    b1p = jnp.pad(b1, ((0, 128 - C),))

    s0, z0 = _tc_stage0(h, W_self0, W_neigh0, b0.reshape(1, -1))
    acc0, deg = _sc_agg(z0, ei4, zero128, zero_deg, with_deg=True)
    s1, z1 = _tc_stage1(s0, acc0, deg, Ws1, Wn1, b1p.reshape(1, -1))
    acc1 = _sc_agg(z1, ei4, zero128, zero_deg, with_deg=False)
    return _tc_stage2(s1, acc1, deg, C)

# --- scband reference (transcript-rebuilt; emitter-appended) ---
"""Pipeline reference for scband-sage-only-78417512891169 (READ-ONLY COPY).

The authoritative reference and input builder live on the scoring server;
editing this copy changes nothing except your own understanding.
"""

import jax, jax.numpy as jnp
import numpy as np

N = 10000
E = 320000
IN_FEATS = 128
N_HIDDEN = 128
N_CLASSES = 64


def setup_inputs(seed: int = 0) -> dict:
    key = jax.random.key(seed)
    ks = jax.random.split(key, 8)
    h = jax.random.normal(ks[0], (N, IN_FEATS), dtype=jnp.float32)
    edge_index = jax.random.randint(ks[1], (2, E), 0, N, dtype=jnp.int64 if jax.config.jax_enable_x64 else jnp.int32).astype(jnp.int32)
    W_self0 = jax.random.normal(ks[2], (IN_FEATS, N_HIDDEN), dtype=jnp.float32) * (1.0 / np.sqrt(IN_FEATS))
    W_neigh0 = jax.random.normal(ks[3], (IN_FEATS, N_HIDDEN), dtype=jnp.float32) * (1.0 / np.sqrt(IN_FEATS))
    b0 = jnp.zeros((N_HIDDEN,), dtype=jnp.float32)
    W_self1 = jax.random.normal(ks[4], (N_HIDDEN, N_CLASSES), dtype=jnp.float32) * (1.0 / np.sqrt(N_HIDDEN))
    W_neigh1 = jax.random.normal(ks[5], (N_HIDDEN, N_CLASSES), dtype=jnp.float32) * (1.0 / np.sqrt(N_HIDDEN))
    b1 = jnp.zeros((N_CLASSES,), dtype=jnp.float32)
    return {"h": h, "edge_index": edge_index, "W_self0": W_self0, "W_neigh0": W_neigh0, "b0": b0, "W_self1": W_self1, "W_neigh1": W_neigh1, "b1": b1}


def _sage_conv_mean(h_src, h_dst, edge_index, W_self, W_neigh, b):
    # DGL SAGEConv with 'mean' aggregator:
    #   h_neigh[v] = mean_{u in N(v)} h_src[u]
    #   out = fc_self(h_dst) + fc_neigh(h_neigh) + bias
    src = edge_index[0]
    dst = edge_index[1]
    msg = jnp.take(h_src, src, axis=0)                     # gather  [E, d]
    agg = jax.ops.segment_sum(msg, dst, num_segments=N)    # scatter-add [N, d]
    deg = jax.ops.segment_sum(jnp.ones((msg.shape[0],), dtype=h_src.dtype), dst, num_segments=N)
    h_neigh = agg / jnp.clip(deg, 1.0, None)[:, None]
    return h_dst @ W_self + h_neigh @ W_neigh + b


def reference(h, edge_index, W_self0, W_neigh0, b0, W_self1, W_neigh1, b1):
    # Layer 0 (in_feats -> n_hidden), full-graph blocks so h_dst == h
    h1 = _sage_conv_mean(h, h, edge_index, W_self0, W_neigh0, b0)
    h1 = jax.nn.relu(h1)
    # dropout p=0.0 -> identity (eval-mode faithful)
    # Layer 1 (n_hidden -> n_classes), no activation on final layer
    out = _sage_conv_mean(h1, h1, edge_index, W_self1, W_neigh1, b1)
    return out

if __name__ == "__main__":
    import jax
    _d = setup_inputs()
    print(jax.jit(kernel)(*tuple(_d.values())))

</pallas_src>

<mosaic_0001>
#map = affine_map<(d0, d1) -> (0, 0)>
#map1 = affine_map<(d0, d1) -> (0, 0, 0, 0, 0)>
#map2 = affine_map<(d0, d1) -> (0)>
#map3 = affine_map<(d0, d1) -> (0, 0, 0)>
module attributes {stable_mosaic.version = 14 : i64} {
  func.func @agg(%arg0: i32, %arg1: i32, %arg2: memref<10240x128xf32, #tpu.memory_space<hbm>>, %arg3: memref<2x32x50x5x40xi32, #tpu.memory_space<hbm>>, %arg4: memref<640x128xf32, #tpu.memory_space<hbm>>, %arg5: memref<10240xf32, #tpu.memory_space<hbm>>, %arg6: memref<2x10240x128xf32, #tpu.memory_space<hbm>>, %arg7: memref<32x10240xf32, #tpu.memory_space<hbm>>, %arg8: memref<10x40xi32, #tpu.memory_space<vmem>>, %arg9: memref<10x40xi32, #tpu.memory_space<vmem>>, %arg10: memref<5x40x128xf32, #tpu.memory_space<vmem>>, %arg11: memref<10240x128xf32, #tpu.memory_space<vmem_shared>>, %arg12: memref<!tpu.dma_semaphore, #tpu.memory_space<semaphore_mem>>, %arg13: memref<!tpu.dma_semaphore, #tpu.memory_space<semaphore_mem>>, %arg14: memref<!tpu.dma_semaphore, #tpu.memory_space<semaphore_mem>>, %arg15: memref<!tpu.dma_semaphore, #tpu.memory_space<semaphore_mem>>, %arg16: memref<!tpu.dma_semaphore, #tpu.memory_space<semaphore_mem>>, %arg17: memref<!tpu.dma_semaphore, #tpu.memory_space<semaphore_mem>>, %arg18: memref<!tpu.dma_semaphore, #tpu.memory_space<semaphore_mem>>, %arg19: memref<!tpu.dma_semaphore, #tpu.memory_space<semaphore_mem>>, %arg20: memref<!tpu.dma_semaphore, #tpu.memory_space<semaphore_mem>>, %arg21: memref<!tpu.dma_semaphore, #tpu.memory_space<semaphore_mem>>, %arg22: memref<!tpu.dma_semaphore, #tpu.memory_space<semaphore_mem>>, %arg23: memref<10240xf32, #tpu.memory_space<vmem>>) attributes {dimension_semantics = [#tpu.dimension_semantics<core_parallel>, #tpu.dimension_semantics<subcore_parallel>], iteration_bounds = array<i64: 2, 16>, scalar_prefetch = 0 : i64, scratch_operands = 16 : i64, tpu.core_type = #tpu.core_type<sc_vector_subcore>, window_params = [{transform_indices = #map}, {transform_indices = #map1}, {transform_indices = #map}, {transform_indices = #map2}, {transform_indices = #map3}, {transform_indices = #map}]} {
    %mul3A = arith.constant 16 : i32
    %mul3A_0 = arith.muli %arg0, %mul3A : i32
    %add3A = arith.addi %mul3A_0, %arg1 : i32
    %dma_start3A = arith.constant 0 : i32
    %dma_start3A_1 = arith.constant 0 : i32
    %dma_start3A_2 = arith.constant 0 : i32
    %dma_start3A_3 = arith.constant 0 : i32
    %dma_start3A_4 = tpu.memref_slice %arg8[%dma_start3A_2, %dma_start3A_3] : memref<10x40xi32, #tpu.memory_space<vmem>> -> memref<5x40xi32, #tpu.memory_space<vmem>>
    %dma_start3A_5 = arith.constant 0 : i32
    %dma_start3A_6 = arith.constant 0 : i32
    %dma_start3A_7 = tpu.memref_slice %arg3[%dma_start3A, %add3A, %dma_start3A_1, %dma_start3A_5, %dma_start3A_6] : memref<2x32x50x5x40xi32, #tpu.memory_space<hbm>> -> memref<1x1x1x5x40xi32, #tpu.memory_space<hbm>>
    %dma_start3A_8 = tpu.memref_squeeze %dma_start3A_7 : memref<1x1x1x5x40xi32, #tpu.memory_space<hbm>> -> memref<5x40xi32, #tpu.memory_space<hbm>>
    %dma_start3A_9 = arith.constant 0 : i32
    %dma_start3A_10 = arith.constant 0 : i32
    %dma_start3A_11 = tpu.memref_slice %arg8[%dma_start3A_9, %dma_start3A_10] : memref<10x40xi32, #tpu.memory_space<vmem>> -> memref<5x40xi32, #tpu.memory_space<vmem>>
    %dma_start3A_12 = arith.constant 0 : i32
    %dma_start3A_13 = arith.constant 0 : i32
    %dma_start3A_14 = tpu.memref_slice %arg3[%dma_start3A, %add3A, %dma_start3A_1, %dma_start3A_12, %dma_start3A_13] : memref<2x32x50x5x40xi32, #tpu.memory_space<hbm>> -> memref<1x1x1x5x40xi32, #tpu.memory_space<hbm>>
    %dma_start3A_15 = tpu.memref_squeeze %dma_start3A_14 : memref<1x1x1x5x40xi32, #tpu.memory_space<hbm>> -> memref<5x40xi32, #tpu.memory_space<hbm>>
    tpu.enqueue_dma source(%dma_start3A_15 : memref<5x40xi32, #tpu.memory_space<hbm>>) target(%dma_start3A_11 : memref<5x40xi32, #tpu.memory_space<vmem>>) target_semaphore(%arg12 : memref<!tpu.dma_semaphore, #tpu.memory_space<semaphore_mem>>)
    %dma_start3A_16 = arith.constant 1 : i32
    %dma_start3A_17 = arith.constant 0 : i32
    %dma_start3A_18 = arith.constant 0 : i32
    %dma_start3A_19 = arith.constant 0 : i32
    %dma_start3A_20 = tpu.memref_slice %arg9[%dma_start3A_18, %dma_start3A_19] : memref<10x40xi32, #tpu.memory_space<vmem>> -> memref<5x40xi32, #tpu.memory_space<vmem>>
    %dma_start3A_21 = arith.constant 0 : i32
    %dma_start3A_22 = arith.constant 0 : i32
    %dma_start3A_23 = tpu.memref_slice %arg3[%dma_start3A_16, %add3A, %dma_start3A_17, %dma_start3A_21, %dma_start3A_22] : memref<2x32x50x5x40xi32, #tpu.memory_space<hbm>> -> memref<1x1x1x5x40xi32, #tpu.memory_space<hbm>>
    %dma_start3A_24 = tpu.memref_squeeze %dma_start3A_23 : memref<1x1x1x5x40xi32, #tpu.memory_space<hbm>> -> memref<5x40xi32, #tpu.memory_space<hbm>>
    %dma_start3A_25 = arith.constant 0 : i32
    %dma_start3A_26 = arith.constant 0 : i32
    %dma_start3A_27 = tpu.memref_slice %arg9[%dma_start3A_25, %dma_start3A_26] : memref<10x40xi32, #tpu.memory_space<vmem>> -> memref<5x40xi32, #tpu.memory_space<vmem>>
    %dma_start3A_28 = arith.constant 0 : i32
    %dma_start3A_29 = arith.constant 0 : i32
    %dma_start3A_30 = tpu.memref_slice %arg3[%dma_start3A_16, %add3A, %dma_start3A_17, %dma_start3A_28, %dma_start3A_29] : memref<2x32x50x5x40xi32, #tpu.memory_space<hbm>> -> memref<1x1x1x5x40xi32, #tpu.memory_space<hbm>>
    %dma_start3A_31 = tpu.memref_squeeze %dma_start3A_30 : memref<1x1x1x5x40xi32, #tpu.memory_space<hbm>> -> memref<5x40xi32, #tpu.memory_space<hbm>>
    tpu.enqueue_dma source(%dma_start3A_31 : memref<5x40xi32, #tpu.memory_space<hbm>>) target(%dma_start3A_27 : memref<5x40xi32, #tpu.memory_space<vmem>>) target_semaphore(%arg12 : memref<!tpu.dma_semaphore, #tpu.memory_space<semaphore_mem>>)
    %mul3A_32 = arith.constant 640 : i32
    %mul3A_33 = arith.muli %arg1, %mul3A_32 : i32
    "tpu.region"() ({
      %run_scoped3A = tpu.sem_alloc : memref<!tpu.dma_semaphore, #tpu.memory_space<semaphore_mem>>
      %dma_start3A_43 = arith.constant 0 : i32
      %dma_start3A_44 = tpu.memref_slice %arg11[%mul3A_33, %dma_start3A_43] : memref<10240x128xf32, #tpu.memory_space<vmem_shared>> -> memref<640x128xf32, #tpu.memory_space<vmem_shared>>
      tpu.enqueue_dma source(%arg4 : memref<640x128xf32, #tpu.memory_space<hbm>>) target(%dma_start3A_44 : memref<640x128xf32, #tpu.memory_space<vmem_shared>>) target_semaphore(%run_scoped3A : memref<!tpu.dma_semaphore, #tpu.memory_space<semaphore_mem>>)
      %dma_wait3A = arith.constant 0 : i32
      %dma_wait3A_45 = tpu.memref_slice %arg11[%mul3A_33, %dma_wait3A] : memref<10240x128xf32, #tpu.memory_space<vmem_shared>> -> memref<640x128xf32, #tpu.memory_space<vmem_shared>>
      tpu.wait_dma2 semaphore(%run_scoped3A : memref<!tpu.dma_semaphore, #tpu.memory_space<semaphore_mem>>) src(%arg4 : memref<640x128xf32, #tpu.memory_space<hbm>>) dst(%dma_wait3A_45 : memref<640x128xf32, #tpu.memory_space<vmem_shared>>)
      tpu.yield
    }) : () -> ()
    "tpu.region"() ({
      %run_scoped3A = tpu.sem_alloc : memref<!tpu.dma_semaphore, #tpu.memory_space<semaphore_mem>>
      tpu.enqueue_dma source(%arg5 : memref<10240xf32, #tpu.memory_space<hbm>>) target(%arg23 : memref<10240xf32, #tpu.memory_space<vmem>>) target_semaphore(%run_scoped3A : memref<!tpu.dma_semaphore, #tpu.memory_space<semaphore_mem>>)
      tpu.wait_dma2 semaphore(%run_scoped3A : memref<!tpu.dma_semaphore, #tpu.memory_space<semaphore_mem>>) src(%arg5 : memref<10240xf32, #tpu.memory_space<hbm>>) dst(%arg23 : memref<10240xf32, #tpu.memory_space<vmem>>)
      tpu.yield
    }) : () -> ()
    %broadcast_in_dim3A = arith.constant 1.000000e+00 : f32
    %broadcast_in_dim3A_34 = vector.broadcast %broadcast_in_dim3A : f32 to vector<16xf32>
    %iota3A = tpu.iota {dimensions = array<i32: 0>} : vector<16xi32>
    %ge3A = arith.constant 8 : i32
    %ge3A_35 = vector.broadcast %ge3A : i32 to vector<16xi32>
    %ge3A_36 = arith.cmpi sge, %iota3A, %ge3A_35 : vector<16xi32>
    %barrier3A = arith.constant 0 : index
    tpu.barrier barrier_id(%barrier3A)
    %scan3A = arith.constant 0 : i32
    %scan3A_37 = arith.constant 0 : i32
    %scan3A_38 = arith.constant 25 : i32
    %scan3A_39 = arith.addi %scan3A_37, %scan3A_38 : i32
    %scan3A_40 = arith.constant 1 : i32
    scf.for %scan3A_43 = %scan3A_37 to %scan3A_39 step %scan3A_40  : i32 {
      %mul3A_44 = arith.constant 2 : i32
      %mul3A_45 = arith.muli %mul3A_44, %scan3A_43 : i32
      %dma_wait3A = arith.constant 0 : i32
      %dma_wait3A_46 = arith.constant 0 : i32
      %dma_wait3A_47 = arith.constant 0 : i32
      %dma_wait3A_48 = tpu.memref_slice %arg8[%dma_wait3A_46, %dma_wait3A_47] : memref<10x40xi32, #tpu.memory_space<vmem>> -> memref<5x40xi32, #tpu.memory_space<vmem>>
      %dma_wait3A_49 = arith.constant 0 : i32
      %dma_wait3A_50 = arith.constant 0 : i32
      %dma_wait3A_51 = tpu.memref_slice %arg3[%dma_wait3A, %add3A, %mul3A_45, %dma_wait3A_49, %dma_wait3A_50] : memref<2x32x50x5x40xi32, #tpu.memory_space<hbm>> -> memref<1x1x1x5x40xi32, #tpu.memory_space<hbm>>
      %dma_wait3A_52 = tpu.memref_squeeze %dma_wait3A_51 : memref<1x1x1x5x40xi32, #tpu.memory_space<hbm>> -> memref<5x40xi32, #tpu.memory_space<hbm>>
      %dma_wait3A_53 = arith.constant 0 : i32
      %dma_wait3A_54 = arith.constant 0 : i32
      %dma_wait3A_55 = tpu.memref_slice %arg8[%dma_wait3A_53, %dma_wait3A_54] : memref<10x40xi32, #tpu.memory_space<vmem>> -> memref<5x40xi32, #tpu.memory_space<vmem>>
      %dma_wait3A_56 = arith.constant 0 : i32
      %dma_wait3A_57 = arith.constant 0 : i32
      %dma_wait3A_58 = tpu.memref_slice %arg3[%dma_wait3A, %add3A, %mul3A_45, %dma_wait3A_56, %dma_wait3A_57] : memref<2x32x50x5x40xi32, #tpu.memory_space<hbm>> -> memref<1x1x1x5x40xi32, #tpu.memory_space<hbm>>
      %dma_wait3A_59 = tpu.memref_squeeze %dma_wait3A_58 : memref<1x1x1x5x40xi32, #tpu.memory_space<hbm>> -> memref<5x40xi32, #tpu.memory_space<hbm>>
      tpu.wait_dma2 semaphore(%arg12 : memref<!tpu.dma_semaphore, #tpu.memory_space<semaphore_mem>>) src(%dma_wait3A_59 : memref<5x40xi32, #tpu.memory_space<hbm>>) dst(%dma_wait3A_55 : memref<5x40xi32, #tpu.memory_space<vmem>>)
      %dma_wait3A_60 = arith.constant 1 : i32
      %dma_wait3A_61 = arith.constant 0 : i32
      %dma_wait3A_62 = arith.constant 0 : i32
      %dma_wait3A_63 = tpu.memref_slice %arg9[%dma_wait3A_61, %dma_wait3A_62] : memref<10x40xi32, #tpu.memory_space<vmem>> -> memref<5x40xi32, #tpu.memory_space<vmem>>
      %dma_wait3A_64 = arith.constant 0 : i32
      %dma_wait3A_65 = arith.constant 0 : i32
      %dma_wait3A_66 = tpu.memref_slice %arg3[%dma_wait3A_60, %add3A, %mul3A_45, %dma_wait3A_64, %dma_wait3A_65] : memref<2x32x50x5x40xi32, #tpu.memory_space<hbm>> -> memref<1x1x1x5x40xi32, #tpu.memory_space<hbm>>
      %dma_wait3A_67 = tpu.memref_squeeze %dma_wait3A_66 : memref<1x1x1x5x40xi32, #tpu.memory_space<hbm>> -> memref<5x40xi32, #tpu.memory_space<hbm>>
      %dma_wait3A_68 = arith.constant 0 : i32
      %dma_wait3A_69 = arith.constant 0 : i32
      %dma_wait3A_70 = tpu.memref_slice %arg9[%dma_wait3A_68, %dma_wait3A_69] : memref<10x40xi32, #tpu.memory_space<vmem>> -> memref<5x40xi32, #tpu.memory_space<vmem>>
      %dma_wait3A_71 = arith.constant 0 : i32
      %dma_wait3A_72 = arith.constant 0 : i32
      %dma_wait3A_73 = tpu.memref_slice %arg3[%dma_wait3A_60, %add3A, %mul3A_45, %dma_wait3A_71, %dma_wait3A_72] : memref<2x32x50x5x40xi32, #tpu.memory_space<hbm>> -> memref<1x1x1x5x40xi32, #tpu.memory_space<hbm>>
      %dma_wait3A_74 = tpu.memref_squeeze %dma_wait3A_73 : memref<1x1x1x5x40xi32, #tpu.memory_space<hbm>> -> memref<5x40xi32, #tpu.memory_space<hbm>>
      tpu.wait_dma2 semaphore(%arg12 : memref<!tpu.dma_semaphore, #tpu.memory_space<semaphore_mem>>) src(%dma_wait3A_74 : memref<5x40xi32, #tpu.memory_space<hbm>>) dst(%dma_wait3A_70 : memref<5x40xi32, #tpu.memory_space<vmem>>)
      %lt3A = arith.constant 49 : i32
      %lt3A_75 = arith.cmpi slt, %mul3A_45, %lt3A : i32
      %convert_element_type3A = arith.extui %lt3A_75 : i1 to i32
      %cond3A = arith.constant 0 : i32
      %cond3A_76 = arith.cmpi ne, %convert_element_type3A, %cond3A : i32
      scf.if %cond3A_76 {
        %add3A_715 = arith.constant 1 : i32
        %add3A_716 = arith.addi %mul3A_45, %add3A_715 : i32
        %dma_start3A_717 = arith.constant 0 : i32
        %dma_start3A_718 = arith.constant 5 : i32
        %dma_start3A_719 = arith.constant 0 : i32
        %dma_start3A_720 = tpu.memref_slice %arg8[%dma_start3A_718, %dma_start3A_719] : memref<10x40xi32, #tpu.memory_space<vmem>> -> memref<5x40xi32, #tpu.memory_space<vmem>>
        %dma_start3A_721 = arith.constant 0 : i32
        %dma_start3A_722 = arith.constant 0 : i32
        %dma_start3A_723 = tpu.memref_slice %arg3[%dma_start3A_717, %add3A, %add3A_716, %dma_start3A_721, %dma_start3A_722] : memref<2x32x50x5x40xi32, #tpu.memory_space<hbm>> -> memref<1x1x1x5x40xi32, #tpu.memory_space<hbm>>
        %dma_start3A_724 = tpu.memref_squeeze %dma_start3A_723 : memref<1x1x1x5x40xi32, #tpu.memory_space<hbm>> -> memref<5x40xi32, #tpu.memory_space<hbm>>
        %dma_start3A_725 = arith.constant 5 : i32
        %dma_start3A_726 = arith.constant 0 : i32
        %dma_start3A_727 = tpu.memref_slice %arg8[%dma_start3A_725, %dma_start3A_726] : memref<10x40xi32, #tpu.memory_space<vmem>> -> memref<5x40xi32, #tpu.memory_space<vmem>>
        %dma_start3A_728 = arith.constant 0 : i32
        %dma_start3A_729 = arith.constant 0 : i32
        %dma_start3A_730 = tpu.memref_slice %arg3[%dma_start3A_717, %add3A, %add3A_716, %dma_start3A_728, %dma_start3A_729] : memref<2x32x50x5x40xi32, #tpu.memory_space<hbm>> -> memref<1x1x1x5x40xi32, #tpu.memory_space<hbm>>
        %dma_start3A_731 = tpu.memref_squeeze %dma_start3A_730 : memref<1x1x1x5x40xi32, #tpu.memory_space<hbm>> -> memref<5x40xi32, #tpu.memory_space<hbm>>
        tpu.enqueue_dma source(%dma_start3A_731 : memref<5x40xi32, #tpu.memory_space<hbm>>) target(%dma_start3A_727 : memref<5x40xi32, #tpu.memory_space<vmem>>) target_semaphore(%arg12 : memref<!tpu.dma_semaphore, #tpu.memory_space<semaphore_mem>>)
        %add3A_732 = arith.constant 1 : i32
        %add3A_733 = arith.addi %mul3A_45, %add3A_732 : i32
        %dma_start3A_734 = arith.constant 1 : i32
        %dma_start3A_735 = arith.constant 5 : i32
        %dma_start3A_736 = arith.constant 0 : i32
        %dma_start3A_737 = tpu.memref_slice %arg9[%dma_start3A_735, %dma_start3A_736] : memref<10x40xi32, #tpu.memory_space<vmem>> -> memref<5x40xi32, #tpu.memory_space<vmem>>
        %dma_start3A_738 = arith.constant 0 : i32
        %dma_start3A_739 = arith.constant 0 : i32
        %dma_start3A_740 = tpu.memref_slice %arg3[%dma_start3A_734, %add3A, %add3A_733, %dma_start3A_738, %dma_start3A_739] : memref<2x32x50x5x40xi32, #tpu.memory_space<hbm>> -> memref<1x1x1x5x40xi32, #tpu.memory_space<hbm>>
        %dma_start3A_741 = tpu.memref_squeeze %dma_start3A_740 : memref<1x1x1x5x40xi32, #tpu.memory_space<hbm>> -> memref<5x40xi32, #tpu.memory_space<hbm>>
        %dma_start3A_742 = arith.constant 5 : i32
        %dma_start3A_743 = arith.constant 0 : i32
        %dma_start3A_744 = tpu.memref_slice %arg9[%dma_start3A_742, %dma_start3A_743] : memref<10x40xi32, #tpu.memory_space<vmem>> -> memref<5x40xi32, #tpu.memory_space<vmem>>
        %dma_start3A_745 = arith.constant 0 : i32
        %dma_start3A_746 = arith.constant 0 : i32
        %dma_start3A_747 = tpu.memref_slice %arg3[%dma_start3A_734, %add3A, %add3A_733, %dma_start3A_745, %dma_start3A_746] : memref<2x32x50x5x40xi32, #tpu.memory_space<hbm>> -> memref<1x1x1x5x40xi32, #tpu.memory_space<hbm>>
        %dma_start3A_748 = tpu.memref_squeeze %dma_start3A_747 : memref<1x1x1x5x40xi32, #tpu.memory_space<hbm>> -> memref<5x40xi32, #tpu.memory_space<hbm>>
        tpu.enqueue_dma source(%dma_start3A_748 : memref<5x40xi32, #tpu.memory_space<hbm>>) target(%dma_start3A_744 : memref<5x40xi32, #tpu.memory_space<vmem>>) target_semaphore(%arg12 : memref<!tpu.dma_semaphore, #tpu.memory_space<semaphore_mem>>)
      } else {
      }
      %dma_start3A_77 = arith.constant 0 : i32
      %dma_start3A_78 = arith.constant 0 : i32
      %dma_start3A_79 = arith.constant 0 : i32
      %dma_start3A_80 = arith.constant 0 : i32
      %dma_start3A_81 = tpu.memref_slice %arg10[%dma_start3A_78, %dma_start3A_79, %dma_start3A_80] : memref<5x40x128xf32, #tpu.memory_space<vmem>> -> memref<1x40x128xf32, #tpu.memory_space<vmem>>
      %dma_start3A_82 = tpu.memref_squeeze %dma_start3A_81 : memref<1x40x128xf32, #tpu.memory_space<vmem>> -> memref<40x128xf32, #tpu.memory_space<vmem>>
      %dma_start3A_83 = arith.constant 0 : i32
      %dma_start3A_84 = tpu.memref_slice %arg8[%dma_start3A_77, %dma_start3A_83] : memref<10x40xi32, #tpu.memory_space<vmem>> -> memref<1x40xi32, #tpu.memory_space<vmem>>
      %dma_start3A_85 = tpu.memref_squeeze %dma_start3A_84 : memref<1x40xi32, #tpu.memory_space<vmem>> -> memref<40xi32, #tpu.memory_space<vmem>>
      %dma_start3A_86 = arith.constant 0 : i32
      %dma_start3A_87 = arith.constant 0 : i32
      %dma_start3A_88 = tpu.memref_slice %arg2[%dma_start3A_86, %dma_start3A_87] : memref<10240x128xf32, #tpu.memory_space<hbm>> -> memref<10240x128xf32, #tpu.memory_space<hbm>>
      tpu.enqueue_indirect_dma source(%dma_start3A_88 : memref<10240x128xf32, #tpu.memory_space<hbm>>) target(%dma_start3A_82 : memref<40x128xf32, #tpu.memory_space<vmem>>) offsets(%dma_start3A_85 : memref<40xi32, #tpu.memory_space<vmem>>) semaphore(%arg13 : memref<!tpu.dma_semaphore, #tpu.memory_space<semaphore_mem>>)
      %dma_start3A_89 = arith.constant 1 : i32
      %dma_start3A_90 = arith.constant 1 : i32
      %dma_start3A_91 = arith.constant 0 : i32
      %dma_start3A_92 = arith.constant 0 : i32
      %dma_start3A_93 = tpu.memref_slice %arg10[%dma_start3A_90, %dma_start3A_91, %dma_start3A_92] : memref<5x40x128xf32, #tpu.memory_space<vmem>> -> memref<1x40x128xf32, #tpu.memory_space<vmem>>
      %dma_start3A_94 = tpu.memref_squeeze %dma_start3A_93 : memref<1x40x128xf32, #tpu.memory_space<vmem>> -> memref<40x128xf32, #tpu.memory_space<vmem>>
      %dma_start3A_95 = arith.constant 0 : i32
      %dma_start3A_96 = tpu.memref_slice %arg8[%dma_start3A_89, %dma_start3A_95] : memref<10x40xi32, #tpu.memory_space<vmem>> -> memref<1x40xi32, #tpu.memory_space<vmem>>
      %dma_start3A_97 = tpu.memref_squeeze %dma_start3A_96 : memref<1x40xi32, #tpu.memory_space<vmem>> -> memref<40xi32, #tpu.memory_space<vmem>>
      %dma_start3A_98 = arith.constant 0 : i32
      %dma_start3A_99 = arith.constant 0 : i32
      %dma_start3A_100 = tpu.memref_slice %arg2[%dma_start3A_98, %dma_start3A_99] : memref<10240x128xf32, #tpu.memory_space<hbm>> -> memref<10240x128xf32, #tpu.memory_space<hbm>>
      tpu.enqueue_indirect_dma source(%dma_start3A_100 : memref<10240x128xf32, #tpu.memory_space<hbm>>) target(%dma_start3A_94 : memref<40x128xf32, #tpu.memory_space<vmem>>) offsets(%dma_start3A_97 : memref<40xi32, #tpu.memory_space<vmem>>) semaphore(%arg14 : memref<!tpu.dma_semaphore, #tpu.memory_space<semaphore_mem>>)
      %dma_start3A_101 = arith.constant 2 : i32
      %dma_start3A_102 = arith.constant 2 : i32
      %dma_start3A_103 = arith.constant 0 : i32
      %dma_start3A_104 = arith.constant 0 : i32
      %dma_start3A_105 = tpu.memref_slice %arg10[%dma_start3A_102, %dma_start3A_103, %dma_start3A_104] : memref<5x40x128xf32, #tpu.memory_space<vmem>> -> memref<1x40x128xf32, #tpu.memory_space<vmem>>
      %dma_start3A_106 = tpu.memref_squeeze %dma_start3A_105 : memref<1x40x128xf32, #tpu.memory_space<vmem>> -> memref<40x128xf32, #tpu.memory_space<vmem>>
      %dma_start3A_107 = arith.constant 0 : i32
      %dma_start3A_108 = tpu.memref_slice %arg8[%dma_start3A_101, %dma_start3A_107] : memref<10x40xi32, #tpu.memory_space<vmem>> -> memref<1x40xi32, #tpu.memory_space<vmem>>
      %dma_start3A_109 = tpu.memref_squeeze %dma_start3A_108 : memref<1x40xi32, #tpu.memory_space<vmem>> -> memref<40xi32, #tpu.memory_space<vmem>>
      %dma_start3A_110 = arith.constant 0 : i32
      %dma_start3A_111 = arith.constant 0 : i32
      %dma_start3A_112 = tpu.memref_slice %arg2[%dma_start3A_110, %dma_start3A_111] : memref<10240x128xf32, #tpu.memory_space<hbm>> -> memref<10240x128xf32, #tpu.memory_space<hbm>>
      tpu.enqueue_indirect_dma source(%dma_start3A_112 : memref<10240x128xf32, #tpu.memory_space<hbm>>) target(%dma_start3A_106 : memref<40x128xf32, #tpu.memory_space<vmem>>) offsets(%dma_start3A_109 : memref<40xi32, #tpu.memory_space<vmem>>) semaphore(%arg15 : memref<!tpu.dma_semaphore, #tpu.memory_space<semaphore_mem>>)
      %dma_start3A_113 = arith.constant 3 : i32
      %dma_start3A_114 = arith.constant 3 : i32
      %dma_start3A_115 = arith.constant 0 : i32
      %dma_start3A_116 = arith.constant 0 : i32
      %dma_start3A_117 = tpu.memref_slice %arg10[%dma_start3A_114, %dma_start3A_115, %dma_start3A_116] : memref<5x40x128xf32, #tpu.memory_space<vmem>> -> memref<1x40x128xf32, #tpu.memory_space<vmem>>
      %dma_start3A_118 = tpu.memref_squeeze %dma_start3A_117 : memref<1x40x128xf32, #tpu.memory_space<vmem>> -> memref<40x128xf32, #tpu.memory_space<vmem>>
      %dma_start3A_119 = arith.constant 0 : i32
      %dma_start3A_120 = tpu.memref_slice %arg8[%dma_start3A_113, %dma_start3A_119] : memref<10x40xi32, #tpu.memory_space<vmem>> -> memref<1x40xi32, #tpu.memory_space<vmem>>
      %dma_start3A_121 = tpu.memref_squeeze %dma_start3A_120 : memref<1x40xi32, #tpu.memory_space<vmem>> -> memref<40xi32, #tpu.memory_space<vmem>>
      %dma_start3A_122 = arith.constant 0 : i32
      %dma_start3A_123 = arith.constant 0 : i32
      %dma_start3A_124 = tpu.memref_slice %arg2[%dma_start3A_122, %dma_start3A_123] : memref<10240x128xf32, #tpu.memory_space<hbm>> -> memref<10240x128xf32, #tpu.memory_space<hbm>>
      tpu.enqueue_indirect_dma source(%dma_start3A_124 : memref<10240x128xf32, #tpu.memory_space<hbm>>) target(%dma_start3A_118 : memref<40x128xf32, #tpu.memory_space<vmem>>) offsets(%dma_start3A_121 : memref<40xi32, #tpu.memory_space<vmem>>) semaphore(%arg16 : memref<!tpu.dma_semaphore, #tpu.memory_space<semaphore_mem>>)
      %dma_start3A_125 = arith.constant 4 : i32
      %dma_start3A_126 = arith.constant 4 : i32
      %dma_start3A_127 = arith.constant 0 : i32
      %dma_start3A_128 = arith.constant 0 : i32
      %dma_start3A_129 = tpu.memref_slice %arg10[%dma_start3A_126, %dma_start3A_127, %dma_start3A_128] : memref<5x40x128xf32, #tpu.memory_space<vmem>> -> memref<1x40x128xf32, #tpu.memory_space<vmem>>
      %dma_start3A_130 = tpu.memref_squeeze %dma_start3A_129 : memref<1x40x128xf32, #tpu.memory_space<vmem>> -> memref<40x128xf32, #tpu.memory_space<vmem>>
      %dma_start3A_131 = arith.constant 0 : i32
      %dma_start3A_132 = tpu.memref_slice %arg8[%dma_start3A_125, %dma_start3A_131] : memref<10x40xi32, #tpu.memory_space<vmem>> -> memref<1x40xi32, #tpu.memory_space<vmem>>
      %dma_start3A_133 = tpu.memref_squeeze %dma_start3A_132 : memref<1x40xi32, #tpu.memory_space<vmem>> -> memref<40xi32, #tpu.memory_space<vmem>>
      %dma_start3A_134 = arith.constant 0 : i32
      %dma_start3A_135 = arith.constant 0 : i32
      %dma_start3A_136 = tpu.memref_slice %arg2[%dma_start3A_134, %dma_start3A_135] : memref<10240x128xf32, #tpu.memory_space<hbm>> -> memref<10240x128xf32, #tpu.memory_space<hbm>>
      tpu.enqueue_indirect_dma source(%dma_start3A_136 : memref<10240x128xf32, #tpu.memory_space<hbm>>) target(%dma_start3A_130 : memref<40x128xf32, #tpu.memory_space<vmem>>) offsets(%dma_start3A_133 : memref<40xi32, #tpu.memory_space<vmem>>) semaphore(%arg17 : memref<!tpu.dma_semaphore, #tpu.memory_space<semaphore_mem>>)
      %get3A = arith.constant 0 : i32
      %get3A_137 = arith.index_cast %get3A : i32 to index
      %get3A_138 = arith.constant 0 : index
      %get3A_139 = tpu.vector_load %arg9[%get3A_137, %get3A_138] {strides = array<i32>} : memref<10x40xi32, #tpu.memory_space<vmem>>, vector<16xi32>,
      tpu.vector_store_idx %arg23[%get3A_139], %broadcast_in_dim3A_34 {add = true} : memref<10240xf32, #tpu.memory_space<vmem>>[vector<16xi32>], vector<16xf32>,
      %get3A_140 = arith.constant 0 : i32
      %get3A_141 = arith.index_cast %get3A_140 : i32 to index
      %get3A_142 = arith.constant 16 : index
      %get3A_143 = tpu.vector_load %arg9[%get3A_141, %get3A_142] {strides = array<i32>} : memref<10x40xi32, #tpu.memory_space<vmem>>, vector<16xi32>,
      tpu.vector_store_idx %arg23[%get3A_143], %broadcast_in_dim3A_34 {add = true} : memref<10240xf32, #tpu.memory_space<vmem>>[vector<16xi32>], vector<16xf32>,
      %get3A_144 = arith.constant 0 : i32
      %get3A_145 = arith.index_cast %get3A_144 : i32 to index
      %get3A_146 = arith.constant 24 : index
      %get3A_147 = tpu.vector_load %arg9[%get3A_145, %get3A_146] {strides = array<i32>} : memref<10x40xi32, #tpu.memory_space<vmem>>, vector<16xi32>,
      tpu.vector_store_idx %arg23[%get3A_147], %broadcast_in_dim3A_34 masked %ge3A_36 {add = true} : memref<10240xf32, #tpu.memory_space<vmem>>[vector<16xi32>], vector<16xf32>, vector<16xi1>
      %get3A_148 = arith.constant 1 : i32
      %get3A_149 = arith.index_cast %get3A_148 : i32 to index
      %get3A_150 = arith.constant 0 : index
      %get3A_151 = tpu.vector_load %arg9[%get3A_149, %get3A_150] {strides = array<i32>} : memref<10x40xi32, #tpu.memory_space<vmem>>, vector<16xi32>,
      tpu.vector_store_idx %arg23[%get3A_151], %broadcast_in_dim3A_34 {add = true} : memref<10240xf32, #tpu.memory_space<vmem>>[vector<16xi32>], vector<16xf32>,
      %get3A_152 = arith.constant 1 : i32
      %get3A_153 = arith.index_cast %get3A_152 : i32 to index
      %get3A_154 = arith.constant 16 : index
      %get3A_155 = tpu.vector_load %arg9[%get3A_153, %get3A_154] {strides = array<i32>} : memref<10x40xi32, #tpu.memory_space<vmem>>, vector<16xi32>,
      tpu.vector_store_idx %arg23[%get3A_155], %broadcast_in_dim3A_34 {add = true} : memref<10240xf32, #tpu.memory_space<vmem>>[vector<16xi32>], vector<16xf32>,
      %get3A_156 = arith.constant 1 : i32
      %get3A_157 = arith.index_cast %get3A_156 : i32 to index
      %get3A_158 = arith.constant 24 : index
      %get3A_159 = tpu.vector_load %arg9[%get3A_157, %get3A_158] {strides = array<i32>} : memref<10x40xi32, #tpu.memory_space<vmem>>, vector<16xi32>,
      tpu.vector_store_idx %arg23[%get3A_159], %broadcast_in_dim3A_34 masked %ge3A_36 {add = true} : memref<10240xf32, #tpu.memory_space<vmem>>[vector<16xi32>], vector<16xf32>, vector<16xi1>
      %get3A_160 = arith.constant 2 : i32
      %get3A_161 = arith.index_cast %get3A_160 : i32 to index
      %get3A_162 = arith.constant 0 : index
      %get3A_163 = tpu.vector_load %arg9[%get3A_161, %get3A_162] {strides = array<i32>} : memref<10x40xi32, #tpu.memory_space<vmem>>, vector<16xi32>,
      tpu.vector_store_idx %arg23[%get3A_163], %broadcast_in_dim3A_34 {add = true} : memref<10240xf32, #tpu.memory_space<vmem>>[vector<16xi32>], vector<16xf32>,
      %get3A_164 = arith.constant 2 : i32
      %get3A_165 = arith.index_cast %get3A_164 : i32 to index
      %get3A_166 = arith.constant 16 : index
      %get3A_167 = tpu.vector_load %arg9[%get3A_165, %get3A_166] {strides = array<i32>} : memref<10x40xi32, #tpu.memory_space<vmem>>, vector<16xi32>,
      tpu.vector_store_idx %arg23[%get3A_167], %broadcast_in_dim3A_34 {add = true} : memref<10240xf32, #tpu.memory_space<vmem>>[vector<16xi32>], vector<16xf32>,
      %get3A_168 = arith.constant 2 : i32
      %get3A_169 = arith.index_cast %get3A_168 : i32 to index
      %get3A_170 = arith.constant 24 : index
      %get3A_171 = tpu.vector_load %arg9[%get3A_169, %get3A_170] {strides = array<i32>} : memref<10x40xi32, #tpu.memory_space<vmem>>, vector<16xi32>,
      tpu.vector_store_idx %arg23[%get3A_171], %broadcast_in_dim3A_34 masked %ge3A_36 {add = true} : memref<10240xf32, #tpu.memory_space<vmem>>[vector<16xi32>], vector<16xf32>, vector<16xi1>
      %get3A_172 = arith.constant 3 : i32
      %get3A_173 = arith.index_cast %get3A_172 : i32 to index
      %get3A_174 = arith.constant 0 : index
      %get3A_175 = tpu.vector_load %arg9[%get3A_173, %get3A_174] {strides = array<i32>} : memref<10x40xi32, #tpu.memory_space<vmem>>, vector<16xi32>,
      tpu.vector_store_idx %arg23[%get3A_175], %broadcast_in_dim3A_34 {add = true} : memref<10240xf32, #tpu.memory_space<vmem>>[vector<16xi32>], vector<16xf32>,
      %get3A_176 = arith.constant 3 : i32
      %get3A_177 = arith.index_cast %get3A_176 : i32 to index
      %get3A_178 = arith.constant 16 : index
      %get3A_179 = tpu.vector_load %arg9[%get3A_177, %get3A_178] {strides = array<i32>} : memref<10x40xi32, #tpu.memory_space<vmem>>, vector<16xi32>,
      tpu.vector_store_idx %arg23[%get3A_179], %broadcast_in_dim3A_34 {add = true} : memref<10240xf32, #tpu.memory_space<vmem>>[vector<16xi32>], vector<16xf32>,
      %get3A_180 = arith.constant 3 : i32
      %get3A_181 = arith.index_cast %get3A_180 : i32 to index
      %get3A_182 = arith.constant 24 : index
      %get3A_183 = tpu.vector_load %arg9[%get3A_181, %get3A_182] {strides = array<i32>} : memref<10x40xi32, #tpu.memory_space<vmem>>, vector<16xi32>,
      tpu.vector_store_idx %arg23[%get3A_183], %broadcast_in_dim3A_34 masked %ge3A_36 {add = true} : memref<10240xf32, #tpu.memory_space<vmem>>[vector<16xi32>], vector<16xf32>, vector<16xi1>
      %get3A_184 = arith.constant 4 : i32
      %get3A_185 = arith.index_cast %get3A_184 : i32 to index
      %get3A_186 = arith.constant 0 : index
      %get3A_187 = tpu.vector_load %arg9[%get3A_185, %get3A_186] {strides = array<i32>} : memref<10x40xi32, #tpu.memory_space<vmem>>, vector<16xi32>,
      tpu.vector_store_idx %arg23[%get3A_187], %broadcast_in_dim3A_34 {add = true} : memref<10240xf32, #tpu.memory_space<vmem>>[vector<16xi32>], vector<16xf32>,
      %get3A_188 = arith.constant 4 : i32
      %get3A_189 = arith.index_cast %get3A_188 : i32 to index
      %get3A_190 = arith.constant 16 : index
      %get3A_191 = tpu.vector_load %arg9[%get3A_189, %get3A_190] {strides = array<i32>} : memref<10x40xi32, #tpu.memory_space<vmem>>, vector<16xi32>,
      tpu.vector_store_idx %arg23[%get3A_191], %broadcast_in_dim3A_34 {add = true} : memref<10240xf32, #tpu.memory_space<vmem>>[vector<16xi32>], vector<16xf32>,
      %get3A_192 = arith.constant 4 : i32
      %get3A_193 = arith.index_cast %get3A_192 : i32 to index
      %get3A_194 = arith.constant 24 : index
      %get3A_195 = tpu.vector_load %arg9[%get3A_193, %get3A_194] {strides = array<i32>} : memref<10x40xi32, #tpu.memory_space<vmem>>, vector<16xi32>,
      tpu.vector_store_idx %arg23[%get3A_195], %broadcast_in_dim3A_34 masked %ge3A_36 {add = true} : memref<10240xf32, #tpu.memory_space<vmem>>[vector<16xi32>], vector<16xf32>, vector<16xi1>
      %dma_wait3A_196 = arith.constant 0 : i32
      %dma_wait3A_197 = arith.constant 0 : i32
      %dma_wait3A_198 = arith.constant 0 : i32
      %dma_wait3A_199 = arith.constant 0 : i32
      %dma_wait3A_200 = tpu.memref_slice %arg10[%dma_wait3A_197, %dma_wait3A_198, %dma_wait3A_199] : memref<5x40x128xf32, #tpu.memory_space<vmem>> -> memref<1x40x128xf32, #tpu.memory_space<vmem>>
      %dma_wait3A_201 = tpu.memref_squeeze %dma_wait3A_200 : memref<1x40x128xf32, #tpu.memory_space<vmem>> -> memref<40x128xf32, #tpu.memory_space<vmem>>
      %dma_wait3A_202 = arith.constant 0 : i32
      %dma_wait3A_203 = tpu.memref_slice %arg8[%dma_wait3A_196, %dma_wait3A_202] : memref<10x40xi32, #tpu.memory_space<vmem>> -> memref<1x40xi32, #tpu.memory_space<vmem>>
      %dma_wait3A_204 = tpu.memref_squeeze %dma_wait3A_203 : memref<1x40xi32, #tpu.memory_space<vmem>> -> memref<40xi32, #tpu.memory_space<vmem>>
      %dma_wait3A_205 = arith.constant 0 : i32
      %dma_wait3A_206 = arith.constant 0 : i32
      %dma_wait3A_207 = tpu.memref_slice %arg2[%dma_wait3A_205, %dma_wait3A_206] : memref<10240x128xf32, #tpu.memory_space<hbm>> -> memref<10240x128xf32, #tpu.memory_space<hbm>>
      tpu.wait_indirect_dma semaphore(%arg13 : memref<!tpu.dma_semaphore, #tpu.memory_space<semaphore_mem>>) src(%dma_wait3A_207 : memref<10240x128xf32, #tpu.memory_space<hbm>>) dst(%dma_wait3A_201 : memref<40x128xf32, #tpu.memory_space<vmem>>)
      %dma_start3A_208 = arith.constant 0 : i32
      %dma_start3A_209 = arith.constant 0 : i32
      %dma_start3A_210 = arith.constant 0 : i32
      %dma_start3A_211 = arith.constant 0 : i32
      %dma_start3A_212 = tpu.memref_slice %arg10[%dma_start3A_208, %dma_start3A_210, %dma_start3A_211] : memref<5x40x128xf32, #tpu.memory_space<vmem>> -> memref<1x40x128xf32, #tpu.memory_space<vmem>>
      %dma_start3A_213 = tpu.memref_squeeze %dma_start3A_212 : memref<1x40x128xf32, #tpu.memory_space<vmem>> -> memref<40x128xf32, #tpu.memory_space<vmem>>
      %dma_start3A_214 = arith.constant 0 : i32
      %dma_start3A_215 = tpu.memref_slice %arg9[%dma_start3A_209, %dma_start3A_214] : memref<10x40xi32, #tpu.memory_space<vmem>> -> memref<1x40xi32, #tpu.memory_space<vmem>>
      %dma_start3A_216 = tpu.memref_squeeze %dma_start3A_215 : memref<1x40xi32, #tpu.memory_space<vmem>> -> memref<40xi32, #tpu.memory_space<vmem>>
      %dma_start3A_217 = arith.constant 0 : i32
      %dma_start3A_218 = arith.constant 0 : i32
      %dma_start3A_219 = tpu.memref_slice %arg11[%dma_start3A_217, %dma_start3A_218] : memref<10240x128xf32, #tpu.memory_space<vmem_shared>> -> memref<10240x128xf32, #tpu.memory_space<vmem_shared>>
      tpu.enqueue_indirect_dma source(%dma_start3A_213 : memref<40x128xf32, #tpu.memory_space<vmem>>) target(%dma_start3A_219 : memref<10240x128xf32, #tpu.memory_space<vmem_shared>>) offsets(%dma_start3A_216 : memref<40xi32, #tpu.memory_space<vmem>>) semaphore(%arg18 : memref<!tpu.dma_semaphore, #tpu.memory_space<semaphore_mem>>) {add = true}
      %dma_wait3A_220 = arith.constant 1 : i32
      %dma_wait3A_221 = arith.constant 1 : i32
      %dma_wait3A_222 = arith.constant 0 : i32
      %dma_wait3A_223 = arith.constant 0 : i32
      %dma_wait3A_224 = tpu.memref_slice %arg10[%dma_wait3A_221, %dma_wait3A_222, %dma_wait3A_223] : memref<5x40x128xf32, #tpu.memory_space<vmem>> -> memref<1x40x128xf32, #tpu.memory_space<vmem>>
      %dma_wait3A_225 = tpu.memref_squeeze %dma_wait3A_224 : memref<1x40x128xf32, #tpu.memory_space<vmem>> -> memref<40x128xf32, #tpu.memory_space<vmem>>
      %dma_wait3A_226 = arith.constant 0 : i32
      %dma_wait3A_227 = tpu.memref_slice %arg8[%dma_wait3A_220, %dma_wait3A_226] : memref<10x40xi32, #tpu.memory_space<vmem>> -> memref<1x40xi32, #tpu.memory_space<vmem>>
      %dma_wait3A_228 = tpu.memref_squeeze %dma_wait3A_227 : memref<1x40xi32, #tpu.memory_space<vmem>> -> memref<40xi32, #tpu.memory_space<vmem>>
      %dma_wait3A_229 = arith.constant 0 : i32
      %dma_wait3A_230 = arith.constant 0 : i32
      %dma_wait3A_231 = tpu.memref_slice %arg2[%dma_wait3A_229, %dma_wait3A_230] : memref<10240x128xf32, #tpu.memory_space<hbm>> -> memref<10240x128xf32, #tpu.memory_space<hbm>>
      tpu.wait_indirect_dma semaphore(%arg14 : memref<!tpu.dma_semaphore, #tpu.memory_space<semaphore_mem>>) src(%dma_wait3A_231 : memref<10240x128xf32, #tpu.memory_space<hbm>>) dst(%dma_wait3A_225 : memref<40x128xf32, #tpu.memory_space<vmem>>)
      %dma_start3A_232 = arith.constant 1 : i32
      %dma_start3A_233 = arith.constant 1 : i32
      %dma_start3A_234 = arith.constant 0 : i32
      %dma_start3A_235 = arith.constant 0 : i32
      %dma_start3A_236 = tpu.memref_slice %arg10[%dma_start3A_232, %dma_start3A_234, %dma_start3A_235] : memref<5x40x128xf32, #tpu.memory_space<vmem>> -> memref<1x40x128xf32, #tpu.memory_space<vmem>>
      %dma_start3A_237 = tpu.memref_squeeze %dma_start3A_236 : memref<1x40x128xf32, #tpu.memory_space<vmem>> -> memref<40x128xf32, #tpu.memory_space<vmem>>
      %dma_start3A_238 = arith.constant 0 : i32
      %dma_start3A_239 = tpu.memref_slice %arg9[%dma_start3A_233, %dma_start3A_238] : memref<10x40xi32, #tpu.memory_space<vmem>> -> memref<1x40xi32, #tpu.memory_space<vmem>>
      %dma_start3A_240 = tpu.memref_squeeze %dma_start3A_239 : memref<1x40xi32, #tpu.memory_space<vmem>> -> memref<40xi32, #tpu.memory_space<vmem>>
      %dma_start3A_241 = arith.constant 0 : i32
      %dma_start3A_242 = arith.constant 0 : i32
      %dma_start3A_243 = tpu.memref_slice %arg11[%dma_start3A_241, %dma_start3A_242] : memref<10240x128xf32, #tpu.memory_space<vmem_shared>> -> memref<10240x128xf32, #tpu.memory_space<vmem_shared>>
      tpu.enqueue_indirect_dma source(%dma_start3A_237 : memref<40x128xf32, #tpu.memory_space<vmem>>) target(%dma_start3A_243 : memref<10240x128xf32, #tpu.memory_space<vmem_shared>>) offsets(%dma_start3A_240 : memref<40xi32, #tpu.memory_space<vmem>>) semaphore(%arg19 : memref<!tpu.dma_semaphore, #tpu.memory_space<semaphore_mem>>) {add = true}
      %dma_wait3A_244 = arith.constant 2 : i32
      %dma_wait3A_245 = arith.constant 2 : i32
      %dma_wait3A_246 = arith.constant 0 : i32
      %dma_wait3A_247 = arith.constant 0 : i32
      %dma_wait3A_248 = tpu.memref_slice %arg10[%dma_wait3A_245, %dma_wait3A_246, %dma_wait3A_247] : memref<5x40x128xf32, #tpu.memory_space<vmem>> -> memref<1x40x128xf32, #tpu.memory_space<vmem>>
      %dma_wait3A_249 = tpu.memref_squeeze %dma_wait3A_248 : memref<1x40x128xf32, #tpu.memory_space<vmem>> -> memref<40x128xf32, #tpu.memory_space<vmem>>
      %dma_wait3A_250 = arith.constant 0 : i32
      %dma_wait3A_251 = tpu.memref_slice %arg8[%dma_wait3A_244, %dma_wait3A_250] : memref<10x40xi32, #tpu.memory_space<vmem>> -> memref<1x40xi32, #tpu.memory_space<vmem>>
      %dma_wait3A_252 = tpu.memref_squeeze %dma_wait3A_251 : memref<1x40xi32, #tpu.memory_space<vmem>> -> memref<40xi32, #tpu.memory_space<vmem>>
      %dma_wait3A_253 = arith.constant 0 : i32
      %dma_wait3A_254 = arith.constant 0 : i32
      %dma_wait3A_255 = tpu.memref_slice %arg2[%dma_wait3A_253, %dma_wait3A_254] : memref<10240x128xf32, #tpu.memory_space<hbm>> -> memref<10240x128xf32, #tpu.memory_space<hbm>>
      tpu.wait_indirect_dma semaphore(%arg15 : memref<!tpu.dma_semaphore, #tpu.memory_space<semaphore_mem>>) src(%dma_wait3A_255 : memref<10240x128xf32, #tpu.memory_space<hbm>>) dst(%dma_wait3A_249 : memref<40x128xf32, #tpu.memory_space<vmem>>)
      %dma_start3A_256 = arith.constant 2 : i32
      %dma_start3A_257 = arith.constant 2 : i32
      %dma_start3A_258 = arith.constant 0 : i32
      %dma_start3A_259 = arith.constant 0 : i32
      %dma_start3A_260 = tpu.memref_slice %arg10[%dma_start3A_256, %dma_start3A_258, %dma_start3A_259] : memref<5x40x128xf32, #tpu.memory_space<vmem>> -> memref<1x40x128xf32, #tpu.memory_space<vmem>>
      %dma_start3A_261 = tpu.memref_squeeze %dma_start3A_260 : memref<1x40x128xf32, #tpu.memory_space<vmem>> -> memref<40x128xf32, #tpu.memory_space<vmem>>
      %dma_start3A_262 = arith.constant 0 : i32
      %dma_start3A_263 = tpu.memref_slice %arg9[%dma_start3A_257, %dma_start3A_262] : memref<10x40xi32, #tpu.memory_space<vmem>> -> memref<1x40xi32, #tpu.memory_space<vmem>>
      %dma_start3A_264 = tpu.memref_squeeze %dma_start3A_263 : memref<1x40xi32, #tpu.memory_space<vmem>> -> memref<40xi32, #tpu.memory_space<vmem>>
      %dma_start3A_265 = arith.constant 0 : i32
      %dma_start3A_266 = arith.constant 0 : i32
      %dma_start3A_267 = tpu.memref_slice %arg11[%dma_start3A_265, %dma_start3A_266] : memref<10240x128xf32, #tpu.memory_space<vmem_shared>> -> memref<10240x128xf32, #tpu.memory_space<vmem_shared>>
      tpu.enqueue_indirect_dma source(%dma_start3A_261 : memref<40x128xf32, #tpu.memory_space<vmem>>) target(%dma_start3A_267 : memref<10240x128xf32, #tpu.memory_space<vmem_shared>>) offsets(%dma_start3A_264 : memref<40xi32, #tpu.memory_space<vmem>>) semaphore(%arg20 : memref<!tpu.dma_semaphore, #tpu.memory_space<semaphore_mem>>) {add = true}
      %dma_wait3A_268 = arith.constant 3 : i32
      %dma_wait3A_269 = arith.constant 3 : i32
      %dma_wait3A_270 = arith.constant 0 : i32
      %dma_wait3A_271 = arith.constant 0 : i32
      %dma_wait3A_272 = tpu.memref_slice %arg10[%dma_wait3A_269, %dma_wait3A_270, %dma_wait3A_271] : memref<5x40x128xf32, #tpu.memory_space<vmem>> -> memref<1x40x128xf32, #tpu.memory_space<vmem>>
      %dma_wait3A_273 = tpu.memref_squeeze %dma_wait3A_272 : memref<1x40x128xf32, #tpu.memory_space<vmem>> -> memref<40x128xf32, #tpu.memory_space<vmem>>
      %dma_wait3A_274 = arith.constant 0 : i32
      %dma_wait3A_275 = tpu.memref_slice %arg8[%dma_wait3A_268, %dma_wait3A_274] : memref<10x40xi32, #tpu.memory_space<vmem>> -> memref<1x40xi32, #tpu.memory_space<vmem>>
      %dma_wait3A_276 = tpu.memref_squeeze %dma_wait3A_275 : memref<1x40xi32, #tpu.memory_space<vmem>> -> memref<40xi32, #tpu.memory_space<vmem>>
      %dma_wait3A_277 = arith.constant 0 : i32
      %dma_wait3A_278 = arith.constant 0 : i32
      %dma_wait3A_279 = tpu.memref_slice %arg2[%dma_wait3A_277, %dma_wait3A_278] : memref<10240x128xf32, #tpu.memory_space<hbm>> -> memref<10240x128xf32, #tpu.memory_space<hbm>>
      tpu.wait_indirect_dma semaphore(%arg16 : memref<!tpu.dma_semaphore, #tpu.memory_space<semaphore_mem>>) src(%dma_wait3A_279 : memref<10240x128xf32, #tpu.memory_space<hbm>>) dst(%dma_wait3A_273 : memref<40x128xf32, #tpu.memory_space<vmem>>)
      %dma_start3A_280 = arith.constant 3 : i32
      %dma_start3A_281 = arith.constant 3 : i32
      %dma_start3A_282 = arith.constant 0 : i32
      %dma_start3A_283 = arith.constant 0 : i32
      %dma_start3A_284 = tpu.memref_slice %arg10[%dma_start3A_280, %dma_start3A_282, %dma_start3A_283] : memref<5x40x128xf32, #tpu.memory_space<vmem>> -> memref<1x40x128xf32, #tpu.memory_space<vmem>>
      %dma_start3A_285 = tpu.memref_squeeze %dma_start3A_284 : memref<1x40x128xf32, #tpu.memory_space<vmem>> -> memref<40x128xf32, #tpu.memory_space<vmem>>
      %dma_start3A_286 = arith.constant 0 : i32
      %dma_start3A_287 = tpu.memref_slice %arg9[%dma_start3A_281, %dma_start3A_286] : memref<10x40xi32, #tpu.memory_space<vmem>> -> memref<1x40xi32, #tpu.memory_space<vmem>>
      %dma_start3A_288 = tpu.memref_squeeze %dma_start3A_287 : memref<1x40xi32, #tpu.memory_space<vmem>> -> memref<40xi32, #tpu.memory_space<vmem>>
      %dma_start3A_289 = arith.constant 0 : i32
      %dma_start3A_290 = arith.constant 0 : i32
      %dma_start3A_291 = tpu.memref_slice %arg11[%dma_start3A_289, %dma_start3A_290] : memref<10240x128xf32, #tpu.memory_space<vmem_shared>> -> memref<10240x128xf32, #tpu.memory_space<vmem_shared>>
      tpu.enqueue_indirect_dma source(%dma_start3A_285 : memref<40x128xf32, #tpu.memory_space<vmem>>) target(%dma_start3A_291 : memref<10240x128xf32, #tpu.memory_space<vmem_shared>>) offsets(%dma_start3A_288 : memref<40xi32, #tpu.memory_space<vmem>>) semaphore(%arg21 : memref<!tpu.dma_semaphore, #tpu.memory_space<semaphore_mem>>) {add = true}
      %dma_wait3A_292 = arith.constant 4 : i32
      %dma_wait3A_293 = arith.constant 4 : i32
      %dma_wait3A_294 = arith.constant 0 : i32
      %dma_wait3A_295 = arith.constant 0 : i32
      %dma_wait3A_296 = tpu.memref_slice %arg10[%dma_wait3A_293, %dma_wait3A_294, %dma_wait3A_295] : memref<5x40x128xf32, #tpu.memory_space<vmem>> -> memref<1x40x128xf32, #tpu.memory_space<vmem>>
      %dma_wait3A_297 = tpu.memref_squeeze %dma_wait3A_296 : memref<1x40x128xf32, #tpu.memory_space<vmem>> -> memref<40x128xf32, #tpu.memory_space<vmem>>
      %dma_wait3A_298 = arith.constant 0 : i32
      %dma_wait3A_299 = tpu.memref_slice %arg8[%dma_wait3A_292, %dma_wait3A_298] : memref<10x40xi32, #tpu.memory_space<vmem>> -> memref<1x40xi32, #tpu.memory_space<vmem>>
      %dma_wait3A_300 = tpu.memref_squeeze %dma_wait3A_299 : memref<1x40xi32, #tpu.memory_space<vmem>> -> memref<40xi32, #tpu.memory_space<vmem>>
      %dma_wait3A_301 = arith.constant 0 : i32
      %dma_wait3A_302 = arith.constant 0 : i32
      %dma_wait3A_303 = tpu.memref_slice %arg2[%dma_wait3A_301, %dma_wait3A_302] : memref<10240x128xf32, #tpu.memory_space<hbm>> -> memref<10240x128xf32, #tpu.memory_space<hbm>>
      tpu.wait_indirect_dma semaphore(%arg17 : memref<!tpu.dma_semaphore, #tpu.memory_space<semaphore_mem>>) src(%dma_wait3A_303 : memref<10240x128xf32, #tpu.memory_space<hbm>>) dst(%dma_wait3A_297 : memref<40x128xf32, #tpu.memory_space<vmem>>)
      %dma_start3A_304 = arith.constant 4 : i32
      %dma_start3A_305 = arith.constant 4 : i32
      %dma_start3A_306 = arith.constant 0 : i32
      %dma_start3A_307 = arith.constant 0 : i32
      %dma_start3A_308 = tpu.memref_slice %arg10[%dma_start3A_304, %dma_start3A_306, %dma_start3A_307] : memref<5x40x128xf32, #tpu.memory_space<vmem>> -> memref<1x40x128xf32, #tpu.memory_space<vmem>>
      %dma_start3A_309 = tpu.memref_squeeze %dma_start3A_308 : memref<1x40x128xf32, #tpu.memory_space<vmem>> -> memref<40x128xf32, #tpu.memory_space<vmem>>
      %dma_start3A_310 = arith.constant 0 : i32
      %dma_start3A_311 = tpu.memref_slice %arg9[%dma_start3A_305, %dma_start3A_310] : memref<10x40xi32, #tpu.memory_space<vmem>> -> memref<1x40xi32, #tpu.memory_space<vmem>>
      %dma_start3A_312 = tpu.memref_squeeze %dma_start3A_311 : memref<1x40xi32, #tpu.memory_space<vmem>> -> memref<40xi32, #tpu.memory_space<vmem>>
      %dma_start3A_313 = arith.constant 0 : i32
      %dma_start3A_314 = arith.constant 0 : i32
      %dma_start3A_315 = tpu.memref_slice %arg11[%dma_start3A_313, %dma_start3A_314] : memref<10240x128xf32, #tpu.memory_space<vmem_shared>> -> memref<10240x128xf32, #tpu.memory_space<vmem_shared>>
      tpu.enqueue_indirect_dma source(%dma_start3A_309 : memref<40x128xf32, #tpu.memory_space<vmem>>) target(%dma_start3A_315 : memref<10240x128xf32, #tpu.memory_space<vmem_shared>>) offsets(%dma_start3A_312 : memref<40xi32, #tpu.memory_space<vmem>>) semaphore(%arg22 : memref<!tpu.dma_semaphore, #tpu.memory_space<semaphore_mem>>) {add = true}
      %dma_wait3A_316 = arith.constant 0 : i32
      %dma_wait3A_317 = arith.constant 0 : i32
      %dma_wait3A_318 = arith.constant 0 : i32
      %dma_wait3A_319 = arith.constant 0 : i32
      %dma_wait3A_320 = tpu.memref_slice %arg10[%dma_wait3A_316, %dma_wait3A_318, %dma_wait3A_319] : memref<5x40x128xf32, #tpu.memory_space<vmem>> -> memref<1x40x128xf32, #tpu.memory_space<vmem>>
      %dma_wait3A_321 = tpu.memref_squeeze %dma_wait3A_320 : memref<1x40x128xf32, #tpu.memory_space<vmem>> -> memref<40x128xf32, #tpu.memory_space<vmem>>
      %dma_wait3A_322 = arith.constant 0 : i32
      %dma_wait3A_323 = tpu.memref_slice %arg9[%dma_wait3A_317, %dma_wait3A_322] : memref<10x40xi32, #tpu.memory_space<vmem>> -> memref<1x40xi32, #tpu.memory_space<vmem>>
      %dma_wait3A_324 = tpu.memref_squeeze %dma_wait3A_323 : memref<1x40xi32, #tpu.memory_space<vmem>> -> memref<40xi32, #tpu.memory_space<vmem>>
      %dma_wait3A_325 = arith.constant 0 : i32
      %dma_wait3A_326 = arith.constant 0 : i32
      %dma_wait3A_327 = tpu.memref_slice %arg11[%dma_wait3A_325, %dma_wait3A_326] : memref<10240x128xf32, #tpu.memory_space<vmem_shared>> -> memref<10240x128xf32, #tpu.memory_space<vmem_shared>>
      tpu.wait_indirect_dma semaphore(%arg18 : memref<!tpu.dma_semaphore, #tpu.memory_space<semaphore_mem>>) src(%dma_wait3A_321 : memref<40x128xf32, #tpu.memory_space<vmem>>) dst(%dma_wait3A_327 : memref<10240x128xf32, #tpu.memory_space<vmem_shared>>)
      %dma_wait3A_328 = arith.constant 1 : i32
      %dma_wait3A_329 = arith.constant 1 : i32
      %dma_wait3A_330 = arith.constant 0 : i32
      %dma_wait3A_331 = arith.constant 0 : i32
      %dma_wait3A_332 = tpu.memref_slice %arg10[%dma_wait3A_328, %dma_wait3A_330, %dma_wait3A_331] : memref<5x40x128xf32, #tpu.memory_space<vmem>> -> memref<1x40x128xf32, #tpu.memory_space<vmem>>
      %dma_wait3A_333 = tpu.memref_squeeze %dma_wait3A_332 : memref<1x40x128xf32, #tpu.memory_space<vmem>> -> memref<40x128xf32, #tpu.memory_space<vmem>>
      %dma_wait3A_334 = arith.constant 0 : i32
      %dma_wait3A_335 = tpu.memref_slice %arg9[%dma_wait3A_329, %dma_wait3A_334] : memref<10x40xi32, #tpu.memory_space<vmem>> -> memref<1x40xi32, #tpu.memory_space<vmem>>
      %dma_wait3A_336 = tpu.memref_squeeze %dma_wait3A_335 : memref<1x40xi32, #tpu.memory_space<vmem>> -> memref<40xi32, #tpu.memory_space<vmem>>
      %dma_wait3A_337 = arith.constant 0 : i32
      %dma_wait3A_338 = arith.constant 0 : i32
      %dma_wait3A_339 = tpu.memref_slice %arg11[%dma_wait3A_337, %dma_wait3A_338] : memref<10240x128xf32, #tpu.memory_space<vmem_shared>> -> memref<10240x128xf32, #tpu.memory_space<vmem_shared>>
      tpu.wait_indirect_dma semaphore(%arg19 : memref<!tpu.dma_semaphore, #tpu.memory_space<semaphore_mem>>) src(%dma_wait3A_333 : memref<40x128xf32, #tpu.memory_space<vmem>>) dst(%dma_wait3A_339 : memref<10240x128xf32, #tpu.memory_space<vmem_shared>>)
      %dma_wait3A_340 = arith.constant 2 : i32
      %dma_wait3A_341 = arith.constant 2 : i32
      %dma_wait3A_342 = arith.constant 0 : i32
      %dma_wait3A_343 = arith.constant 0 : i32
      %dma_wait3A_344 = tpu.memref_slice %arg10[%dma_wait3A_340, %dma_wait3A_342, %dma_wait3A_343] : memref<5x40x128xf32, #tpu.memory_space<vmem>> -> memref<1x40x128xf32, #tpu.memory_space<vmem>>
      %dma_wait3A_345 = tpu.memref_squeeze %dma_wait3A_344 : memref<1x40x128xf32, #tpu.memory_space<vmem>> -> memref<40x128xf32, #tpu.memory_space<vmem>>
      %dma_wait3A_346 = arith.constant 0 : i32
      %dma_wait3A_347 = tpu.memref_slice %arg9[%dma_wait3A_341, %dma_wait3A_346] : memref<10x40xi32, #tpu.memory_space<vmem>> -> memref<1x40xi32, #tpu.memory_space<vmem>>
      %dma_wait3A_348 = tpu.memref_squeeze %dma_wait3A_347 : memref<1x40xi32, #tpu.memory_space<vmem>> -> memref<40xi32, #tpu.memory_space<vmem>>
      %dma_wait3A_349 = arith.constant 0 : i32
      %dma_wait3A_350 = arith.constant 0 : i32
      %dma_wait3A_351 = tpu.memref_slice %arg11[%dma_wait3A_349, %dma_wait3A_350] : memref<10240x128xf32, #tpu.memory_space<vmem_shared>> -> memref<10240x128xf32, #tpu.memory_space<vmem_shared>>
      tpu.wait_indirect_dma semaphore(%arg20 : memref<!tpu.dma_semaphore, #tpu.memory_space<semaphore_mem>>) src(%dma_wait3A_345 : memref<40x128xf32, #tpu.memory_space<vmem>>) dst(%dma_wait3A_351 : memref<10240x128xf32, #tpu.memory_space<vmem_shared>>)
      %dma_wait3A_352 = arith.constant 3 : i32
      %dma_wait3A_353 = arith.constant 3 : i32
      %dma_wait3A_354 = arith.constant 0 : i32
      %dma_wait3A_355 = arith.constant 0 : i32
      %dma_wait3A_356 = tpu.memref_slice %arg10[%dma_wait3A_352, %dma_wait3A_354, %dma_wait3A_355] : memref<5x40x128xf32, #tpu.memory_space<vmem>> -> memref<1x40x128xf32, #tpu.memory_space<vmem>>
      %dma_wait3A_357 = tpu.memref_squeeze %dma_wait3A_356 : memref<1x40x128xf32, #tpu.memory_space<vmem>> -> memref<40x128xf32, #tpu.memory_space<vmem>>
      %dma_wait3A_358 = arith.constant 0 : i32
      %dma_wait3A_359 = tpu.memref_slice %arg9[%dma_wait3A_353, %dma_wait3A_358] : memref<10x40xi32, #tpu.memory_space<vmem>> -> memref<1x40xi32, #tpu.memory_space<vmem>>
      %dma_wait3A_360 = tpu.memref_squeeze %dma_wait3A_359 : memref<1x40xi32, #tpu.memory_space<vmem>> -> memref<40xi32, #tpu.memory_space<vmem>>
      %dma_wait3A_361 = arith.constant 0 : i32
      %dma_wait3A_362 = arith.constant 0 : i32
      %dma_wait3A_363 = tpu.memref_slice %arg11[%dma_wait3A_361, %dma_wait3A_362] : memref<10240x128xf32, #tpu.memory_space<vmem_shared>> -> memref<10240x128xf32, #tpu.memory_space<vmem_shared>>
      tpu.wait_indirect_dma semaphore(%arg21 : memref<!tpu.dma_semaphore, #tpu.memory_space<semaphore_mem>>) src(%dma_wait3A_357 : memref<40x128xf32, #tpu.memory_space<vmem>>) dst(%dma_wait3A_363 : memref<10240x128xf32, #tpu.memory_space<vmem_shared>>)
      %dma_wait3A_364 = arith.constant 4 : i32
      %dma_wait3A_365 = arith.constant 4 : i32
      %dma_wait3A_366 = arith.constant 0 : i32
      %dma_wait3A_367 = arith.constant 0 : i32
      %dma_wait3A_368 = tpu.memref_slice %arg10[%dma_wait3A_364, %dma_wait3A_366, %dma_wait3A_367] : memref<5x40x128xf32, #tpu.memory_space<vmem>> -> memref<1x40x128xf32, #tpu.memory_space<vmem>>
      %dma_wait3A_369 = tpu.memref_squeeze %dma_wait3A_368 : memref<1x40x128xf32, #tpu.memory_space<vmem>> -> memref<40x128xf32, #tpu.memory_space<vmem>>
      %dma_wait3A_370 = arith.constant 0 : i32
      %dma_wait3A_371 = tpu.memref_slice %arg9[%dma_wait3A_365, %dma_wait3A_370] : memref<10x40xi32, #tpu.memory_space<vmem>> -> memref<1x40xi32, #tpu.memory_space<vmem>>
      %dma_wait3A_372 = tpu.memref_squeeze %dma_wait3A_371 : memref<1x40xi32, #tpu.memory_space<vmem>> -> memref<40xi32, #tpu.memory_space<vmem>>
      %dma_wait3A_373 = arith.constant 0 : i32
      %dma_wait3A_374 = arith.constant 0 : i32
      %dma_wait3A_375 = tpu.memref_slice %arg11[%dma_wait3A_373, %dma_wait3A_374] : memref<10240x128xf32, #tpu.memory_space<vmem_shared>> -> memref<10240x128xf32, #tpu.memory_space<vmem_shared>>
      tpu.wait_indirect_dma semaphore(%arg22 : memref<!tpu.dma_semaphore, #tpu.memory_space<semaphore_mem>>) src(%dma_wait3A_369 : memref<40x128xf32, #tpu.memory_space<vmem>>) dst(%dma_wait3A_375 : memref<10240x128xf32, #tpu.memory_space<vmem_shared>>)
      %mul3A_376 = arith.constant 2 : i32
      %mul3A_377 = arith.muli %mul3A_376, %scan3A_43 : i32
      %add3A_378 = arith.constant 1 : i32
      %add3A_379 = arith.addi %mul3A_377, %add3A_378 : i32
      %dma_wait3A_380 = arith.constant 0 : i32
      %dma_wait3A_381 = arith.constant 5 : i32
      %dma_wait3A_382 = arith.constant 0 : i32
      %dma_wait3A_383 = tpu.memref_slice %arg8[%dma_wait3A_381, %dma_wait3A_382] : memref<10x40xi32, #tpu.memory_space<vmem>> -> memref<5x40xi32, #tpu.memory_space<vmem>>
      %dma_wait3A_384 = arith.constant 0 : i32
      %dma_wait3A_385 = arith.constant 0 : i32
      %dma_wait3A_386 = tpu.memref_slice %arg3[%dma_wait3A_380, %add3A, %add3A_379, %dma_wait3A_384, %dma_wait3A_385] : memref<2x32x50x5x40xi32, #tpu.memory_space<hbm>> -> memref<1x1x1x5x40xi32, #tpu.memory_space<hbm>>
      %dma_wait3A_387 = tpu.memref_squeeze %dma_wait3A_386 : memref<1x1x1x5x40xi32, #tpu.memory_space<hbm>> -> memref<5x40xi32, #tpu.memory_space<hbm>>
      %dma_wait3A_388 = arith.constant 5 : i32
      %dma_wait3A_389 = arith.constant 0 : i32
      %dma_wait3A_390 = tpu.memref_slice %arg8[%dma_wait3A_388, %dma_wait3A_389] : memref<10x40xi32, #tpu.memory_space<vmem>> -> memref<5x40xi32, #tpu.memory_space<vmem>>
      %dma_wait3A_391 = arith.constant 0 : i32
      %dma_wait3A_392 = arith.constant 0 : i32
      %dma_wait3A_393 = tpu.memref_slice %arg3[%dma_wait3A_380, %add3A, %add3A_379, %dma_wait3A_391, %dma_wait3A_392] : memref<2x32x50x5x40xi32, #tpu.memory_space<hbm>> -> memref<1x1x1x5x40xi32, #tpu.memory_space<hbm>>
      %dma_wait3A_394 = tpu.memref_squeeze %dma_wait3A_393 : memref<1x1x1x5x40xi32, #tpu.memory_space<hbm>> -> memref<5x40xi32, #tpu.memory_space<hbm>>
      tpu.wait_dma2 semaphore(%arg12 : memref<!tpu.dma_semaphore, #tpu.memory_space<semaphore_mem>>) src(%dma_wait3A_394 : memref<5x40xi32, #tpu.memory_space<hbm>>) dst(%dma_wait3A_390 : memref<5x40xi32, #tpu.memory_space<vmem>>)
      %dma_wait3A_395 = arith.constant 1 : i32
      %dma_wait3A_396 = arith.constant 5 : i32
      %dma_wait3A_397 = arith.constant 0 : i32
      %dma_wait3A_398 = tpu.memref_slice %arg9[%dma_wait3A_396, %dma_wait3A_397] : memref<10x40xi32, #tpu.memory_space<vmem>> -> memref<5x40xi32, #tpu.memory_space<vmem>>
      %dma_wait3A_399 = arith.constant 0 : i32
      %dma_wait3A_400 = arith.constant 0 : i32
      %dma_wait3A_401 = tpu.memref_slice %arg3[%dma_wait3A_395, %add3A, %add3A_379, %dma_wait3A_399, %dma_wait3A_400] : memref<2x32x50x5x40xi32, #tpu.memory_space<hbm>> -> memref<1x1x1x5x40xi32, #tpu.memory_space<hbm>>
      %dma_wait3A_402 = tpu.memref_squeeze %dma_wait3A_401 : memref<1x1x1x5x40xi32, #tpu.memory_space<hbm>> -> memref<5x40xi32, #tpu.memory_space<hbm>>
      %dma_wait3A_403 = arith.constant 5 : i32
      %dma_wait3A_404 = arith.constant 0 : i32
      %dma_wait3A_405 = tpu.memref_slice %arg9[%dma_wait3A_403, %dma_wait3A_404] : memref<10x40xi32, #tpu.memory_space<vmem>> -> memref<5x40xi32, #tpu.memory_space<vmem>>
      %dma_wait3A_406 = arith.constant 0 : i32
      %dma_wait3A_407 = arith.constant 0 : i32
      %dma_wait3A_408 = tpu.memref_slice %arg3[%dma_wait3A_395, %add3A, %add3A_379, %dma_wait3A_406, %dma_wait3A_407] : memref<2x32x50x5x40xi32, #tpu.memory_space<hbm>> -> memref<1x1x1x5x40xi32, #tpu.memory_space<hbm>>
      %dma_wait3A_409 = tpu.memref_squeeze %dma_wait3A_408 : memref<1x1x1x5x40xi32, #tpu.memory_space<hbm>> -> memref<5x40xi32, #tpu.memory_space<hbm>>
      tpu.wait_dma2 semaphore(%arg12 : memref<!tpu.dma_semaphore, #tpu.memory_space<semaphore_mem>>) src(%dma_wait3A_409 : memref<5x40xi32, #tpu.memory_space<hbm>>) dst(%dma_wait3A_405 : memref<5x40xi32, #tpu.memory_space<vmem>>)
      %lt3A_410 = arith.constant 49 : i32
      %lt3A_411 = arith.cmpi slt, %add3A_379, %lt3A_410 : i32
      %convert_element_type3A_412 = arith.extui %lt3A_411 : i1 to i32
      %cond3A_413 = arith.constant 0 : i32
      %cond3A_414 = arith.cmpi ne, %convert_element_type3A_412, %cond3A_413 : i32
      scf.if %cond3A_414 {
        %add3A_715 = arith.constant 1 : i32
        %add3A_716 = arith.addi %add3A_379, %add3A_715 : i32
        %dma_start3A_717 = arith.constant 0 : i32
        %dma_start3A_718 = arith.constant 0 : i32
        %dma_start3A_719 = arith.constant 0 : i32
        %dma_start3A_720 = tpu.memref_slice %arg8[%dma_start3A_718, %dma_start3A_719] : memref<10x40xi32, #tpu.memory_space<vmem>> -> memref<5x40xi32, #tpu.memory_space<vmem>>
        %dma_start3A_721 = arith.constant 0 : i32
        %dma_start3A_722 = arith.constant 0 : i32
        %dma_start3A_723 = tpu.memref_slice %arg3[%dma_start3A_717, %add3A, %add3A_716, %dma_start3A_721, %dma_start3A_722] : memref<2x32x50x5x40xi32, #tpu.memory_space<hbm>> -> memref<1x1x1x5x40xi32, #tpu.memory_space<hbm>>
        %dma_start3A_724 = tpu.memref_squeeze %dma_start3A_723 : memref<1x1x1x5x40xi32, #tpu.memory_space<hbm>> -> memref<5x40xi32, #tpu.memory_space<hbm>>
        %dma_start3A_725 = arith.constant 0 : i32
        %dma_start3A_726 = arith.constant 0 : i32
        %dma_start3A_727 = tpu.memref_slice %arg8[%dma_start3A_725, %dma_start3A_726] : memref<10x40xi32, #tpu.memory_space<vmem>> -> memref<5x40xi32, #tpu.memory_space<vmem>>
        %dma_start3A_728 = arith.constant 0 : i32
        %dma_start3A_729 = arith.constant 0 : i32
        %dma_start3A_730 = tpu.memref_slice %arg3[%dma_start3A_717, %add3A, %add3A_716, %dma_start3A_728, %dma_start3A_729] : memref<2x32x50x5x40xi32, #tpu.memory_space<hbm>> -> memref<1x1x1x5x40xi32, #tpu.memory_space<hbm>>
        %dma_start3A_731 = tpu.memref_squeeze %dma_start3A_730 : memref<1x1x1x5x40xi32, #tpu.memory_space<hbm>> -> memref<5x40xi32, #tpu.memory_space<hbm>>
        tpu.enqueue_dma source(%dma_start3A_731 : memref<5x40xi32, #tpu.memory_space<hbm>>) target(%dma_start3A_727 : memref<5x40xi32, #tpu.memory_space<vmem>>) target_semaphore(%arg12 : memref<!tpu.dma_semaphore, #tpu.memory_space<semaphore_mem>>)
        %add3A_732 = arith.constant 1 : i32
        %add3A_733 = arith.addi %add3A_379, %add3A_732 : i32
        %dma_start3A_734 = arith.constant 1 : i32
        %dma_start3A_735 = arith.constant 0 : i32
        %dma_start3A_736 = arith.constant 0 : i32
        %dma_start3A_737 = tpu.memref_slice %arg9[%dma_start3A_735, %dma_start3A_736] : memref<10x40xi32, #tpu.memory_space<vmem>> -> memref<5x40xi32, #tpu.memory_space<vmem>>
        %dma_start3A_738 = arith.constant 0 : i32
        %dma_start3A_739 = arith.constant 0 : i32
        %dma_start3A_740 = tpu.memref_slice %arg3[%dma_start3A_734, %add3A, %add3A_733, %dma_start3A_738, %dma_start3A_739] : memref<2x32x50x5x40xi32, #tpu.memory_space<hbm>> -> memref<1x1x1x5x40xi32, #tpu.memory_space<hbm>>
        %dma_start3A_741 = tpu.memref_squeeze %dma_start3A_740 : memref<1x1x1x5x40xi32, #tpu.memory_space<hbm>> -> memref<5x40xi32, #tpu.memory_space<hbm>>
        %dma_start3A_742 = arith.constant 0 : i32
        %dma_start3A_743 = arith.constant 0 : i32
        %dma_start3A_744 = tpu.memref_slice %arg9[%dma_start3A_742, %dma_start3A_743] : memref<10x40xi32, #tpu.memory_space<vmem>> -> memref<5x40xi32, #tpu.memory_space<vmem>>
        %dma_start3A_745 = arith.constant 0 : i32
        %dma_start3A_746 = arith.constant 0 : i32
        %dma_start3A_747 = tpu.memref_slice %arg3[%dma_start3A_734, %add3A, %add3A_733, %dma_start3A_745, %dma_start3A_746] : memref<2x32x50x5x40xi32, #tpu.memory_space<hbm>> -> memref<1x1x1x5x40xi32, #tpu.memory_space<hbm>>
        %dma_start3A_748 = tpu.memref_squeeze %dma_start3A_747 : memref<1x1x1x5x40xi32, #tpu.memory_space<hbm>> -> memref<5x40xi32, #tpu.memory_space<hbm>>
        tpu.enqueue_dma source(%dma_start3A_748 : memref<5x40xi32, #tpu.memory_space<hbm>>) target(%dma_start3A_744 : memref<5x40xi32, #tpu.memory_space<vmem>>) target_semaphore(%arg12 : memref<!tpu.dma_semaphore, #tpu.memory_space<semaphore_mem>>)
      } else {
      }
      %dma_start3A_415 = arith.constant 5 : i32
      %dma_start3A_416 = arith.constant 0 : i32
      %dma_start3A_417 = arith.constant 0 : i32
      %dma_start3A_418 = arith.constant 0 : i32
      %dma_start3A_419 = tpu.memref_slice %arg10[%dma_start3A_416, %dma_start3A_417, %dma_start3A_418] : memref<5x40x128xf32, #tpu.memory_space<vmem>> -> memref<1x40x128xf32, #tpu.memory_space<vmem>>
      %dma_start3A_420 = tpu.memref_squeeze %dma_start3A_419 : memref<1x40x128xf32, #tpu.memory_space<vmem>> -> memref<40x128xf32, #tpu.memory_space<vmem>>
      %dma_start3A_421 = arith.constant 0 : i32
      %dma_start3A_422 = tpu.memref_slice %arg8[%dma_start3A_415, %dma_start3A_421] : memref<10x40xi32, #tpu.memory_space<vmem>> -> memref<1x40xi32, #tpu.memory_space<vmem>>
      %dma_start3A_423 = tpu.memref_squeeze %dma_start3A_422 : memref<1x40xi32, #tpu.memory_space<vmem>> -> memref<40xi32, #tpu.memory_space<vmem>>
      %dma_start3A_424 = arith.constant 0 : i32
      %dma_start3A_425 = arith.constant 0 : i32
      %dma_start3A_426 = tpu.memref_slice %arg2[%dma_start3A_424, %dma_start3A_425] : memref<10240x128xf32, #tpu.memory_space<hbm>> -> memref<10240x128xf32, #tpu.memory_space<hbm>>
      tpu.enqueue_indirect_dma source(%dma_start3A_426 : memref<10240x128xf32, #tpu.memory_space<hbm>>) target(%dma_start3A_420 : memref<40x128xf32, #tpu.memory_space<vmem>>) offsets(%dma_start3A_423 : memref<40xi32, #tpu.memory_space<vmem>>) semaphore(%arg13 : memref<!tpu.dma_semaphore, #tpu.memory_space<semaphore_mem>>)
      %dma_start3A_427 = arith.constant 6 : i32
      %dma_start3A_428 = arith.constant 1 : i32
      %dma_start3A_429 = arith.constant 0 : i32
      %dma_start3A_430 = arith.constant 0 : i32
      %dma_start3A_431 = tpu.memref_slice %arg10[%dma_start3A_428, %dma_start3A_429, %dma_start3A_430] : memref<5x40x128xf32, #tpu.memory_space<vmem>> -> memref<1x40x128xf32, #tpu.memory_space<vmem>>
      %dma_start3A_432 = tpu.memref_squeeze %dma_start3A_431 : memref<1x40x128xf32, #tpu.memory_space<vmem>> -> memref<40x128xf32, #tpu.memory_space<vmem>>
      %dma_start3A_433 = arith.constant 0 : i32
      %dma_start3A_434 = tpu.memref_slice %arg8[%dma_start3A_427, %dma_start3A_433] : memref<10x40xi32, #tpu.memory_space<vmem>> -> memref<1x40xi32, #tpu.memory_space<vmem>>
      %dma_start3A_435 = tpu.memref_squeeze %dma_start3A_434 : memref<1x40xi32, #tpu.memory_space<vmem>> -> memref<40xi32, #tpu.memory_space<vmem>>
      %dma_start3A_436 = arith.constant 0 : i32
      %dma_start3A_437 = arith.constant 0 : i32
      %dma_start3A_438 = tpu.memref_slice %arg2[%dma_start3A_436, %dma_start3A_437] : memref<10240x128xf32, #tpu.memory_space<hbm>> -> memref<10240x128xf32, #tpu.memory_space<hbm>>
      tpu.enqueue_indirect_dma source(%dma_start3A_438 : memref<10240x128xf32, #tpu.memory_space<hbm>>) target(%dma_start3A_432 : memref<40x128xf32, #tpu.memory_space<vmem>>) offsets(%dma_start3A_435 : memref<40xi32, #tpu.memory_space<vmem>>) semaphore(%arg14 : memref<!tpu.dma_semaphore, #tpu.memory_space<semaphore_mem>>)
      %dma_start3A_439 = arith.constant 7 : i32
      %dma_start3A_440 = arith.constant 2 : i32
      %dma_start3A_441 = arith.constant 0 : i32
      %dma_start3A_442 = arith.constant 0 : i32
      %dma_start3A_443 = tpu.memref_slice %arg10[%dma_start3A_440, %dma_start3A_441, %dma_start3A_442] : memref<5x40x128xf32, #tpu.memory_space<vmem>> -> memref<1x40x128xf32, #tpu.memory_space<vmem>>
      %dma_start3A_444 = tpu.memref_squeeze %dma_start3A_443 : memref<1x40x128xf32, #tpu.memory_space<vmem>> -> memref<40x128xf32, #tpu.memory_space<vmem>>
      %dma_start3A_445 = arith.constant 0 : i32
      %dma_start3A_446 = tpu.memref_slice %arg8[%dma_start3A_439, %dma_start3A_445] : memref<10x40xi32, #tpu.memory_space<vmem>> -> memref<1x40xi32, #tpu.memory_space<vmem>>
      %dma_start3A_447 = tpu.memref_squeeze %dma_start3A_446 : memref<1x40xi32, #tpu.memory_space<vmem>> -> memref<40xi32, #tpu.memory_space<vmem>>
      %dma_start3A_448 = arith.constant 0 : i32
      %dma_start3A_449 = arith.constant 0 : i32
      %dma_start3A_450 = tpu.memref_slice %arg2[%dma_start3A_448, %dma_start3A_449] : memref<10240x128xf32, #tpu.memory_space<hbm>> -> memref<10240x128xf32, #tpu.memory_space<hbm>>
      tpu.enqueue_indirect_dma source(%dma_start3A_450 : memref<10240x128xf32, #tpu.memory_space<hbm>>) target(%dma_start3A_444 : memref<40x128xf32, #tpu.memory_space<vmem>>) offsets(%dma_start3A_447 : memref<40xi32, #tpu.memory_space<vmem>>) semaphore(%arg15 : memref<!tpu.dma_semaphore, #tpu.memory_space<semaphore_mem>>)
      %dma_start3A_451 = arith.constant 8 : i32
      %dma_start3A_452 = arith.constant 3 : i32
      %dma_start3A_453 = arith.constant 0 : i32
      %dma_start3A_454 = arith.constant 0 : i32
      %dma_start3A_455 = tpu.memref_slice %arg10[%dma_start3A_452, %dma_start3A_453, %dma_start3A_454] : memref<5x40x128xf32, #tpu.memory_space<vmem>> -> memref<1x40x128xf32, #tpu.memory_space<vmem>>
      %dma_start3A_456 = tpu.memref_squeeze %dma_start3A_455 : memref<1x40x128xf32, #tpu.memory_space<vmem>> -> memref<40x128xf32, #tpu.memory_space<vmem>>
      %dma_start3A_457 = arith.constant 0 : i32
      %dma_start3A_458 = tpu.memref_slice %arg8[%dma_start3A_451, %dma_start3A_457] : memref<10x40xi32, #tpu.memory_space<vmem>> -> memref<1x40xi32, #tpu.memory_space<vmem>>
      %dma_start3A_459 = tpu.memref_squeeze %dma_start3A_458 : memref<1x40xi32, #tpu.memory_space<vmem>> -> memref<40xi32, #tpu.memory_space<vmem>>
      %dma_start3A_460 = arith.constant 0 : i32
      %dma_start3A_461 = arith.constant 0 : i32
      %dma_start3A_462 = tpu.memref_slice %arg2[%dma_start3A_460, %dma_start3A_461] : memref<10240x128xf32, #tpu.memory_space<hbm>> -> memref<10240x128xf32, #tpu.memory_space<hbm>>
      tpu.enqueue_indirect_dma source(%dma_start3A_462 : memref<10240x128xf32, #tpu.memory_space<hbm>>) target(%dma_start3A_456 : memref<40x128xf32, #tpu.memory_space<vmem>>) offsets(%dma_start3A_459 : memref<40xi32, #tpu.memory_space<vmem>>) semaphore(%arg16 : memref<!tpu.dma_semaphore, #tpu.memory_space<semaphore_mem>>)
      %dma_start3A_463 = arith.constant 9 : i32
      %dma_start3A_464 = arith.constant 4 : i32
      %dma_start3A_465 = arith.constant 0 : i32
      %dma_start3A_466 = arith.constant 0 : i32
      %dma_start3A_467 = tpu.memref_slice %arg10[%dma_start3A_464, %dma_start3A_465, %dma_start3A_466] : memref<5x40x128xf32, #tpu.memory_space<vmem>> -> memref<1x40x128xf32, #tpu.memory_space<vmem>>
      %dma_start3A_468 = tpu.memref_squeeze %dma_start3A_467 : memref<1x40x128xf32, #tpu.memory_space<vmem>> -> memref<40x128xf32, #tpu.memory_space<vmem>>
      %dma_start3A_469 = arith.constant 0 : i32
      %dma_start3A_470 = tpu.memref_slice %arg8[%dma_start3A_463, %dma_start3A_469] : memref<10x40xi32, #tpu.memory_space<vmem>> -> memref<1x40xi32, #tpu.memory_space<vmem>>
      %dma_start3A_471 = tpu.memref_squeeze %dma_start3A_470 : memref<1x40xi32, #tpu.memory_space<vmem>> -> memref<40xi32, #tpu.memory_space<vmem>>
      %dma_start3A_472 = arith.constant 0 : i32
      %dma_start3A_473 = arith.constant 0 : i32
      %dma_start3A_474 = tpu.memref_slice %arg2[%dma_start3A_472, %dma_start3A_473] : memref<10240x128xf32, #tpu.memory_space<hbm>> -> memref<10240x128xf32, #tpu.memory_space<hbm>>
      tpu.enqueue_indirect_dma source(%dma_start3A_474 : memref<10240x128xf32, #tpu.memory_space<hbm>>) target(%dma_start3A_468 : memref<40x128xf32, #tpu.memory_space<vmem>>) offsets(%dma_start3A_471 : memref<40xi32, #tpu.memory_space<vmem>>) semaphore(%arg17 : memref<!tpu.dma_semaphore, #tpu.memory_space<semaphore_mem>>)
      %get3A_475 = arith.constant 5 : i32
      %get3A_476 = arith.index_cast %get3A_475 : i32 to index
      %get3A_477 = arith.constant 0 : index
      %get3A_478 = tpu.vector_load %arg9[%get3A_476, %get3A_477] {strides = array<i32>} : memref<10x40xi32, #tpu.memory_space<vmem>>, vector<16xi32>,
      tpu.vector_store_idx %arg23[%get3A_478], %broadcast_in_dim3A_34 {add = true} : memref<10240xf32, #tpu.memory_space<vmem>>[vector<16xi32>], vector<16xf32>,
      %get3A_479 = arith.constant 5 : i32
      %get3A_480 = arith.index_cast %get3A_479 : i32 to index
      %get3A_481 = arith.constant 16 : index
      %get3A_482 = tpu.vector_load %arg9[%get3A_480, %get3A_481] {strides = array<i32>} : memref<10x40xi32, #tpu.memory_space<vmem>>, vector<16xi32>,
      tpu.vector_store_idx %arg23[%get3A_482], %broadcast_in_dim3A_34 {add = true} : memref<10240xf32, #tpu.memory_space<vmem>>[vector<16xi32>], vector<16xf32>,
      %get3A_483 = arith.constant 5 : i32
      %get3A_484 = arith.index_cast %get3A_483 : i32 to index
      %get3A_485 = arith.constant 24 : index
      %get3A_486 = tpu.vector_load %arg9[%get3A_484, %get3A_485] {strides = array<i32>} : memref<10x40xi32, #tpu.memory_space<vmem>>, vector<16xi32>,
      tpu.vector_store_idx %arg23[%get3A_486], %broadcast_in_dim3A_34 masked %ge3A_36 {add = true} : memref<10240xf32, #tpu.memory_space<vmem>>[vector<16xi32>], vector<16xf32>, vector<16xi1>
      %get3A_487 = arith.constant 6 : i32
      %get3A_488 = arith.index_cast %get3A_487 : i32 to index
      %get3A_489 = arith.constant 0 : index
      %get3A_490 = tpu.vector_load %arg9[%get3A_488, %get3A_489] {strides = array<i32>} : memref<10x40xi32, #tpu.memory_space<vmem>>, vector<16xi32>,
      tpu.vector_store_idx %arg23[%get3A_490], %broadcast_in_dim3A_34 {add = true} : memref<10240xf32, #tpu.memory_space<vmem>>[vector<16xi32>], vector<16xf32>,
      %get3A_491 = arith.constant 6 : i32
      %get3A_492 = arith.index_cast %get3A_491 : i32 to index
      %get3A_493 = arith.constant 16 : index
      %get3A_494 = tpu.vector_load %arg9[%get3A_492, %get3A_493] {strides = array<i32>} : memref<10x40xi32, #tpu.memory_space<vmem>>, vector<16xi32>,
      tpu.vector_store_idx %arg23[%get3A_494], %broadcast_in_dim3A_34 {add = true} : memref<10240xf32, #tpu.memory_space<vmem>>[vector<16xi32>], vector<16xf32>,
      %get3A_495 = arith.constant 6 : i32
      %get3A_496 = arith.index_cast %get3A_495 : i32 to index
      %get3A_497 = arith.constant 24 : index
      %get3A_498 = tpu.vector_load %arg9[%get3A_496, %get3A_497] {strides = array<i32>} : memref<10x40xi32, #tpu.memory_space<vmem>>, vector<16xi32>,
      tpu.vector_store_idx %arg23[%get3A_498], %broadcast_in_dim3A_34 masked %ge3A_36 {add = true} : memref<10240xf32, #tpu.memory_space<vmem>>[vector<16xi32>], vector<16xf32>, vector<16xi1>
      %get3A_499 = arith.constant 7 : i32
      %get3A_500 = arith.index_cast %get3A_499 : i32 to index
      %get3A_501 = arith.constant 0 : index
      %get3A_502 = tpu.vector_load %arg9[%get3A_500, %get3A_501] {strides = array<i32>} : memref<10x40xi32, #tpu.memory_space<vmem>>, vector<16xi32>,
      tpu.vector_store_idx %arg23[%get3A_502], %broadcast_in_dim3A_34 {add = true} : memref<10240xf32, #tpu.memory_space<vmem>>[vector<16xi32>], vector<16xf32>,
      %get3A_503 = arith.constant 7 : i32
      %get3A_504 = arith.index_cast %get3A_503 : i32 to index
      %get3A_505 = arith.constant 16 : index
      %get3A_506 = tpu.vector_load %arg9[%get3A_504, %get3A_505] {strides = array<i32>} : memref<10x40xi32, #tpu.memory_space<vmem>>, vector<16xi32>,
      tpu.vector_store_idx %arg23[%get3A_506], %broadcast_in_dim3A_34 {add = true} : memref<10240xf32, #tpu.memory_space<vmem>>[vector<16xi32>], vector<16xf32>,
      %get3A_507 = arith.constant 7 : i32
      %get3A_508 = arith.index_cast %get3A_507 : i32 to index
      %get3A_509 = arith.constant 24 : index
      %get3A_510 = tpu.vector_load %arg9[%get3A_508, %get3A_509] {strides = array<i32>} : memref<10x40xi32, #tpu.memory_space<vmem>>, vector<16xi32>,
      tpu.vector_store_idx %arg23[%get3A_510], %broadcast_in_dim3A_34 masked %ge3A_36 {add = true} : memref<10240xf32, #tpu.memory_space<vmem>>[vector<16xi32>], vector<16xf32>, vector<16xi1>
      %get3A_511 = arith.constant 8 : i32
      %get3A_512 = arith.index_cast %get3A_511 : i32 to index
      %get3A_513 = arith.constant 0 : index
      %get3A_514 = tpu.vector_load %arg9[%get3A_512, %get3A_513] {strides = array<i32>} : memref<10x40xi32, #tpu.memory_space<vmem>>, vector<16xi32>,
      tpu.vector_store_idx %arg23[%get3A_514], %broadcast_in_dim3A_34 {add = true} : memref<10240xf32, #tpu.memory_space<vmem>>[vector<16xi32>], vector<16xf32>,
      %get3A_515 = arith.constant 8 : i32
      %get3A_516 = arith.index_cast %get3A_515 : i32 to index
      %get3A_517 = arith.constant 16 : index
      %get3A_518 = tpu.vector_load %arg9[%get3A_516, %get3A_517] {strides = array<i32>} : memref<10x40xi32, #tpu.memory_space<vmem>>, vector<16xi32>,
      tpu.vector_store_idx %arg23[%get3A_518], %broadcast_in_dim3A_34 {add = true} : memref<10240xf32, #tpu.memory_space<vmem>>[vector<16xi32>], vector<16xf32>,
      %get3A_519 = arith.constant 8 : i32
      %get3A_520 = arith.index_cast %get3A_519 : i32 to index
      %get3A_521 = arith.constant 24 : index
      %get3A_522 = tpu.vector_load %arg9[%get3A_520, %get3A_521] {strides = array<i32>} : memref<10x40xi32, #tpu.memory_space<vmem>>, vector<16xi32>,
      tpu.vector_store_idx %arg23[%get3A_522], %broadcast_in_dim3A_34 masked %ge3A_36 {add = true} : memref<10240xf32, #tpu.memory_space<vmem>>[vector<16xi32>], vector<16xf32>, vector<16xi1>
      %get3A_523 = arith.constant 9 : i32
      %get3A_524 = arith.index_cast %get3A_523 : i32 to index
      %get3A_525 = arith.constant 0 : index
      %get3A_526 = tpu.vector_load %arg9[%get3A_524, %get3A_525] {strides = array<i32>} : memref<10x40xi32, #tpu.memory_space<vmem>>, vector<16xi32>,
      tpu.vector_store_idx %arg23[%get3A_526], %broadcast_in_dim3A_34 {add = true} : memref<10240xf32, #tpu.memory_space<vmem>>[vector<16xi32>], vector<16xf32>,
      %get3A_527 = arith.constant 9 : i32
      %get3A_528 = arith.index_cast %get3A_527 : i32 to index
      %get3A_529 = arith.constant 16 : index
      %get3A_530 = tpu.vector_load %arg9[%get3A_528, %get3A_529] {strides = array<i32>} : memref<10x40xi32, #tpu.memory_space<vmem>>, vector<16xi32>,
      tpu.vector_store_idx %arg23[%get3A_530], %broadcast_in_dim3A_34 {add = true} : memref<10240xf32, #tpu.memory_space<vmem>>[vector<16xi32>], vector<16xf32>,
      %get3A_531 = arith.constant 9 : i32
      %get3A_532 = arith.index_cast %get3A_531 : i32 to index
      %get3A_533 = arith.constant 24 : index
      %get3A_534 = tpu.vector_load %arg9[%get3A_532, %get3A_533] {strides = array<i32>} : memref<10x40xi32, #tpu.memory_space<vmem>>, vector<16xi32>,
      tpu.vector_store_idx %arg23[%get3A_534], %broadcast_in_dim3A_34 masked %ge3A_36 {add = true} : memref<10240xf32, #tpu.memory_space<vmem>>[vector<16xi32>], vector<16xf32>, vector<16xi1>
      %dma_wait3A_535 = arith.constant 5 : i32
      %dma_wait3A_536 = arith.constant 0 : i32
      %dma_wait3A_537 = arith.constant 0 : i32
      %dma_wait3A_538 = arith.constant 0 : i32
      %dma_wait3A_539 = tpu.memref_slice %arg10[%dma_wait3A_536, %dma_wait3A_537, %dma_wait3A_538] : memref<5x40x128xf32, #tpu.memory_space<vmem>> -> memref<1x40x128xf32, #tpu.memory_space<vmem>>
      %dma_wait3A_540 = tpu.memref_squeeze %dma_wait3A_539 : memref<1x40x128xf32, #tpu.memory_space<vmem>> -> memref<40x128xf32, #tpu.memory_space<vmem>>
      %dma_wait3A_541 = arith.constant 0 : i32
      %dma_wait3A_542 = tpu.memref_slice %arg8[%dma_wait3A_535, %dma_wait3A_541] : memref<10x40xi32, #tpu.memory_space<vmem>> -> memref<1x40xi32, #tpu.memory_space<vmem>>
      %dma_wait3A_543 = tpu.memref_squeeze %dma_wait3A_542 : memref<1x40xi32, #tpu.memory_space<vmem>> -> memref<40xi32, #tpu.memory_space<vmem>>
      %dma_wait3A_544 = arith.constant 0 : i32
      %dma_wait3A_545 = arith.constant 0 : i32
      %dma_wait3A_546 = tpu.memref_slice %arg2[%dma_wait3A_544, %dma_wait3A_545] : memref<10240x128xf32, #tpu.memory_space<hbm>> -> memref<10240x128xf32, #tpu.memory_space<hbm>>
      tpu.wait_indirect_dma semaphore(%arg13 : memref<!tpu.dma_semaphore, #tpu.memory_space<semaphore_mem>>) src(%dma_wait3A_546 : memref<10240x128xf32, #tpu.memory_space<hbm>>) dst(%dma_wait3A_540 : memref<40x128xf32, #tpu.memory_space<vmem>>)
      %dma_start3A_547 = arith.constant 0 : i32
      %dma_start3A_548 = arith.constant 5 : i32
      %dma_start3A_549 = arith.constant 0 : i32
      %dma_start3A_550 = arith.constant 0 : i32
      %dma_start3A_551 = tpu.memref_slice %arg10[%dma_start3A_547, %dma_start3A_549, %dma_start3A_550] : memref<5x40x128xf32, #tpu.memory_space<vmem>> -> memref<1x40x128xf32, #tpu.memory_space<vmem>>
      %dma_start3A_552 = tpu.memref_squeeze %dma_start3A_551 : memref<1x40x128xf32, #tpu.memory_space<vmem>> -> memref<40x128xf32, #tpu.memory_space<vmem>>
      %dma_start3A_553 = arith.constant 0 : i32
      %dma_start3A_554 = tpu.memref_slice %arg9[%dma_start3A_548, %dma_start3A_553] : memref<10x40xi32, #tpu.memory_space<vmem>> -> memref<1x40xi32, #tpu.memory_space<vmem>>
      %dma_start3A_555 = tpu.memref_squeeze %dma_start3A_554 : memref<1x40xi32, #tpu.memory_space<vmem>> -> memref<40xi32, #tpu.memory_space<vmem>>
      %dma_start3A_556 = arith.constant 0 : i32
      %dma_start3A_557 = arith.constant 0 : i32
      %dma_start3A_558 = tpu.memref_slice %arg11[%dma_start3A_556, %dma_start3A_557] : memref<10240x128xf32, #tpu.memory_space<vmem_shared>> -> memref<10240x128xf32, #tpu.memory_space<vmem_shared>>
      tpu.enqueue_indirect_dma source(%dma_start3A_552 : memref<40x128xf32, #tpu.memory_space<vmem>>) target(%dma_start3A_558 : memref<10240x128xf32, #tpu.memory_space<vmem_shared>>) offsets(%dma_start3A_555 : memref<40xi32, #tpu.memory_space<vmem>>) semaphore(%arg18 : memref<!tpu.dma_semaphore, #tpu.memory_space<semaphore_mem>>) {add = true}
      %dma_wait3A_559 = arith.constant 6 : i32
      %dma_wait3A_560 = arith.constant 1 : i32
      %dma_wait3A_561 = arith.constant 0 : i32
      %dma_wait3A_562 = arith.constant 0 : i32
      %dma_wait3A_563 = tpu.memref_slice %arg10[%dma_wait3A_560, %dma_wait3A_561, %dma_wait3A_562] : memref<5x40x128xf32, #tpu.memory_space<vmem>> -> memref<1x40x128xf32, #tpu.memory_space<vmem>>
      %dma_wait3A_564 = tpu.memref_squeeze %dma_wait3A_563 : memref<1x40x128xf32, #tpu.memory_space<vmem>> -> memref<40x128xf32, #tpu.memory_space<vmem>>
      %dma_wait3A_565 = arith.constant 0 : i32
      %dma_wait3A_566 = tpu.memref_slice %arg8[%dma_wait3A_559, %dma_wait3A_565] : memref<10x40xi32, #tpu.memory_space<vmem>> -> memref<1x40xi32, #tpu.memory_space<vmem>>
      %dma_wait3A_567 = tpu.memref_squeeze %dma_wait3A_566 : memref<1x40xi32, #tpu.memory_space<vmem>> -> memref<40xi32, #tpu.memory_space<vmem>>
      %dma_wait3A_568 = arith.constant 0 : i32
      %dma_wait3A_569 = arith.constant 0 : i32
      %dma_wait3A_570 = tpu.memref_slice %arg2[%dma_wait3A_568, %dma_wait3A_569] : memref<10240x128xf32, #tpu.memory_space<hbm>> -> memref<10240x128xf32, #tpu.memory_space<hbm>>
      tpu.wait_indirect_dma semaphore(%arg14 : memref<!tpu.dma_semaphore, #tpu.memory_space<semaphore_mem>>) src(%dma_wait3A_570 : memref<10240x128xf32, #tpu.memory_space<hbm>>) dst(%dma_wait3A_564 : memref<40x128xf32, #tpu.memory_space<vmem>>)
      %dma_start3A_571 = arith.constant 1 : i32
      %dma_start3A_572 = arith.constant 6 : i32
      %dma_start3A_573 = arith.constant 0 : i32
      %dma_start3A_574 = arith.constant 0 : i32
      %dma_start3A_575 = tpu.memref_slice %arg10[%dma_start3A_571, %dma_start3A_573, %dma_start3A_574] : memref<5x40x128xf32, #tpu.memory_space<vmem>> -> memref<1x40x128xf32, #tpu.memory_space<vmem>>
      %dma_start3A_576 = tpu.memref_squeeze %dma_start3A_575 : memref<1x40x128xf32, #tpu.memory_space<vmem>> -> memref<40x128xf32, #tpu.memory_space<vmem>>
      %dma_start3A_577 = arith.constant 0 : i32
      %dma_start3A_578 = tpu.memref_slice %arg9[%dma_start3A_572, %dma_start3A_577] : memref<10x40xi32, #tpu.memory_space<vmem>> -> memref<1x40xi32, #tpu.memory_space<vmem>>
      %dma_start3A_579 = tpu.memref_squeeze %dma_start3A_578 : memref<1x40xi32, #tpu.memory_space<vmem>> -> memref<40xi32, #tpu.memory_space<vmem>>
      %dma_start3A_580 = arith.constant 0 : i32
      %dma_start3A_581 = arith.constant 0 : i32
      %dma_start3A_582 = tpu.memref_slice %arg11[%dma_start3A_580, %dma_start3A_581] : memref<10240x128xf32, #tpu.memory_space<vmem_shared>> -> memref<10240x128xf32, #tpu.memory_space<vmem_shared>>
      tpu.enqueue_indirect_dma source(%dma_start3A_576 : memref<40x128xf32, #tpu.memory_space<vmem>>) target(%dma_start3A_582 : memref<10240x128xf32, #tpu.memory_space<vmem_shared>>) offsets(%dma_start3A_579 : memref<40xi32, #tpu.memory_space<vmem>>) semaphore(%arg19 : memref<!tpu.dma_semaphore, #tpu.memory_space<semaphore_mem>>) {add = true}
      %dma_wait3A_583 = arith.constant 7 : i32
      %dma_wait3A_584 = arith.constant 2 : i32
      %dma_wait3A_585 = arith.constant 0 : i32
      %dma_wait3A_586 = arith.constant 0 : i32
      %dma_wait3A_587 = tpu.memref_slice %arg10[%dma_wait3A_584, %dma_wait3A_585, %dma_wait3A_586] : memref<5x40x128xf32, #tpu.memory_space<vmem>> -> memref<1x40x128xf32, #tpu.memory_space<vmem>>
      %dma_wait3A_588 = tpu.memref_squeeze %dma_wait3A_587 : memref<1x40x128xf32, #tpu.memory_space<vmem>> -> memref<40x128xf32, #tpu.memory_space<vmem>>
      %dma_wait3A_589 = arith.constant 0 : i32
      %dma_wait3A_590 = tpu.memref_slice %arg8[%dma_wait3A_583, %dma_wait3A_589] : memref<10x40xi32, #tpu.memory_space<vmem>> -> memref<1x40xi32, #tpu.memory_space<vmem>>
      %dma_wait3A_591 = tpu.memref_squeeze %dma_wait3A_590 : memref<1x40xi32, #tpu.memory_space<vmem>> -> memref<40xi32, #tpu.memory_space<vmem>>
      %dma_wait3A_592 = arith.constant 0 : i32
      %dma_wait3A_593 = arith.constant 0 : i32
      %dma_wait3A_594 = tpu.memref_slice %arg2[%dma_wait3A_592, %dma_wait3A_593] : memref<10240x128xf32, #tpu.memory_space<hbm>> -> memref<10240x128xf32, #tpu.memory_space<hbm>>
      tpu.wait_indirect_dma semaphore(%arg15 : memref<!tpu.dma_semaphore, #tpu.memory_space<semaphore_mem>>) src(%dma_wait3A_594 : memref<10240x128xf32, #tpu.memory_space<hbm>>) dst(%dma_wait3A_588 : memref<40x128xf32, #tpu.memory_space<vmem>>)
      %dma_start3A_595 = arith.constant 2 : i32
      %dma_start3A_596 = arith.constant 7 : i32
      %dma_start3A_597 = arith.constant 0 : i32
      %dma_start3A_598 = arith.constant 0 : i32
      %dma_start3A_599 = tpu.memref_slice %arg10[%dma_start3A_595, %dma_start3A_597, %dma_start3A_598] : memref<5x40x128xf32, #tpu.memory_space<vmem>> -> memref<1x40x128xf32, #tpu.memory_space<vmem>>
      %dma_start3A_600 = tpu.memref_squeeze %dma_start3A_599 : memref<1x40x128xf32, #tpu.memory_space<vmem>> -> memref<40x128xf32, #tpu.memory_space<vmem>>
      %dma_start3A_601 = arith.constant 0 : i32
      %dma_start3A_602 = tpu.memref_slice %arg9[%dma_start3A_596, %dma_start3A_601] : memref<10x40xi32, #tpu.memory_space<vmem>> -> memref<1x40xi32, #tpu.memory_space<vmem>>
      %dma_start3A_603 = tpu.memref_squeeze %dma_start3A_602 : memref<1x40xi32, #tpu.memory_space<vmem>> -> memref<40xi32, #tpu.memory_space<vmem>>
      %dma_start3A_604 = arith.constant 0 : i32
      %dma_start3A_605 = arith.constant 0 : i32
      %dma_start3A_606 = tpu.memref_slice %arg11[%dma_start3A_604, %dma_start3A_605] : memref<10240x128xf32, #tpu.memory_space<vmem_shared>> -> memref<10240x128xf32, #tpu.memory_space<vmem_shared>>
      tpu.enqueue_indirect_dma source(%dma_start3A_600 : memref<40x128xf32, #tpu.memory_space<vmem>>) target(%dma_start3A_606 : memref<10240x128xf32, #tpu.memory_space<vmem_shared>>) offsets(%dma_start3A_603 : memref<40xi32, #tpu.memory_space<vmem>>) semaphore(%arg20 : memref<!tpu.dma_semaphore, #tpu.memory_space<semaphore_mem>>) {add = true}
      %dma_wait3A_607 = arith.constant 8 : i32
      %dma_wait3A_608 = arith.constant 3 : i32
      %dma_wait3A_609 = arith.constant 0 : i32
      %dma_wait3A_610 = arith.constant 0 : i32
      %dma_wait3A_611 = tpu.memref_slice %arg10[%dma_wait3A_608, %dma_wait3A_609, %dma_wait3A_610] : memref<5x40x128xf32, #tpu.memory_space<vmem>> -> memref<1x40x128xf32, #tpu.memory_space<vmem>>
      %dma_wait3A_612 = tpu.memref_squeeze %dma_wait3A_611 : memref<1x40x128xf32, #tpu.memory_space<vmem>> -> memref<40x128xf32, #tpu.memory_space<vmem>>
      %dma_wait3A_613 = arith.constant 0 : i32
      %dma_wait3A_614 = tpu.memref_slice %arg8[%dma_wait3A_607, %dma_wait3A_613] : memref<10x40xi32, #tpu.memory_space<vmem>> -> memref<1x40xi32, #tpu.memory_space<vmem>>
      %dma_wait3A_615 = tpu.memref_squeeze %dma_wait3A_614 : memref<1x40xi32, #tpu.memory_space<vmem>> -> memref<40xi32, #tpu.memory_space<vmem>>
      %dma_wait3A_616 = arith.constant 0 : i32
      %dma_wait3A_617 = arith.constant 0 : i32
      %dma_wait3A_618 = tpu.memref_slice %arg2[%dma_wait3A_616, %dma_wait3A_617] : memref<10240x128xf32, #tpu.memory_space<hbm>> -> memref<10240x128xf32, #tpu.memory_space<hbm>>
      tpu.wait_indirect_dma semaphore(%arg16 : memref<!tpu.dma_semaphore, #tpu.memory_space<semaphore_mem>>) src(%dma_wait3A_618 : memref<10240x128xf32, #tpu.memory_space<hbm>>) dst(%dma_wait3A_612 : memref<40x128xf32, #tpu.memory_space<vmem>>)
      %dma_start3A_619 = arith.constant 3 : i32
      %dma_start3A_620 = arith.constant 8 : i32
      %dma_start3A_621 = arith.constant 0 : i32
      %dma_start3A_622 = arith.constant 0 : i32
      %dma_start3A_623 = tpu.memref_slice %arg10[%dma_start3A_619, %dma_start3A_621, %dma_start3A_622] : memref<5x40x128xf32, #tpu.memory_space<vmem>> -> memref<1x40x128xf32, #tpu.memory_space<vmem>>
      %dma_start3A_624 = tpu.memref_squeeze %dma_start3A_623 : memref<1x40x128xf32, #tpu.memory_space<vmem>> -> memref<40x128xf32, #tpu.memory_space<vmem>>
      %dma_start3A_625 = arith.constant 0 : i32
      %dma_start3A_626 = tpu.memref_slice %arg9[%dma_start3A_620, %dma_start3A_625] : memref<10x40xi32, #tpu.memory_space<vmem>> -> memref<1x40xi32, #tpu.memory_space<vmem>>
      %dma_start3A_627 = tpu.memref_squeeze %dma_start3A_626 : memref<1x40xi32, #tpu.memory_space<vmem>> -> memref<40xi32, #tpu.memory_space<vmem>>
      %dma_start3A_628 = arith.constant 0 : i32
      %dma_start3A_629 = arith.constant 0 : i32
      %dma_start3A_630 = tpu.memref_slice %arg11[%dma_start3A_628, %dma_start3A_629] : memref<10240x128xf32, #tpu.memory_space<vmem_shared>> -> memref<10240x128xf32, #tpu.memory_space<vmem_shared>>
      tpu.enqueue_indirect_dma source(%dma_start3A_624 : memref<40x128xf32, #tpu.memory_space<vmem>>) target(%dma_start3A_630 : memref<10240x128xf32, #tpu.memory_space<vmem_shared>>) offsets(%dma_start3A_627 : memref<40xi32, #tpu.memory_space<vmem>>) semaphore(%arg21 : memref<!tpu.dma_semaphore, #tpu.memory_space<semaphore_mem>>) {add = true}
      %dma_wait3A_631 = arith.constant 9 : i32
      %dma_wait3A_632 = arith.constant 4 : i32
      %dma_wait3A_633 = arith.constant 0 : i32
      %dma_wait3A_634 = arith.constant 0 : i32
      %dma_wait3A_635 = tpu.memref_slice %arg10[%dma_wait3A_632, %dma_wait3A_633, %dma_wait3A_634] : memref<5x40x128xf32, #tpu.memory_space<vmem>> -> memref<1x40x128xf32, #tpu.memory_space<vmem>>
      %dma_wait3A_636 = tpu.memref_squeeze %dma_wait3A_635 : memref<1x40x128xf32, #tpu.memory_space<vmem>> -> memref<40x128xf32, #tpu.memory_space<vmem>>
      %dma_wait3A_637 = arith.constant 0 : i32
      %dma_wait3A_638 = tpu.memref_slice %arg8[%dma_wait3A_631, %dma_wait3A_637] : memref<10x40xi32, #tpu.memory_space<vmem>> -> memref<1x40xi32, #tpu.memory_space<vmem>>
      %dma_wait3A_639 = tpu.memref_squeeze %dma_wait3A_638 : memref<1x40xi32, #tpu.memory_space<vmem>> -> memref<40xi32, #tpu.memory_space<vmem>>
      %dma_wait3A_640 = arith.constant 0 : i32
      %dma_wait3A_641 = arith.constant 0 : i32
      %dma_wait3A_642 = tpu.memref_slice %arg2[%dma_wait3A_640, %dma_wait3A_641] : memref<10240x128xf32, #tpu.memory_space<hbm>> -> memref<10240x128xf32, #tpu.memory_space<hbm>>
      tpu.wait_indirect_dma semaphore(%arg17 : memref<!tpu.dma_semaphore, #tpu.memory_space<semaphore_mem>>) src(%dma_wait3A_642 : memref<10240x128xf32, #tpu.memory_space<hbm>>) dst(%dma_wait3A_636 : memref<40x128xf32, #tpu.memory_space<vmem>>)
      %dma_start3A_643 = arith.constant 4 : i32
      %dma_start3A_644 = arith.constant 9 : i32
      %dma_start3A_645 = arith.constant 0 : i32
      %dma_start3A_646 = arith.constant 0 : i32
      %dma_start3A_647 = tpu.memref_slice %arg10[%dma_start3A_643, %dma_start3A_645, %dma_start3A_646] : memref<5x40x128xf32, #tpu.memory_space<vmem>> -> memref<1x40x128xf32, #tpu.memory_space<vmem>>
      %dma_start3A_648 = tpu.memref_squeeze %dma_start3A_647 : memref<1x40x128xf32, #tpu.memory_space<vmem>> -> memref<40x128xf32, #tpu.memory_space<vmem>>
      %dma_start3A_649 = arith.constant 0 : i32
      %dma_start3A_650 = tpu.memref_slice %arg9[%dma_start3A_644, %dma_start3A_649] : memref<10x40xi32, #tpu.memory_space<vmem>> -> memref<1x40xi32, #tpu.memory_space<vmem>>
      %dma_start3A_651 = tpu.memref_squeeze %dma_start3A_650 : memref<1x40xi32, #tpu.memory_space<vmem>> -> memref<40xi32, #tpu.memory_space<vmem>>
      %dma_start3A_652 = arith.constant 0 : i32
      %dma_start3A_653 = arith.constant 0 : i32
      %dma_start3A_654 = tpu.memref_slice %arg11[%dma_start3A_652, %dma_start3A_653] : memref<10240x128xf32, #tpu.memory_space<vmem_shared>> -> memref<10240x128xf32, #tpu.memory_space<vmem_shared>>
      tpu.enqueue_indirect_dma source(%dma_start3A_648 : memref<40x128xf32, #tpu.memory_space<vmem>>) target(%dma_start3A_654 : memref<10240x128xf32, #tpu.memory_space<vmem_shared>>) offsets(%dma_start3A_651 : memref<40xi32, #tpu.memory_space<vmem>>) semaphore(%arg22 : memref<!tpu.dma_semaphore, #tpu.memory_space<semaphore_mem>>) {add = true}
      %dma_wait3A_655 = arith.constant 0 : i32
      %dma_wait3A_656 = arith.constant 5 : i32
      %dma_wait3A_657 = arith.constant 0 : i32
      %dma_wait3A_658 = arith.constant 0 : i32
      %dma_wait3A_659 = tpu.memref_slice %arg10[%dma_wait3A_655, %dma_wait3A_657, %dma_wait3A_658] : memref<5x40x128xf32, #tpu.memory_space<vmem>> -> memref<1x40x128xf32, #tpu.memory_space<vmem>>
      %dma_wait3A_660 = tpu.memref_squeeze %dma_wait3A_659 : memref<1x40x128xf32, #tpu.memory_space<vmem>> -> memref<40x128xf32, #tpu.memory_space<vmem>>
      %dma_wait3A_661 = arith.constant 0 : i32
      %dma_wait3A_662 = tpu.memref_slice %arg9[%dma_wait3A_656, %dma_wait3A_661] : memref<10x40xi32, #tpu.memory_space<vmem>> -> memref<1x40xi32, #tpu.memory_space<vmem>>
      %dma_wait3A_663 = tpu.memref_squeeze %dma_wait3A_662 : memref<1x40xi32, #tpu.memory_space<vmem>> -> memref<40xi32, #tpu.memory_space<vmem>>
      %dma_wait3A_664 = arith.constant 0 : i32
      %dma_wait3A_665 = arith.constant 0 : i32
      %dma_wait3A_666 = tpu.memref_slice %arg11[%dma_wait3A_664, %dma_wait3A_665] : memref<10240x128xf32, #tpu.memory_space<vmem_shared>> -> memref<10240x128xf32, #tpu.memory_space<vmem_shared>>
      tpu.wait_indirect_dma semaphore(%arg18 : memref<!tpu.dma_semaphore, #tpu.memory_space<semaphore_mem>>) src(%dma_wait3A_660 : memref<40x128xf32, #tpu.memory_space<vmem>>) dst(%dma_wait3A_666 : memref<10240x128xf32, #tpu.memory_space<vmem_shared>>)
      %dma_wait3A_667 = arith.constant 1 : i32
      %dma_wait3A_668 = arith.constant 6 : i32
      %dma_wait3A_669 = arith.constant 0 : i32
      %dma_wait3A_670 = arith.constant 0 : i32
      %dma_wait3A_671 = tpu.memref_slice %arg10[%dma_wait3A_667, %dma_wait3A_669, %dma_wait3A_670] : memref<5x40x128xf32, #tpu.memory_space<vmem>> -> memref<1x40x128xf32, #tpu.memory_space<vmem>>
      %dma_wait3A_672 = tpu.memref_squeeze %dma_wait3A_671 : memref<1x40x128xf32, #tpu.memory_space<vmem>> -> memref<40x128xf32, #tpu.memory_space<vmem>>
      %dma_wait3A_673 = arith.constant 0 : i32
      %dma_wait3A_674 = tpu.memref_slice %arg9[%dma_wait3A_668, %dma_wait3A_673] : memref<10x40xi32, #tpu.memory_space<vmem>> -> memref<1x40xi32, #tpu.memory_space<vmem>>
      %dma_wait3A_675 = tpu.memref_squeeze %dma_wait3A_674 : memref<1x40xi32, #tpu.memory_space<vmem>> -> memref<40xi32, #tpu.memory_space<vmem>>
      %dma_wait3A_676 = arith.constant 0 : i32
      %dma_wait3A_677 = arith.constant 0 : i32
      %dma_wait3A_678 = tpu.memref_slice %arg11[%dma_wait3A_676, %dma_wait3A_677] : memref<10240x128xf32, #tpu.memory_space<vmem_shared>> -> memref<10240x128xf32, #tpu.memory_space<vmem_shared>>
      tpu.wait_indirect_dma semaphore(%arg19 : memref<!tpu.dma_semaphore, #tpu.memory_space<semaphore_mem>>) src(%dma_wait3A_672 : memref<40x128xf32, #tpu.memory_space<vmem>>) dst(%dma_wait3A_678 : memref<10240x128xf32, #tpu.memory_space<vmem_shared>>)
      %dma_wait3A_679 = arith.constant 2 : i32
      %dma_wait3A_680 = arith.constant 7 : i32
      %dma_wait3A_681 = arith.constant 0 : i32
      %dma_wait3A_682 = arith.constant 0 : i32
      %dma_wait3A_683 = tpu.memref_slice %arg10[%dma_wait3A_679, %dma_wait3A_681, %dma_wait3A_682] : memref<5x40x128xf32, #tpu.memory_space<vmem>> -> memref<1x40x128xf32, #tpu.memory_space<vmem>>
      %dma_wait3A_684 = tpu.memref_squeeze %dma_wait3A_683 : memref<1x40x128xf32, #tpu.memory_space<vmem>> -> memref<40x128xf32, #tpu.memory_space<vmem>>
      %dma_wait3A_685 = arith.constant 0 : i32
      %dma_wait3A_686 = tpu.memref_slice %arg9[%dma_wait3A_680, %dma_wait3A_685] : memref<10x40xi32, #tpu.memory_space<vmem>> -> memref<1x40xi32, #tpu.memory_space<vmem>>
      %dma_wait3A_687 = tpu.memref_squeeze %dma_wait3A_686 : memref<1x40xi32, #tpu.memory_space<vmem>> -> memref<40xi32, #tpu.memory_space<vmem>>
      %dma_wait3A_688 = arith.constant 0 : i32
      %dma_wait3A_689 = arith.constant 0 : i32
      %dma_wait3A_690 = tpu.memref_slice %arg11[%dma_wait3A_688, %dma_wait3A_689] : memref<10240x128xf32, #tpu.memory_space<vmem_shared>> -> memref<10240x128xf32, #tpu.memory_space<vmem_shared>>
      tpu.wait_indirect_dma semaphore(%arg20 : memref<!tpu.dma_semaphore, #tpu.memory_space<semaphore_mem>>) src(%dma_wait3A_684 : memref<40x128xf32, #tpu.memory_space<vmem>>) dst(%dma_wait3A_690 : memref<10240x128xf32, #tpu.memory_space<vmem_shared>>)
      %dma_wait3A_691 = arith.constant 3 : i32
      %dma_wait3A_692 = arith.constant 8 : i32
      %dma_wait3A_693 = arith.constant 0 : i32
      %dma_wait3A_694 = arith.constant 0 : i32
      %dma_wait3A_695 = tpu.memref_slice %arg10[%dma_wait3A_691, %dma_wait3A_693, %dma_wait3A_694] : memref<5x40x128xf32, #tpu.memory_space<vmem>> -> memref<1x40x128xf32, #tpu.memory_space<vmem>>
      %dma_wait3A_696 = tpu.memref_squeeze %dma_wait3A_695 : memref<1x40x128xf32, #tpu.memory_space<vmem>> -> memref<40x128xf32, #tpu.memory_space<vmem>>
      %dma_wait3A_697 = arith.constant 0 : i32
      %dma_wait3A_698 = tpu.memref_slice %arg9[%dma_wait3A_692, %dma_wait3A_697] : memref<10x40xi32, #tpu.memory_space<vmem>> -> memref<1x40xi32, #tpu.memory_space<vmem>>
      %dma_wait3A_699 = tpu.memref_squeeze %dma_wait3A_698 : memref<1x40xi32, #tpu.memory_space<vmem>> -> memref<40xi32, #tpu.memory_space<vmem>>
      %dma_wait3A_700 = arith.constant 0 : i32
      %dma_wait3A_701 = arith.constant 0 : i32
      %dma_wait3A_702 = tpu.memref_slice %arg11[%dma_wait3A_700, %dma_wait3A_701] : memref<10240x128xf32, #tpu.memory_space<vmem_shared>> -> memref<10240x128xf32, #tpu.memory_space<vmem_shared>>
      tpu.wait_indirect_dma semaphore(%arg21 : memref<!tpu.dma_semaphore, #tpu.memory_space<semaphore_mem>>) src(%dma_wait3A_696 : memref<40x128xf32, #tpu.memory_space<vmem>>) dst(%dma_wait3A_702 : memref<10240x128xf32, #tpu.memory_space<vmem_shared>>)
      %dma_wait3A_703 = arith.constant 4 : i32
      %dma_wait3A_704 = arith.constant 9 : i32
      %dma_wait3A_705 = arith.constant 0 : i32
      %dma_wait3A_706 = arith.constant 0 : i32
      %dma_wait3A_707 = tpu.memref_slice %arg10[%dma_wait3A_703, %dma_wait3A_705, %dma_wait3A_706] : memref<5x40x128xf32, #tpu.memory_space<vmem>> -> memref<1x40x128xf32, #tpu.memory_space<vmem>>
      %dma_wait3A_708 = tpu.memref_squeeze %dma_wait3A_707 : memref<1x40x128xf32, #tpu.memory_space<vmem>> -> memref<40x128xf32, #tpu.memory_space<vmem>>
      %dma_wait3A_709 = arith.constant 0 : i32
      %dma_wait3A_710 = tpu.memref_slice %arg9[%dma_wait3A_704, %dma_wait3A_709] : memref<10x40xi32, #tpu.memory_space<vmem>> -> memref<1x40xi32, #tpu.memory_space<vmem>>
      %dma_wait3A_711 = tpu.memref_squeeze %dma_wait3A_710 : memref<1x40xi32, #tpu.memory_space<vmem>> -> memref<40xi32, #tpu.memory_space<vmem>>
      %dma_wait3A_712 = arith.constant 0 : i32
      %dma_wait3A_713 = arith.constant 0 : i32
      %dma_wait3A_714 = tpu.memref_slice %arg11[%dma_wait3A_712, %dma_wait3A_713] : memref<10240x128xf32, #tpu.memory_space<vmem_shared>> -> memref<10240x128xf32, #tpu.memory_space<vmem_shared>>
      tpu.wait_indirect_dma semaphore(%arg22 : memref<!tpu.dma_semaphore, #tpu.memory_space<semaphore_mem>>) src(%dma_wait3A_708 : memref<40x128xf32, #tpu.memory_space<vmem>>) dst(%dma_wait3A_714 : memref<10240x128xf32, #tpu.memory_space<vmem_shared>>)
    }
    %scan3A_41 = arith.constant 25 : i32
    %barrier3A_42 = arith.constant 0 : index
    tpu.barrier barrier_id(%barrier3A_42)
    "tpu.region"() ({
      %run_scoped3A = tpu.sem_alloc : memref<!tpu.dma_semaphore, #tpu.memory_space<semaphore_mem>>
      %dma_start3A_43 = arith.constant 0 : i32
      %dma_start3A_44 = tpu.memref_slice %arg6[%arg0, %mul3A_33, %dma_start3A_43] : memref<2x10240x128xf32, #tpu.memory_space<hbm>> -> memref<1x640x128xf32, #tpu.memory_space<hbm>>
      %dma_start3A_45 = tpu.memref_squeeze %dma_start3A_44 : memref<1x640x128xf32, #tpu.memory_space<hbm>> -> memref<640x128xf32, #tpu.memory_space<hbm>>
      %dma_start3A_46 = arith.constant 0 : i32
      %dma_start3A_47 = tpu.memref_slice %arg11[%mul3A_33, %dma_start3A_46] : memref<10240x128xf32, #tpu.memory_space<vmem_shared>> -> memref<640x128xf32, #tpu.memory_space<vmem_shared>>
      tpu.enqueue_dma source(%dma_start3A_47 : memref<640x128xf32, #tpu.memory_space<vmem_shared>>) target(%dma_start3A_45 : memref<640x128xf32, #tpu.memory_space<hbm>>) target_semaphore(%run_scoped3A : memref<!tpu.dma_semaphore, #tpu.memory_space<semaphore_mem>>)
      %dma_wait3A = arith.constant 0 : i32
      %dma_wait3A_48 = tpu.memref_slice %arg6[%arg0, %mul3A_33, %dma_wait3A] : memref<2x10240x128xf32, #tpu.memory_space<hbm>> -> memref<1x640x128xf32, #tpu.memory_space<hbm>>
      %dma_wait3A_49 = tpu.memref_squeeze %dma_wait3A_48 : memref<1x640x128xf32, #tpu.memory_space<hbm>> -> memref<640x128xf32, #tpu.memory_space<hbm>>
      %dma_wait3A_50 = arith.constant 0 : i32
      %dma_wait3A_51 = tpu.memref_slice %arg11[%mul3A_33, %dma_wait3A_50] : memref<10240x128xf32, #tpu.memory_space<vmem_shared>> -> memref<640x128xf32, #tpu.memory_space<vmem_shared>>
      tpu.wait_dma2 semaphore(%run_scoped3A : memref<!tpu.dma_semaphore, #tpu.memory_space<semaphore_mem>>) src(%dma_wait3A_51 : memref<640x128xf32, #tpu.memory_space<vmem_shared>>) dst(%dma_wait3A_49 : memref<640x128xf32, #tpu.memory_space<hbm>>)
      tpu.yield
    }) : () -> ()
    "tpu.region"() ({
      %run_scoped3A = tpu.sem_alloc : memref<!tpu.dma_semaphore, #tpu.memory_space<semaphore_mem>>
      %dma_start3A_43 = arith.constant 0 : i32
      %dma_start3A_44 = tpu.memref_slice %arg7[%add3A, %dma_start3A_43] : memref<32x10240xf32, #tpu.memory_space<hbm>> -> memref<1x10240xf32, #tpu.memory_space<hbm>>
      %dma_start3A_45 = tpu.memref_squeeze %dma_start3A_44 : memref<1x10240xf32, #tpu.memory_space<hbm>> -> memref<10240xf32, #tpu.memory_space<hbm>>
      %dma_start3A_46 = arith.constant 0 : i32
      %dma_start3A_47 = tpu.memref_slice %arg7[%add3A, %dma_start3A_46] : memref<32x10240xf32, #tpu.memory_space<hbm>> -> memref<1x10240xf32, #tpu.memory_space<hbm>>
      %dma_start3A_48 = tpu.memref_squeeze %dma_start3A_47 : memref<1x10240xf32, #tpu.memory_space<hbm>> -> memref<10240xf32, #tpu.memory_space<hbm>>
      tpu.enqueue_dma source(%arg23 : memref<10240xf32, #tpu.memory_space<vmem>>) target(%dma_start3A_48 : memref<10240xf32, #tpu.memory_space<hbm>>) target_semaphore(%run_scoped3A : memref<!tpu.dma_semaphore, #tpu.memory_space<semaphore_mem>>)
      %dma_wait3A = arith.constant 0 : i32
      %dma_wait3A_49 = tpu.memref_slice %arg7[%add3A, %dma_wait3A] : memref<32x10240xf32, #tpu.memory_space<hbm>> -> memref<1x10240xf32, #tpu.memory_space<hbm>>
      %dma_wait3A_50 = tpu.memref_squeeze %dma_wait3A_49 : memref<1x10240xf32, #tpu.memory_space<hbm>> -> memref<10240xf32, #tpu.memory_space<hbm>>
      %dma_wait3A_51 = arith.constant 0 : i32
      %dma_wait3A_52 = tpu.memref_slice %arg7[%add3A, %dma_wait3A_51] : memref<32x10240xf32, #tpu.memory_space<hbm>> -> memref<1x10240xf32, #tpu.memory_space<hbm>>
      %dma_wait3A_53 = tpu.memref_squeeze %dma_wait3A_52 : memref<1x10240xf32, #tpu.memory_space<hbm>> -> memref<10240xf32, #tpu.memory_space<hbm>>
      tpu.wait_dma2 semaphore(%run_scoped3A : memref<!tpu.dma_semaphore, #tpu.memory_space<semaphore_mem>>) src(%arg23 : memref<10240xf32, #tpu.memory_space<vmem>>) dst(%dma_wait3A_53 : memref<10240xf32, #tpu.memory_space<hbm>>)
      tpu.yield
    }) : () -> ()
    return
  }
}

#map = affine_map<(d0, d1) -> (0, 0)>
#map1 = affine_map<(d0, d1) -> (0, 0, 0, 0, 0)>
#map2 = affine_map<(d0, d1) -> (0)>
#map3 = affine_map<(d0, d1) -> (0, 0, 0)>
module attributes {stable_mosaic.version = 14 : i64} {
  func.func @agg(%arg0: i32, %arg1: i32, %arg2: memref<10240x128xf32, #tpu.memory_space<hbm>>, %arg3: memref<2x32x50x5x40xi32, #tpu.memory_space<hbm>>, %arg4: memref<640x128xf32, #tpu.memory_space<hbm>>, %arg5: memref<10240xf32, #tpu.memory_space<hbm>>, %arg6: memref<2x10240x128xf32, #tpu.memory_space<hbm>>, %arg7: memref<10x40xi32, #tpu.memory_space<vmem>>, %arg8: memref<10x40xi32, #tpu.memory_space<vmem>>, %arg9: memref<5x40x128xf32, #tpu.memory_space<vmem>>, %arg10: memref<10240x128xf32, #tpu.memory_space<vmem_shared>>, %arg11: memref<!tpu.dma_semaphore, #tpu.memory_space<semaphore_mem>>, %arg12: memref<!tpu.dma_semaphore, #tpu.memory_space<semaphore_mem>>, %arg13: memref<!tpu.dma_semaphore, #tpu.memory_space<semaphore_mem>>, %arg14: memref<!tpu.dma_semaphore, #tpu.memory_space<semaphore_mem>>, %arg15: memref<!tpu.dma_semaphore, #tpu.memory_space<semaphore_mem>>, %arg16: memref<!tpu.dma_semaphore, #tpu.memory_space<semaphore_mem>>, %arg17: memref<!tpu.dma_semaphore, #tpu.memory_space<semaphore_mem>>, %arg18: memref<!tpu.dma_semaphore, #tpu.memory_space<semaphore_mem>>, %arg19: memref<!tpu.dma_semaphore, #tpu.memory_space<semaphore_mem>>, %arg20: memref<!tpu.dma_semaphore, #tpu.memory_space<semaphore_mem>>, %arg21: memref<!tpu.dma_semaphore, #tpu.memory_space<semaphore_mem>>) attributes {dimension_semantics = [#tpu.dimension_semantics<core_parallel>, #tpu.dimension_semantics<subcore_parallel>], iteration_bounds = array<i64: 2, 16>, scalar_prefetch = 0 : i64, scratch_operands = 15 : i64, tpu.core_type = #tpu.core_type<sc_vector_subcore>, window_params = [{transform_indices = #map}, {transform_indices = #map1}, {transform_indices = #map}, {transform_indices = #map2}, {transform_indices = #map3}]} {
    %mul3A = arith.constant 16 : i32
    %mul3A_0 = arith.muli %arg0, %mul3A : i32
    %add3A = arith.addi %mul3A_0, %arg1 : i32
    %dma_start3A = arith.constant 0 : i32
    %dma_start3A_1 = arith.constant 0 : i32
    %dma_start3A_2 = arith.constant 0 : i32
    %dma_start3A_3 = arith.constant 0 : i32
    %dma_start3A_4 = tpu.memref_slice %arg7[%dma_start3A_2, %dma_start3A_3] : memref<10x40xi32, #tpu.memory_space<vmem>> -> memref<5x40xi32, #tpu.memory_space<vmem>>
    %dma_start3A_5 = arith.constant 0 : i32
    %dma_start3A_6 = arith.constant 0 : i32
    %dma_start3A_7 = tpu.memref_slice %arg3[%dma_start3A, %add3A, %dma_start3A_1, %dma_start3A_5, %dma_start3A_6] : memref<2x32x50x5x40xi32, #tpu.memory_space<hbm>> -> memref<1x1x1x5x40xi32, #tpu.memory_space<hbm>>
    %dma_start3A_8 = tpu.memref_squeeze %dma_start3A_7 : memref<1x1x1x5x40xi32, #tpu.memory_space<hbm>> -> memref<5x40xi32, #tpu.memory_space<hbm>>
    %dma_start3A_9 = arith.constant 0 : i32
    %dma_start3A_10 = arith.constant 0 : i32
    %dma_start3A_11 = tpu.memref_slice %arg7[%dma_start3A_9, %dma_start3A_10] : memref<10x40xi32, #tpu.memory_space<vmem>> -> memref<5x40xi32, #tpu.memory_space<vmem>>
    %dma_start3A_12 = arith.constant 0 : i32
    %dma_start3A_13 = arith.constant 0 : i32
    %dma_start3A_14 = tpu.memref_slice %arg3[%dma_start3A, %add3A, %dma_start3A_1, %dma_start3A_12, %dma_start3A_13] : memref<2x32x50x5x40xi32, #tpu.memory_space<hbm>> -> memref<1x1x1x5x40xi32, #tpu.memory_space<hbm>>
    %dma_start3A_15 = tpu.memref_squeeze %dma_start3A_14 : memref<1x1x1x5x40xi32, #tpu.memory_space<hbm>> -> memref<5x40xi32, #tpu.memory_space<hbm>>
    tpu.enqueue_dma source(%dma_start3A_15 : memref<5x40xi32, #tpu.memory_space<hbm>>) target(%dma_start3A_11 : memref<5x40xi32, #tpu.memory_space<vmem>>) target_semaphore(%arg11 : memref<!tpu.dma_semaphore, #tpu.memory_space<semaphore_mem>>)
    %dma_start3A_16 = arith.constant 1 : i32
    %dma_start3A_17 = arith.constant 0 : i32
    %dma_start3A_18 = arith.constant 0 : i32
    %dma_start3A_19 = arith.constant 0 : i32
    %dma_start3A_20 = tpu.memref_slice %arg8[%dma_start3A_18, %dma_start3A_19] : memref<10x40xi32, #tpu.memory_space<vmem>> -> memref<5x40xi32, #tpu.memory_space<vmem>>
    %dma_start3A_21 = arith.constant 0 : i32
    %dma_start3A_22 = arith.constant 0 : i32
    %dma_start3A_23 = tpu.memref_slice %arg3[%dma_start3A_16, %add3A, %dma_start3A_17, %dma_start3A_21, %dma_start3A_22] : memref<2x32x50x5x40xi32, #tpu.memory_space<hbm>> -> memref<1x1x1x5x40xi32, #tpu.memory_space<hbm>>
    %dma_start3A_24 = tpu.memref_squeeze %dma_start3A_23 : memref<1x1x1x5x40xi32, #tpu.memory_space<hbm>> -> memref<5x40xi32, #tpu.memory_space<hbm>>
    %dma_start3A_25 = arith.constant 0 : i32
    %dma_start3A_26 = arith.constant 0 : i32
    %dma_start3A_27 = tpu.memref_slice %arg8[%dma_start3A_25, %dma_start3A_26] : memref<10x40xi32, #tpu.memory_space<vmem>> -> memref<5x40xi32, #tpu.memory_space<vmem>>
    %dma_start3A_28 = arith.constant 0 : i32
    %dma_start3A_29 = arith.constant 0 : i32
    %dma_start3A_30 = tpu.memref_slice %arg3[%dma_start3A_16, %add3A, %dma_start3A_17, %dma_start3A_28, %dma_start3A_29] : memref<2x32x50x5x40xi32, #tpu.memory_space<hbm>> -> memref<1x1x1x5x40xi32, #tpu.memory_space<hbm>>
    %dma_start3A_31 = tpu.memref_squeeze %dma_start3A_30 : memref<1x1x1x5x40xi32, #tpu.memory_space<hbm>> -> memref<5x40xi32, #tpu.memory_space<hbm>>
    tpu.enqueue_dma source(%dma_start3A_31 : memref<5x40xi32, #tpu.memory_space<hbm>>) target(%dma_start3A_27 : memref<5x40xi32, #tpu.memory_space<vmem>>) target_semaphore(%arg11 : memref<!tpu.dma_semaphore, #tpu.memory_space<semaphore_mem>>)
    %mul3A_32 = arith.constant 640 : i32
    %mul3A_33 = arith.muli %arg1, %mul3A_32 : i32
    "tpu.region"() ({
      %run_scoped3A = tpu.sem_alloc : memref<!tpu.dma_semaphore, #tpu.memory_space<semaphore_mem>>
      %dma_start3A_40 = arith.constant 0 : i32
      %dma_start3A_41 = tpu.memref_slice %arg10[%mul3A_33, %dma_start3A_40] : memref<10240x128xf32, #tpu.memory_space<vmem_shared>> -> memref<640x128xf32, #tpu.memory_space<vmem_shared>>
      tpu.enqueue_dma source(%arg4 : memref<640x128xf32, #tpu.memory_space<hbm>>) target(%dma_start3A_41 : memref<640x128xf32, #tpu.memory_space<vmem_shared>>) target_semaphore(%run_scoped3A : memref<!tpu.dma_semaphore, #tpu.memory_space<semaphore_mem>>)
      %dma_wait3A = arith.constant 0 : i32
      %dma_wait3A_42 = tpu.memref_slice %arg10[%mul3A_33, %dma_wait3A] : memref<10240x128xf32, #tpu.memory_space<vmem_shared>> -> memref<640x128xf32, #tpu.memory_space<vmem_shared>>
      tpu.wait_dma2 semaphore(%run_scoped3A : memref<!tpu.dma_semaphore, #tpu.memory_space<semaphore_mem>>) src(%arg4 : memref<640x128xf32, #tpu.memory_space<hbm>>) dst(%dma_wait3A_42 : memref<640x128xf32, #tpu.memory_space<vmem_shared>>)
      tpu.yield
    }) : () -> ()
    %barrier3A = arith.constant 0 : index
    tpu.barrier barrier_id(%barrier3A)
    %scan3A = arith.constant 0 : i32
    %scan3A_34 = arith.constant 0 : i32
    %scan3A_35 = arith.constant 25 : i32
    %scan3A_36 = arith.addi %scan3A_34, %scan3A_35 : i32
    %scan3A_37 = arith.constant 1 : i32
    scf.for %scan3A_40 = %scan3A_34 to %scan3A_36 step %scan3A_37  : i32 {
      %mul3A_41 = arith.constant 2 : i32
      %mul3A_42 = arith.muli %mul3A_41, %scan3A_40 : i32
      %dma_wait3A = arith.constant 0 : i32
      %dma_wait3A_43 = arith.constant 0 : i32
      %dma_wait3A_44 = arith.constant 0 : i32
      %dma_wait3A_45 = tpu.memref_slice %arg7[%dma_wait3A_43, %dma_wait3A_44] : memref<10x40xi32, #tpu.memory_space<vmem>> -> memref<5x40xi32, #tpu.memory_space<vmem>>
      %dma_wait3A_46 = arith.constant 0 : i32
      %dma_wait3A_47 = arith.constant 0 : i32
      %dma_wait3A_48 = tpu.memref_slice %arg3[%dma_wait3A, %add3A, %mul3A_42, %dma_wait3A_46, %dma_wait3A_47] : memref<2x32x50x5x40xi32, #tpu.memory_space<hbm>> -> memref<1x1x1x5x40xi32, #tpu.memory_space<hbm>>
      %dma_wait3A_49 = tpu.memref_squeeze %dma_wait3A_48 : memref<1x1x1x5x40xi32, #tpu.memory_space<hbm>> -> memref<5x40xi32, #tpu.memory_space<hbm>>
      %dma_wait3A_50 = arith.constant 0 : i32
      %dma_wait3A_51 = arith.constant 0 : i32
      %dma_wait3A_52 = tpu.memref_slice %arg7[%dma_wait3A_50, %dma_wait3A_51] : memref<10x40xi32, #tpu.memory_space<vmem>> -> memref<5x40xi32, #tpu.memory_space<vmem>>
      %dma_wait3A_53 = arith.constant 0 : i32
      %dma_wait3A_54 = arith.constant 0 : i32
      %dma_wait3A_55 = tpu.memref_slice %arg3[%dma_wait3A, %add3A, %mul3A_42, %dma_wait3A_53, %dma_wait3A_54] : memref<2x32x50x5x40xi32, #tpu.memory_space<hbm>> -> memref<1x1x1x5x40xi32, #tpu.memory_space<hbm>>
      %dma_wait3A_56 = tpu.memref_squeeze %dma_wait3A_55 : memref<1x1x1x5x40xi32, #tpu.memory_space<hbm>> -> memref<5x40xi32, #tpu.memory_space<hbm>>
      tpu.wait_dma2 semaphore(%arg11 : memref<!tpu.dma_semaphore, #tpu.memory_space<semaphore_mem>>) src(%dma_wait3A_56 : memref<5x40xi32, #tpu.memory_space<hbm>>) dst(%dma_wait3A_52 : memref<5x40xi32, #tpu.memory_space<vmem>>)
      %dma_wait3A_57 = arith.constant 1 : i32
      %dma_wait3A_58 = arith.constant 0 : i32
      %dma_wait3A_59 = arith.constant 0 : i32
      %dma_wait3A_60 = tpu.memref_slice %arg8[%dma_wait3A_58, %dma_wait3A_59] : memref<10x40xi32, #tpu.memory_space<vmem>> -> memref<5x40xi32, #tpu.memory_space<vmem>>
      %dma_wait3A_61 = arith.constant 0 : i32
      %dma_wait3A_62 = arith.constant 0 : i32
      %dma_wait3A_63 = tpu.memref_slice %arg3[%dma_wait3A_57, %add3A, %mul3A_42, %dma_wait3A_61, %dma_wait3A_62] : memref<2x32x50x5x40xi32, #tpu.memory_space<hbm>> -> memref<1x1x1x5x40xi32, #tpu.memory_space<hbm>>
      %dma_wait3A_64 = tpu.memref_squeeze %dma_wait3A_63 : memref<1x1x1x5x40xi32, #tpu.memory_space<hbm>> -> memref<5x40xi32, #tpu.memory_space<hbm>>
      %dma_wait3A_65 = arith.constant 0 : i32
      %dma_wait3A_66 = arith.constant 0 : i32
      %dma_wait3A_67 = tpu.memref_slice %arg8[%dma_wait3A_65, %dma_wait3A_66] : memref<10x40xi32, #tpu.memory_space<vmem>> -> memref<5x40xi32, #tpu.memory_space<vmem>>
      %dma_wait3A_68 = arith.constant 0 : i32
      %dma_wait3A_69 = arith.constant 0 : i32
      %dma_wait3A_70 = tpu.memref_slice %arg3[%dma_wait3A_57, %add3A, %mul3A_42, %dma_wait3A_68, %dma_wait3A_69] : memref<2x32x50x5x40xi32, #tpu.memory_space<hbm>> -> memref<1x1x1x5x40xi32, #tpu.memory_space<hbm>>
      %dma_wait3A_71 = tpu.memref_squeeze %dma_wait3A_70 : memref<1x1x1x5x40xi32, #tpu.memory_space<hbm>> -> memref<5x40xi32, #tpu.memory_space<hbm>>
      tpu.wait_dma2 semaphore(%arg11 : memref<!tpu.dma_semaphore, #tpu.memory_space<semaphore_mem>>) src(%dma_wait3A_71 : memref<5x40xi32, #tpu.memory_space<hbm>>) dst(%dma_wait3A_67 : memref<5x40xi32, #tpu.memory_space<vmem>>)
      %lt3A = arith.constant 49 : i32
      %lt3A_72 = arith.cmpi slt, %mul3A_42, %lt3A : i32
      %convert_element_type3A = arith.extui %lt3A_72 : i1 to i32
      %cond3A = arith.constant 0 : i32
      %cond3A_73 = arith.cmpi ne, %convert_element_type3A, %cond3A : i32
      scf.if %cond3A_73 {
        %add3A_593 = arith.constant 1 : i32
        %add3A_594 = arith.addi %mul3A_42, %add3A_593 : i32
        %dma_start3A_595 = arith.constant 0 : i32
        %dma_start3A_596 = arith.constant 5 : i32
        %dma_start3A_597 = arith.constant 0 : i32
        %dma_start3A_598 = tpu.memref_slice %arg7[%dma_start3A_596, %dma_start3A_597] : memref<10x40xi32, #tpu.memory_space<vmem>> -> memref<5x40xi32, #tpu.memory_space<vmem>>
        %dma_start3A_599 = arith.constant 0 : i32
        %dma_start3A_600 = arith.constant 0 : i32
        %dma_start3A_601 = tpu.memref_slice %arg3[%dma_start3A_595, %add3A, %add3A_594, %dma_start3A_599, %dma_start3A_600] : memref<2x32x50x5x40xi32, #tpu.memory_space<hbm>> -> memref<1x1x1x5x40xi32, #tpu.memory_space<hbm>>
        %dma_start3A_602 = tpu.memref_squeeze %dma_start3A_601 : memref<1x1x1x5x40xi32, #tpu.memory_space<hbm>> -> memref<5x40xi32, #tpu.memory_space<hbm>>
        %dma_start3A_603 = arith.constant 5 : i32
        %dma_start3A_604 = arith.constant 0 : i32
        %dma_start3A_605 = tpu.memref_slice %arg7[%dma_start3A_603, %dma_start3A_604] : memref<10x40xi32, #tpu.memory_space<vmem>> -> memref<5x40xi32, #tpu.memory_space<vmem>>
        %dma_start3A_606 = arith.constant 0 : i32
        %dma_start3A_607 = arith.constant 0 : i32
        %dma_start3A_608 = tpu.memref_slice %arg3[%dma_start3A_595, %add3A, %add3A_594, %dma_start3A_606, %dma_start3A_607] : memref<2x32x50x5x40xi32, #tpu.memory_space<hbm>> -> memref<1x1x1x5x40xi32, #tpu.memory_space<hbm>>
        %dma_start3A_609 = tpu.memref_squeeze %dma_start3A_608 : memref<1x1x1x5x40xi32, #tpu.memory_space<hbm>> -> memref<5x40xi32, #tpu.memory_space<hbm>>
        tpu.enqueue_dma source(%dma_start3A_609 : memref<5x40xi32, #tpu.memory_space<hbm>>) target(%dma_start3A_605 : memref<5x40xi32, #tpu.memory_space<vmem>>) target_semaphore(%arg11 : memref<!tpu.dma_semaphore, #tpu.memory_space<semaphore_mem>>)
        %add3A_610 = arith.constant 1 : i32
        %add3A_611 = arith.addi %mul3A_42, %add3A_610 : i32
        %dma_start3A_612 = arith.constant 1 : i32
        %dma_start3A_613 = arith.constant 5 : i32
        %dma_start3A_614 = arith.constant 0 : i32
        %dma_start3A_615 = tpu.memref_slice %arg8[%dma_start3A_613, %dma_start3A_614] : memref<10x40xi32, #tpu.memory_space<vmem>> -> memref<5x40xi32, #tpu.memory_space<vmem>>
        %dma_start3A_616 = arith.constant 0 : i32
        %dma_start3A_617 = arith.constant 0 : i32
        %dma_start3A_618 = tpu.memref_slice %arg3[%dma_start3A_612, %add3A, %add3A_611, %dma_start3A_616, %dma_start3A_617] : memref<2x32x50x5x40xi32, #tpu.memory_space<hbm>> -> memref<1x1x1x5x40xi32, #tpu.memory_space<hbm>>
        %dma_start3A_619 = tpu.memref_squeeze %dma_start3A_618 : memref<1x1x1x5x40xi32, #tpu.memory_space<hbm>> -> memref<5x40xi32, #tpu.memory_space<hbm>>
        %dma_start3A_620 = arith.constant 5 : i32
        %dma_start3A_621 = arith.constant 0 : i32
        %dma_start3A_622 = tpu.memref_slice %arg8[%dma_start3A_620, %dma_start3A_621] : memref<10x40xi32, #tpu.memory_space<vmem>> -> memref<5x40xi32, #tpu.memory_space<vmem>>
        %dma_start3A_623 = arith.constant 0 : i32
        %dma_start3A_624 = arith.constant 0 : i32
        %dma_start3A_625 = tpu.memref_slice %arg3[%dma_start3A_612, %add3A, %add3A_611, %dma_start3A_623, %dma_start3A_624] : memref<2x32x50x5x40xi32, #tpu.memory_space<hbm>> -> memref<1x1x1x5x40xi32, #tpu.memory_space<hbm>>
        %dma_start3A_626 = tpu.memref_squeeze %dma_start3A_625 : memref<1x1x1x5x40xi32, #tpu.memory_space<hbm>> -> memref<5x40xi32, #tpu.memory_space<hbm>>
        tpu.enqueue_dma source(%dma_start3A_626 : memref<5x40xi32, #tpu.memory_space<hbm>>) target(%dma_start3A_622 : memref<5x40xi32, #tpu.memory_space<vmem>>) target_semaphore(%arg11 : memref<!tpu.dma_semaphore, #tpu.memory_space<semaphore_mem>>)
      } else {
      }
      %dma_start3A_74 = arith.constant 0 : i32
      %dma_start3A_75 = arith.constant 0 : i32
      %dma_start3A_76 = arith.constant 0 : i32
      %dma_start3A_77 = arith.constant 0 : i32
      %dma_start3A_78 = tpu.memref_slice %arg9[%dma_start3A_75, %dma_start3A_76, %dma_start3A_77] : memref<5x40x128xf32, #tpu.memory_space<vmem>> -> memref<1x40x128xf32, #tpu.memory_space<vmem>>
      %dma_start3A_79 = tpu.memref_squeeze %dma_start3A_78 : memref<1x40x128xf32, #tpu.memory_space<vmem>> -> memref<40x128xf32, #tpu.memory_space<vmem>>
      %dma_start3A_80 = arith.constant 0 : i32
      %dma_start3A_81 = tpu.memref_slice %arg7[%dma_start3A_74, %dma_start3A_80] : memref<10x40xi32, #tpu.memory_space<vmem>> -> memref<1x40xi32, #tpu.memory_space<vmem>>
      %dma_start3A_82 = tpu.memref_squeeze %dma_start3A_81 : memref<1x40xi32, #tpu.memory_space<vmem>> -> memref<40xi32, #tpu.memory_space<vmem>>
      %dma_start3A_83 = arith.constant 0 : i32
      %dma_start3A_84 = arith.constant 0 : i32
      %dma_start3A_85 = tpu.memref_slice %arg2[%dma_start3A_83, %dma_start3A_84] : memref<10240x128xf32, #tpu.memory_space<hbm>> -> memref<10240x128xf32, #tpu.memory_space<hbm>>
      tpu.enqueue_indirect_dma source(%dma_start3A_85 : memref<10240x128xf32, #tpu.memory_space<hbm>>) target(%dma_start3A_79 : memref<40x128xf32, #tpu.memory_space<vmem>>) offsets(%dma_start3A_82 : memref<40xi32, #tpu.memory_space<vmem>>) semaphore(%arg12 : memref<!tpu.dma_semaphore, #tpu.memory_space<semaphore_mem>>)
      %dma_start3A_86 = arith.constant 1 : i32
      %dma_start3A_87 = arith.constant 1 : i32
      %dma_start3A_88 = arith.constant 0 : i32
      %dma_start3A_89 = arith.constant 0 : i32
      %dma_start3A_90 = tpu.memref_slice %arg9[%dma_start3A_87, %dma_start3A_88, %dma_start3A_89] : memref<5x40x128xf32, #tpu.memory_space<vmem>> -> memref<1x40x128xf32, #tpu.memory_space<vmem>>
      %dma_start3A_91 = tpu.memref_squeeze %dma_start3A_90 : memref<1x40x128xf32, #tpu.memory_space<vmem>> -> memref<40x128xf32, #tpu.memory_space<vmem>>
      %dma_start3A_92 = arith.constant 0 : i32
      %dma_start3A_93 = tpu.memref_slice %arg7[%dma_start3A_86, %dma_start3A_92] : memref<10x40xi32, #tpu.memory_space<vmem>> -> memref<1x40xi32, #tpu.memory_space<vmem>>
      %dma_start3A_94 = tpu.memref_squeeze %dma_start3A_93 : memref<1x40xi32, #tpu.memory_space<vmem>> -> memref<40xi32, #tpu.memory_space<vmem>>
      %dma_start3A_95 = arith.constant 0 : i32
      %dma_start3A_96 = arith.constant 0 : i32
      %dma_start3A_97 = tpu.memref_slice %arg2[%dma_start3A_95, %dma_start3A_96] : memref<10240x128xf32, #tpu.memory_space<hbm>> -> memref<10240x128xf32, #tpu.memory_space<hbm>>
      tpu.enqueue_indirect_dma source(%dma_start3A_97 : memref<10240x128xf32, #tpu.memory_space<hbm>>) target(%dma_start3A_91 : memref<40x128xf32, #tpu.memory_space<vmem>>) offsets(%dma_start3A_94 : memref<40xi32, #tpu.memory_space<vmem>>) semaphore(%arg13 : memref<!tpu.dma_semaphore, #tpu.memory_space<semaphore_mem>>)
      %dma_start3A_98 = arith.constant 2 : i32
      %dma_start3A_99 = arith.constant 2 : i32
      %dma_start3A_100 = arith.constant 0 : i32
      %dma_start3A_101 = arith.constant 0 : i32
      %dma_start3A_102 = tpu.memref_slice %arg9[%dma_start3A_99, %dma_start3A_100, %dma_start3A_101] : memref<5x40x128xf32, #tpu.memory_space<vmem>> -> memref<1x40x128xf32, #tpu.memory_space<vmem>>
      %dma_start3A_103 = tpu.memref_squeeze %dma_start3A_102 : memref<1x40x128xf32, #tpu.memory_space<vmem>> -> memref<40x128xf32, #tpu.memory_space<vmem>>
      %dma_start3A_104 = arith.constant 0 : i32
      %dma_start3A_105 = tpu.memref_slice %arg7[%dma_start3A_98, %dma_start3A_104] : memref<10x40xi32, #tpu.memory_space<vmem>> -> memref<1x40xi32, #tpu.memory_space<vmem>>
      %dma_start3A_106 = tpu.memref_squeeze %dma_start3A_105 : memref<1x40xi32, #tpu.memory_space<vmem>> -> memref<40xi32, #tpu.memory_space<vmem>>
      %dma_start3A_107 = arith.constant 0 : i32
      %dma_start3A_108 = arith.constant 0 : i32
      %dma_start3A_109 = tpu.memref_slice %arg2[%dma_start3A_107, %dma_start3A_108] : memref<10240x128xf32, #tpu.memory_space<hbm>> -> memref<10240x128xf32, #tpu.memory_space<hbm>>
      tpu.enqueue_indirect_dma source(%dma_start3A_109 : memref<10240x128xf32, #tpu.memory_space<hbm>>) target(%dma_start3A_103 : memref<40x128xf32, #tpu.memory_space<vmem>>) offsets(%dma_start3A_106 : memref<40xi32, #tpu.memory_space<vmem>>) semaphore(%arg14 : memref<!tpu.dma_semaphore, #tpu.memory_space<semaphore_mem>>)
      %dma_start3A_110 = arith.constant 3 : i32
      %dma_start3A_111 = arith.constant 3 : i32
      %dma_start3A_112 = arith.constant 0 : i32
      %dma_start3A_113 = arith.constant 0 : i32
      %dma_start3A_114 = tpu.memref_slice %arg9[%dma_start3A_111, %dma_start3A_112, %dma_start3A_113] : memref<5x40x128xf32, #tpu.memory_space<vmem>> -> memref<1x40x128xf32, #tpu.memory_space<vmem>>
      %dma_start3A_115 = tpu.memref_squeeze %dma_start3A_114 : memref<1x40x128xf32, #tpu.memory_space<vmem>> -> memref<40x128xf32, #tpu.memory_space<vmem>>
      %dma_start3A_116 = arith.constant 0 : i32
      %dma_start3A_117 = tpu.memref_slice %arg7[%dma_start3A_110, %dma_start3A_116] : memref<10x40xi32, #tpu.memory_space<vmem>> -> memref<1x40xi32, #tpu.memory_space<vmem>>
      %dma_start3A_118 = tpu.memref_squeeze %dma_start3A_117 : memref<1x40xi32, #tpu.memory_space<vmem>> -> memref<40xi32, #tpu.memory_space<vmem>>
      %dma_start3A_119 = arith.constant 0 : i32
      %dma_start3A_120 = arith.constant 0 : i32
      %dma_start3A_121 = tpu.memref_slice %arg2[%dma_start3A_119, %dma_start3A_120] : memref<10240x128xf32, #tpu.memory_space<hbm>> -> memref<10240x128xf32, #tpu.memory_space<hbm>>
      tpu.enqueue_indirect_dma source(%dma_start3A_121 : memref<10240x128xf32, #tpu.memory_space<hbm>>) target(%dma_start3A_115 : memref<40x128xf32, #tpu.memory_space<vmem>>) offsets(%dma_start3A_118 : memref<40xi32, #tpu.memory_space<vmem>>) semaphore(%arg15 : memref<!tpu.dma_semaphore, #tpu.memory_space<semaphore_mem>>)
      %dma_start3A_122 = arith.constant 4 : i32
      %dma_start3A_123 = arith.constant 4 : i32
      %dma_start3A_124 = arith.constant 0 : i32
      %dma_start3A_125 = arith.constant 0 : i32
      %dma_start3A_126 = tpu.memref_slice %arg9[%dma_start3A_123, %dma_start3A_124, %dma_start3A_125] : memref<5x40x128xf32, #tpu.memory_space<vmem>> -> memref<1x40x128xf32, #tpu.memory_space<vmem>>
      %dma_start3A_127 = tpu.memref_squeeze %dma_start3A_126 : memref<1x40x128xf32, #tpu.memory_space<vmem>> -> memref<40x128xf32, #tpu.memory_space<vmem>>
      %dma_start3A_128 = arith.constant 0 : i32
      %dma_start3A_129 = tpu.memref_slice %arg7[%dma_start3A_122, %dma_start3A_128] : memref<10x40xi32, #tpu.memory_space<vmem>> -> memref<1x40xi32, #tpu.memory_space<vmem>>
      %dma_start3A_130 = tpu.memref_squeeze %dma_start3A_129 : memref<1x40xi32, #tpu.memory_space<vmem>> -> memref<40xi32, #tpu.memory_space<vmem>>
      %dma_start3A_131 = arith.constant 0 : i32
      %dma_start3A_132 = arith.constant 0 : i32
      %dma_start3A_133 = tpu.memref_slice %arg2[%dma_start3A_131, %dma_start3A_132] : memref<10240x128xf32, #tpu.memory_space<hbm>> -> memref<10240x128xf32, #tpu.memory_space<hbm>>
      tpu.enqueue_indirect_dma source(%dma_start3A_133 : memref<10240x128xf32, #tpu.memory_space<hbm>>) target(%dma_start3A_127 : memref<40x128xf32, #tpu.memory_space<vmem>>) offsets(%dma_start3A_130 : memref<40xi32, #tpu.memory_space<vmem>>) semaphore(%arg16 : memref<!tpu.dma_semaphore, #tpu.memory_space<semaphore_mem>>)
      %dma_wait3A_134 = arith.constant 0 : i32
      %dma_wait3A_135 = arith.constant 0 : i32
      %dma_wait3A_136 = arith.constant 0 : i32
      %dma_wait3A_137 = arith.constant 0 : i32
      %dma_wait3A_138 = tpu.memref_slice %arg9[%dma_wait3A_135, %dma_wait3A_136, %dma_wait3A_137] : memref<5x40x128xf32, #tpu.memory_space<vmem>> -> memref<1x40x128xf32, #tpu.memory_space<vmem>>
      %dma_wait3A_139 = tpu.memref_squeeze %dma_wait3A_138 : memref<1x40x128xf32, #tpu.memory_space<vmem>> -> memref<40x128xf32, #tpu.memory_space<vmem>>
      %dma_wait3A_140 = arith.constant 0 : i32
      %dma_wait3A_141 = tpu.memref_slice %arg7[%dma_wait3A_134, %dma_wait3A_140] : memref<10x40xi32, #tpu.memory_space<vmem>> -> memref<1x40xi32, #tpu.memory_space<vmem>>
      %dma_wait3A_142 = tpu.memref_squeeze %dma_wait3A_141 : memref<1x40xi32, #tpu.memory_space<vmem>> -> memref<40xi32, #tpu.memory_space<vmem>>
      %dma_wait3A_143 = arith.constant 0 : i32
      %dma_wait3A_144 = arith.constant 0 : i32
      %dma_wait3A_145 = tpu.memref_slice %arg2[%dma_wait3A_143, %dma_wait3A_144] : memref<10240x128xf32, #tpu.memory_space<hbm>> -> memref<10240x128xf32, #tpu.memory_space<hbm>>
      tpu.wait_indirect_dma semaphore(%arg12 : memref<!tpu.dma_semaphore, #tpu.memory_space<semaphore_mem>>) src(%dma_wait3A_145 : memref<10240x128xf32, #tpu.memory_space<hbm>>) dst(%dma_wait3A_139 : memref<40x128xf32, #tpu.memory_space<vmem>>)
      %dma_start3A_146 = arith.constant 0 : i32
      %dma_start3A_147 = arith.constant 0 : i32
      %dma_start3A_148 = arith.constant 0 : i32
      %dma_start3A_149 = arith.constant 0 : i32
      %dma_start3A_150 = tpu.memref_slice %arg9[%dma_start3A_146, %dma_start3A_148, %dma_start3A_149] : memref<5x40x128xf32, #tpu.memory_space<vmem>> -> memref<1x40x128xf32, #tpu.memory_space<vmem>>
      %dma_start3A_151 = tpu.memref_squeeze %dma_start3A_150 : memref<1x40x128xf32, #tpu.memory_space<vmem>> -> memref<40x128xf32, #tpu.memory_space<vmem>>
      %dma_start3A_152 = arith.constant 0 : i32
      %dma_start3A_153 = tpu.memref_slice %arg8[%dma_start3A_147, %dma_start3A_152] : memref<10x40xi32, #tpu.memory_space<vmem>> -> memref<1x40xi32, #tpu.memory_space<vmem>>
      %dma_start3A_154 = tpu.memref_squeeze %dma_start3A_153 : memref<1x40xi32, #tpu.memory_space<vmem>> -> memref<40xi32, #tpu.memory_space<vmem>>
      %dma_start3A_155 = arith.constant 0 : i32
      %dma_start3A_156 = arith.constant 0 : i32
      %dma_start3A_157 = tpu.memref_slice %arg10[%dma_start3A_155, %dma_start3A_156] : memref<10240x128xf32, #tpu.memory_space<vmem_shared>> -> memref<10240x128xf32, #tpu.memory_space<vmem_shared>>
      tpu.enqueue_indirect_dma source(%dma_start3A_151 : memref<40x128xf32, #tpu.memory_space<vmem>>) target(%dma_start3A_157 : memref<10240x128xf32, #tpu.memory_space<vmem_shared>>) offsets(%dma_start3A_154 : memref<40xi32, #tpu.memory_space<vmem>>) semaphore(%arg17 : memref<!tpu.dma_semaphore, #tpu.memory_space<semaphore_mem>>) {add = true}
      %dma_wait3A_158 = arith.constant 1 : i32
      %dma_wait3A_159 = arith.constant 1 : i32
      %dma_wait3A_160 = arith.constant 0 : i32
      %dma_wait3A_161 = arith.constant 0 : i32
      %dma_wait3A_162 = tpu.memref_slice %arg9[%dma_wait3A_159, %dma_wait3A_160, %dma_wait3A_161] : memref<5x40x128xf32, #tpu.memory_space<vmem>> -> memref<1x40x128xf32, #tpu.memory_space<vmem>>
      %dma_wait3A_163 = tpu.memref_squeeze %dma_wait3A_162 : memref<1x40x128xf32, #tpu.memory_space<vmem>> -> memref<40x128xf32, #tpu.memory_space<vmem>>
      %dma_wait3A_164 = arith.constant 0 : i32
      %dma_wait3A_165 = tpu.memref_slice %arg7[%dma_wait3A_158, %dma_wait3A_164] : memref<10x40xi32, #tpu.memory_space<vmem>> -> memref<1x40xi32, #tpu.memory_space<vmem>>
      %dma_wait3A_166 = tpu.memref_squeeze %dma_wait3A_165 : memref<1x40xi32, #tpu.memory_space<vmem>> -> memref<40xi32, #tpu.memory_space<vmem>>
      %dma_wait3A_167 = arith.constant 0 : i32
      %dma_wait3A_168 = arith.constant 0 : i32
      %dma_wait3A_169 = tpu.memref_slice %arg2[%dma_wait3A_167, %dma_wait3A_168] : memref<10240x128xf32, #tpu.memory_space<hbm>> -> memref<10240x128xf32, #tpu.memory_space<hbm>>
      tpu.wait_indirect_dma semaphore(%arg13 : memref<!tpu.dma_semaphore, #tpu.memory_space<semaphore_mem>>) src(%dma_wait3A_169 : memref<10240x128xf32, #tpu.memory_space<hbm>>) dst(%dma_wait3A_163 : memref<40x128xf32, #tpu.memory_space<vmem>>)
      %dma_start3A_170 = arith.constant 1 : i32
      %dma_start3A_171 = arith.constant 1 : i32
      %dma_start3A_172 = arith.constant 0 : i32
      %dma_start3A_173 = arith.constant 0 : i32
      %dma_start3A_174 = tpu.memref_slice %arg9[%dma_start3A_170, %dma_start3A_172, %dma_start3A_173] : memref<5x40x128xf32, #tpu.memory_space<vmem>> -> memref<1x40x128xf32, #tpu.memory_space<vmem>>
      %dma_start3A_175 = tpu.memref_squeeze %dma_start3A_174 : memref<1x40x128xf32, #tpu.memory_space<vmem>> -> memref<40x128xf32, #tpu.memory_space<vmem>>
      %dma_start3A_176 = arith.constant 0 : i32
      %dma_start3A_177 = tpu.memref_slice %arg8[%dma_start3A_171, %dma_start3A_176] : memref<10x40xi32, #tpu.memory_space<vmem>> -> memref<1x40xi32, #tpu.memory_space<vmem>>
      %dma_start3A_178 = tpu.memref_squeeze %dma_start3A_177 : memref<1x40xi32, #tpu.memory_space<vmem>> -> memref<40xi32, #tpu.memory_space<vmem>>
      %dma_start3A_179 = arith.constant 0 : i32
      %dma_start3A_180 = arith.constant 0 : i32
      %dma_start3A_181 = tpu.memref_slice %arg10[%dma_start3A_179, %dma_start3A_180] : memref<10240x128xf32, #tpu.memory_space<vmem_shared>> -> memref<10240x128xf32, #tpu.memory_space<vmem_shared>>
      tpu.enqueue_indirect_dma source(%dma_start3A_175 : memref<40x128xf32, #tpu.memory_space<vmem>>) target(%dma_start3A_181 : memref<10240x128xf32, #tpu.memory_space<vmem_shared>>) offsets(%dma_start3A_178 : memref<40xi32, #tpu.memory_space<vmem>>) semaphore(%arg18 : memref<!tpu.dma_semaphore, #tpu.memory_space<semaphore_mem>>) {add = true}
      %dma_wait3A_182 = arith.constant 2 : i32
      %dma_wait3A_183 = arith.constant 2 : i32
      %dma_wait3A_184 = arith.constant 0 : i32
      %dma_wait3A_185 = arith.constant 0 : i32
      %dma_wait3A_186 = tpu.memref_slice %arg9[%dma_wait3A_183, %dma_wait3A_184, %dma_wait3A_185] : memref<5x40x128xf32, #tpu.memory_space<vmem>> -> memref<1x40x128xf32, #tpu.memory_space<vmem>>
      %dma_wait3A_187 = tpu.memref_squeeze %dma_wait3A_186 : memref<1x40x128xf32, #tpu.memory_space<vmem>> -> memref<40x128xf32, #tpu.memory_space<vmem>>
      %dma_wait3A_188 = arith.constant 0 : i32
      %dma_wait3A_189 = tpu.memref_slice %arg7[%dma_wait3A_182, %dma_wait3A_188] : memref<10x40xi32, #tpu.memory_space<vmem>> -> memref<1x40xi32, #tpu.memory_space<vmem>>
      %dma_wait3A_190 = tpu.memref_squeeze %dma_wait3A_189 : memref<1x40xi32, #tpu.memory_space<vmem>> -> memref<40xi32, #tpu.memory_space<vmem>>
      %dma_wait3A_191 = arith.constant 0 : i32
      %dma_wait3A_192 = arith.constant 0 : i32
      %dma_wait3A_193 = tpu.memref_slice %arg2[%dma_wait3A_191, %dma_wait3A_192] : memref<10240x128xf32, #tpu.memory_space<hbm>> -> memref<10240x128xf32, #tpu.memory_space<hbm>>
      tpu.wait_indirect_dma semaphore(%arg14 : memref<!tpu.dma_semaphore, #tpu.memory_space<semaphore_mem>>) src(%dma_wait3A_193 : memref<10240x128xf32, #tpu.memory_space<hbm>>) dst(%dma_wait3A_187 : memref<40x128xf32, #tpu.memory_space<vmem>>)
      %dma_start3A_194 = arith.constant 2 : i32
      %dma_start3A_195 = arith.constant 2 : i32
      %dma_start3A_196 = arith.constant 0 : i32
      %dma_start3A_197 = arith.constant 0 : i32
      %dma_start3A_198 = tpu.memref_slice %arg9[%dma_start3A_194, %dma_start3A_196, %dma_start3A_197] : memref<5x40x128xf32, #tpu.memory_space<vmem>> -> memref<1x40x128xf32, #tpu.memory_space<vmem>>
      %dma_start3A_199 = tpu.memref_squeeze %dma_start3A_198 : memref<1x40x128xf32, #tpu.memory_space<vmem>> -> memref<40x128xf32, #tpu.memory_space<vmem>>
      %dma_start3A_200 = arith.constant 0 : i32
      %dma_start3A_201 = tpu.memref_slice %arg8[%dma_start3A_195, %dma_start3A_200] : memref<10x40xi32, #tpu.memory_space<vmem>> -> memref<1x40xi32, #tpu.memory_space<vmem>>
      %dma_start3A_202 = tpu.memref_squeeze %dma_start3A_201 : memref<1x40xi32, #tpu.memory_space<vmem>> -> memref<40xi32, #tpu.memory_space<vmem>>
      %dma_start3A_203 = arith.constant 0 : i32
      %dma_start3A_204 = arith.constant 0 : i32
      %dma_start3A_205 = tpu.memref_slice %arg10[%dma_start3A_203, %dma_start3A_204] : memref<10240x128xf32, #tpu.memory_space<vmem_shared>> -> memref<10240x128xf32, #tpu.memory_space<vmem_shared>>
      tpu.enqueue_indirect_dma source(%dma_start3A_199 : memref<40x128xf32, #tpu.memory_space<vmem>>) target(%dma_start3A_205 : memref<10240x128xf32, #tpu.memory_space<vmem_shared>>) offsets(%dma_start3A_202 : memref<40xi32, #tpu.memory_space<vmem>>) semaphore(%arg19 : memref<!tpu.dma_semaphore, #tpu.memory_space<semaphore_mem>>) {add = true}
      %dma_wait3A_206 = arith.constant 3 : i32
      %dma_wait3A_207 = arith.constant 3 : i32
      %dma_wait3A_208 = arith.constant 0 : i32
      %dma_wait3A_209 = arith.constant 0 : i32
      %dma_wait3A_210 = tpu.memref_slice %arg9[%dma_wait3A_207, %dma_wait3A_208, %dma_wait3A_209] : memref<5x40x128xf32, #tpu.memory_space<vmem>> -> memref<1x40x128xf32, #tpu.memory_space<vmem>>
      %dma_wait3A_211 = tpu.memref_squeeze %dma_wait3A_210 : memref<1x40x128xf32, #tpu.memory_space<vmem>> -> memref<40x128xf32, #tpu.memory_space<vmem>>
      %dma_wait3A_212 = arith.constant 0 : i32
      %dma_wait3A_213 = tpu.memref_slice %arg7[%dma_wait3A_206, %dma_wait3A_212] : memref<10x40xi32, #tpu.memory_space<vmem>> -> memref<1x40xi32, #tpu.memory_space<vmem>>
      %dma_wait3A_214 = tpu.memref_squeeze %dma_wait3A_213 : memref<1x40xi32, #tpu.memory_space<vmem>> -> memref<40xi32, #tpu.memory_space<vmem>>
      %dma_wait3A_215 = arith.constant 0 : i32
      %dma_wait3A_216 = arith.constant 0 : i32
      %dma_wait3A_217 = tpu.memref_slice %arg2[%dma_wait3A_215, %dma_wait3A_216] : memref<10240x128xf32, #tpu.memory_space<hbm>> -> memref<10240x128xf32, #tpu.memory_space<hbm>>
      tpu.wait_indirect_dma semaphore(%arg15 : memref<!tpu.dma_semaphore, #tpu.memory_space<semaphore_mem>>) src(%dma_wait3A_217 : memref<10240x128xf32, #tpu.memory_space<hbm>>) dst(%dma_wait3A_211 : memref<40x128xf32, #tpu.memory_space<vmem>>)
      %dma_start3A_218 = arith.constant 3 : i32
      %dma_start3A_219 = arith.constant 3 : i32
      %dma_start3A_220 = arith.constant 0 : i32
      %dma_start3A_221 = arith.constant 0 : i32
      %dma_start3A_222 = tpu.memref_slice %arg9[%dma_start3A_218, %dma_start3A_220, %dma_start3A_221] : memref<5x40x128xf32, #tpu.memory_space<vmem>> -> memref<1x40x128xf32, #tpu.memory_space<vmem>>
      %dma_start3A_223 = tpu.memref_squeeze %dma_start3A_222 : memref<1x40x128xf32, #tpu.memory_space<vmem>> -> memref<40x128xf32, #tpu.memory_space<vmem>>
      %dma_start3A_224 = arith.constant 0 : i32
      %dma_start3A_225 = tpu.memref_slice %arg8[%dma_start3A_219, %dma_start3A_224] : memref<10x40xi32, #tpu.memory_space<vmem>> -> memref<1x40xi32, #tpu.memory_space<vmem>>
      %dma_start3A_226 = tpu.memref_squeeze %dma_start3A_225 : memref<1x40xi32, #tpu.memory_space<vmem>> -> memref<40xi32, #tpu.memory_space<vmem>>
      %dma_start3A_227 = arith.constant 0 : i32
      %dma_start3A_228 = arith.constant 0 : i32
      %dma_start3A_229 = tpu.memref_slice %arg10[%dma_start3A_227, %dma_start3A_228] : memref<10240x128xf32, #tpu.memory_space<vmem_shared>> -> memref<10240x128xf32, #tpu.memory_space<vmem_shared>>
      tpu.enqueue_indirect_dma source(%dma_start3A_223 : memref<40x128xf32, #tpu.memory_space<vmem>>) target(%dma_start3A_229 : memref<10240x128xf32, #tpu.memory_space<vmem_shared>>) offsets(%dma_start3A_226 : memref<40xi32, #tpu.memory_space<vmem>>) semaphore(%arg20 : memref<!tpu.dma_semaphore, #tpu.memory_space<semaphore_mem>>) {add = true}
      %dma_wait3A_230 = arith.constant 4 : i32
      %dma_wait3A_231 = arith.constant 4 : i32
      %dma_wait3A_232 = arith.constant 0 : i32
      %dma_wait3A_233 = arith.constant 0 : i32
      %dma_wait3A_234 = tpu.memref_slice %arg9[%dma_wait3A_231, %dma_wait3A_232, %dma_wait3A_233] : memref<5x40x128xf32, #tpu.memory_space<vmem>> -> memref<1x40x128xf32, #tpu.memory_space<vmem>>
      %dma_wait3A_235 = tpu.memref_squeeze %dma_wait3A_234 : memref<1x40x128xf32, #tpu.memory_space<vmem>> -> memref<40x128xf32, #tpu.memory_space<vmem>>
      %dma_wait3A_236 = arith.constant 0 : i32
      %dma_wait3A_237 = tpu.memref_slice %arg7[%dma_wait3A_230, %dma_wait3A_236] : memref<10x40xi32, #tpu.memory_space<vmem>> -> memref<1x40xi32, #tpu.memory_space<vmem>>
      %dma_wait3A_238 = tpu.memref_squeeze %dma_wait3A_237 : memref<1x40xi32, #tpu.memory_space<vmem>> -> memref<40xi32, #tpu.memory_space<vmem>>
      %dma_wait3A_239 = arith.constant 0 : i32
      %dma_wait3A_240 = arith.constant 0 : i32
      %dma_wait3A_241 = tpu.memref_slice %arg2[%dma_wait3A_239, %dma_wait3A_240] : memref<10240x128xf32, #tpu.memory_space<hbm>> -> memref<10240x128xf32, #tpu.memory_space<hbm>>
      tpu.wait_indirect_dma semaphore(%arg16 : memref<!tpu.dma_semaphore, #tpu.memory_space<semaphore_mem>>) src(%dma_wait3A_241 : memref<10240x128xf32, #tpu.memory_space<hbm>>) dst(%dma_wait3A_235 : memref<40x128xf32, #tpu.memory_space<vmem>>)
      %dma_start3A_242 = arith.constant 4 : i32
      %dma_start3A_243 = arith.constant 4 : i32
      %dma_start3A_244 = arith.constant 0 : i32
      %dma_start3A_245 = arith.constant 0 : i32
      %dma_start3A_246 = tpu.memref_slice %arg9[%dma_start3A_242, %dma_start3A_244, %dma_start3A_245] : memref<5x40x128xf32, #tpu.memory_space<vmem>> -> memref<1x40x128xf32, #tpu.memory_space<vmem>>
      %dma_start3A_247 = tpu.memref_squeeze %dma_start3A_246 : memref<1x40x128xf32, #tpu.memory_space<vmem>> -> memref<40x128xf32, #tpu.memory_space<vmem>>
      %dma_start3A_248 = arith.constant 0 : i32
      %dma_start3A_249 = tpu.memref_slice %arg8[%dma_start3A_243, %dma_start3A_248] : memref<10x40xi32, #tpu.memory_space<vmem>> -> memref<1x40xi32, #tpu.memory_space<vmem>>
      %dma_start3A_250 = tpu.memref_squeeze %dma_start3A_249 : memref<1x40xi32, #tpu.memory_space<vmem>> -> memref<40xi32, #tpu.memory_space<vmem>>
      %dma_start3A_251 = arith.constant 0 : i32
      %dma_start3A_252 = arith.constant 0 : i32
      %dma_start3A_253 = tpu.memref_slice %arg10[%dma_start3A_251, %dma_start3A_252] : memref<10240x128xf32, #tpu.memory_space<vmem_shared>> -> memref<10240x128xf32, #tpu.memory_space<vmem_shared>>
      tpu.enqueue_indirect_dma source(%dma_start3A_247 : memref<40x128xf32, #tpu.memory_space<vmem>>) target(%dma_start3A_253 : memref<10240x128xf32, #tpu.memory_space<vmem_shared>>) offsets(%dma_start3A_250 : memref<40xi32, #tpu.memory_space<vmem>>) semaphore(%arg21 : memref<!tpu.dma_semaphore, #tpu.memory_space<semaphore_mem>>) {add = true}
      %dma_wait3A_254 = arith.constant 0 : i32
      %dma_wait3A_255 = arith.constant 0 : i32
      %dma_wait3A_256 = arith.constant 0 : i32
      %dma_wait3A_257 = arith.constant 0 : i32
      %dma_wait3A_258 = tpu.memref_slice %arg9[%dma_wait3A_254, %dma_wait3A_256, %dma_wait3A_257] : memref<5x40x128xf32, #tpu.memory_space<vmem>> -> memref<1x40x128xf32, #tpu.memory_space<vmem>>
      %dma_wait3A_259 = tpu.memref_squeeze %dma_wait3A_258 : memref<1x40x128xf32, #tpu.memory_space<vmem>> -> memref<40x128xf32, #tpu.memory_space<vmem>>
      %dma_wait3A_260 = arith.constant 0 : i32
      %dma_wait3A_261 = tpu.memref_slice %arg8[%dma_wait3A_255, %dma_wait3A_260] : memref<10x40xi32, #tpu.memory_space<vmem>> -> memref<1x40xi32, #tpu.memory_space<vmem>>
      %dma_wait3A_262 = tpu.memref_squeeze %dma_wait3A_261 : memref<1x40xi32, #tpu.memory_space<vmem>> -> memref<40xi32, #tpu.memory_space<vmem>>
      %dma_wait3A_263 = arith.constant 0 : i32
      %dma_wait3A_264 = arith.constant 0 : i32
      %dma_wait3A_265 = tpu.memref_slice %arg10[%dma_wait3A_263, %dma_wait3A_264] : memref<10240x128xf32, #tpu.memory_space<vmem_shared>> -> memref<10240x128xf32, #tpu.memory_space<vmem_shared>>
      tpu.wait_indirect_dma semaphore(%arg17 : memref<!tpu.dma_semaphore, #tpu.memory_space<semaphore_mem>>) src(%dma_wait3A_259 : memref<40x128xf32, #tpu.memory_space<vmem>>) dst(%dma_wait3A_265 : memref<10240x128xf32, #tpu.memory_space<vmem_shared>>)
      %dma_wait3A_266 = arith.constant 1 : i32
      %dma_wait3A_267 = arith.constant 1 : i32
      %dma_wait3A_268 = arith.constant 0 : i32
      %dma_wait3A_269 = arith.constant 0 : i32
      %dma_wait3A_270 = tpu.memref_slice %arg9[%dma_wait3A_266, %dma_wait3A_268, %dma_wait3A_269] : memref<5x40x128xf32, #tpu.memory_space<vmem>> -> memref<1x40x128xf32, #tpu.memory_space<vmem>>
      %dma_wait3A_271 = tpu.memref_squeeze %dma_wait3A_270 : memref<1x40x128xf32, #tpu.memory_space<vmem>> -> memref<40x128xf32, #tpu.memory_space<vmem>>
      %dma_wait3A_272 = arith.constant 0 : i32
      %dma_wait3A_273 = tpu.memref_slice %arg8[%dma_wait3A_267, %dma_wait3A_272] : memref<10x40xi32, #tpu.memory_space<vmem>> -> memref<1x40xi32, #tpu.memory_space<vmem>>
      %dma_wait3A_274 = tpu.memref_squeeze %dma_wait3A_273 : memref<1x40xi32, #tpu.memory_space<vmem>> -> memref<40xi32, #tpu.memory_space<vmem>>
      %dma_wait3A_275 = arith.constant 0 : i32
      %dma_wait3A_276 = arith.constant 0 : i32
      %dma_wait3A_277 = tpu.memref_slice %arg10[%dma_wait3A_275, %dma_wait3A_276] : memref<10240x128xf32, #tpu.memory_space<vmem_shared>> -> memref<10240x128xf32, #tpu.memory_space<vmem_shared>>
      tpu.wait_indirect_dma semaphore(%arg18 : memref<!tpu.dma_semaphore, #tpu.memory_space<semaphore_mem>>) src(%dma_wait3A_271 : memref<40x128xf32, #tpu.memory_space<vmem>>) dst(%dma_wait3A_277 : memref<10240x128xf32, #tpu.memory_space<vmem_shared>>)
      %dma_wait3A_278 = arith.constant 2 : i32
      %dma_wait3A_279 = arith.constant 2 : i32
      %dma_wait3A_280 = arith.constant 0 : i32
      %dma_wait3A_281 = arith.constant 0 : i32
      %dma_wait3A_282 = tpu.memref_slice %arg9[%dma_wait3A_278, %dma_wait3A_280, %dma_wait3A_281] : memref<5x40x128xf32, #tpu.memory_space<vmem>> -> memref<1x40x128xf32, #tpu.memory_space<vmem>>
      %dma_wait3A_283 = tpu.memref_squeeze %dma_wait3A_282 : memref<1x40x128xf32, #tpu.memory_space<vmem>> -> memref<40x128xf32, #tpu.memory_space<vmem>>
      %dma_wait3A_284 = arith.constant 0 : i32
      %dma_wait3A_285 = tpu.memref_slice %arg8[%dma_wait3A_279, %dma_wait3A_284] : memref<10x40xi32, #tpu.memory_space<vmem>> -> memref<1x40xi32, #tpu.memory_space<vmem>>
      %dma_wait3A_286 = tpu.memref_squeeze %dma_wait3A_285 : memref<1x40xi32, #tpu.memory_space<vmem>> -> memref<40xi32, #tpu.memory_space<vmem>>
      %dma_wait3A_287 = arith.constant 0 : i32
      %dma_wait3A_288 = arith.constant 0 : i32
      %dma_wait3A_289 = tpu.memref_slice %arg10[%dma_wait3A_287, %dma_wait3A_288] : memref<10240x128xf32, #tpu.memory_space<vmem_shared>> -> memref<10240x128xf32, #tpu.memory_space<vmem_shared>>
      tpu.wait_indirect_dma semaphore(%arg19 : memref<!tpu.dma_semaphore, #tpu.memory_space<semaphore_mem>>) src(%dma_wait3A_283 : memref<40x128xf32, #tpu.memory_space<vmem>>) dst(%dma_wait3A_289 : memref<10240x128xf32, #tpu.memory_space<vmem_shared>>)
      %dma_wait3A_290 = arith.constant 3 : i32
      %dma_wait3A_291 = arith.constant 3 : i32
      %dma_wait3A_292 = arith.constant 0 : i32
      %dma_wait3A_293 = arith.constant 0 : i32
      %dma_wait3A_294 = tpu.memref_slice %arg9[%dma_wait3A_290, %dma_wait3A_292, %dma_wait3A_293] : memref<5x40x128xf32, #tpu.memory_space<vmem>> -> memref<1x40x128xf32, #tpu.memory_space<vmem>>
      %dma_wait3A_295 = tpu.memref_squeeze %dma_wait3A_294 : memref<1x40x128xf32, #tpu.memory_space<vmem>> -> memref<40x128xf32, #tpu.memory_space<vmem>>
      %dma_wait3A_296 = arith.constant 0 : i32
      %dma_wait3A_297 = tpu.memref_slice %arg8[%dma_wait3A_291, %dma_wait3A_296] : memref<10x40xi32, #tpu.memory_space<vmem>> -> memref<1x40xi32, #tpu.memory_space<vmem>>
      %dma_wait3A_298 = tpu.memref_squeeze %dma_wait3A_297 : memref<1x40xi32, #tpu.memory_space<vmem>> -> memref<40xi32, #tpu.memory_space<vmem>>
      %dma_wait3A_299 = arith.constant 0 : i32
      %dma_wait3A_300 = arith.constant 0 : i32
      %dma_wait3A_301 = tpu.memref_slice %arg10[%dma_wait3A_299, %dma_wait3A_300] : memref<10240x128xf32, #tpu.memory_space<vmem_shared>> -> memref<10240x128xf32, #tpu.memory_space<vmem_shared>>
      tpu.wait_indirect_dma semaphore(%arg20 : memref<!tpu.dma_semaphore, #tpu.memory_space<semaphore_mem>>) src(%dma_wait3A_295 : memref<40x128xf32, #tpu.memory_space<vmem>>) dst(%dma_wait3A_301 : memref<10240x128xf32, #tpu.memory_space<vmem_shared>>)
      %dma_wait3A_302 = arith.constant 4 : i32
      %dma_wait3A_303 = arith.constant 4 : i32
      %dma_wait3A_304 = arith.constant 0 : i32
      %dma_wait3A_305 = arith.constant 0 : i32
      %dma_wait3A_306 = tpu.memref_slice %arg9[%dma_wait3A_302, %dma_wait3A_304, %dma_wait3A_305] : memref<5x40x128xf32, #tpu.memory_space<vmem>> -> memref<1x40x128xf32, #tpu.memory_space<vmem>>
      %dma_wait3A_307 = tpu.memref_squeeze %dma_wait3A_306 : memref<1x40x128xf32, #tpu.memory_space<vmem>> -> memref<40x128xf32, #tpu.memory_space<vmem>>
      %dma_wait3A_308 = arith.constant 0 : i32
      %dma_wait3A_309 = tpu.memref_slice %arg8[%dma_wait3A_303, %dma_wait3A_308] : memref<10x40xi32, #tpu.memory_space<vmem>> -> memref<1x40xi32, #tpu.memory_space<vmem>>
      %dma_wait3A_310 = tpu.memref_squeeze %dma_wait3A_309 : memref<1x40xi32, #tpu.memory_space<vmem>> -> memref<40xi32, #tpu.memory_space<vmem>>
      %dma_wait3A_311 = arith.constant 0 : i32
      %dma_wait3A_312 = arith.constant 0 : i32
      %dma_wait3A_313 = tpu.memref_slice %arg10[%dma_wait3A_311, %dma_wait3A_312] : memref<10240x128xf32, #tpu.memory_space<vmem_shared>> -> memref<10240x128xf32, #tpu.memory_space<vmem_shared>>
      tpu.wait_indirect_dma semaphore(%arg21 : memref<!tpu.dma_semaphore, #tpu.memory_space<semaphore_mem>>) src(%dma_wait3A_307 : memref<40x128xf32, #tpu.memory_space<vmem>>) dst(%dma_wait3A_313 : memref<10240x128xf32, #tpu.memory_space<vmem_shared>>)
      %mul3A_314 = arith.constant 2 : i32
      %mul3A_315 = arith.muli %mul3A_314, %scan3A_40 : i32
      %add3A_316 = arith.constant 1 : i32
      %add3A_317 = arith.addi %mul3A_315, %add3A_316 : i32
      %dma_wait3A_318 = arith.constant 0 : i32
      %dma_wait3A_319 = arith.constant 5 : i32
      %dma_wait3A_320 = arith.constant 0 : i32
      %dma_wait3A_321 = tpu.memref_slice %arg7[%dma_wait3A_319, %dma_wait3A_320] : memref<10x40xi32, #tpu.memory_space<vmem>> -> memref<5x40xi32, #tpu.memory_space<vmem>>
      %dma_wait3A_322 = arith.constant 0 : i32
      %dma_wait3A_323 = arith.constant 0 : i32
      %dma_wait3A_324 = tpu.memref_slice %arg3[%dma_wait3A_318, %add3A, %add3A_317, %dma_wait3A_322, %dma_wait3A_323] : memref<2x32x50x5x40xi32, #tpu.memory_space<hbm>> -> memref<1x1x1x5x40xi32, #tpu.memory_space<hbm>>
      %dma_wait3A_325 = tpu.memref_squeeze %dma_wait3A_324 : memref<1x1x1x5x40xi32, #tpu.memory_space<hbm>> -> memref<5x40xi32, #tpu.memory_space<hbm>>
      %dma_wait3A_326 = arith.constant 5 : i32
      %dma_wait3A_327 = arith.constant 0 : i32
      %dma_wait3A_328 = tpu.memref_slice %arg7[%dma_wait3A_326, %dma_wait3A_327] : memref<10x40xi32, #tpu.memory_space<vmem>> -> memref<5x40xi32, #tpu.memory_space<vmem>>
      %dma_wait3A_329 = arith.constant 0 : i32
      %dma_wait3A_330 = arith.constant 0 : i32
      %dma_wait3A_331 = tpu.memref_slice %arg3[%dma_wait3A_318, %add3A, %add3A_317, %dma_wait3A_329, %dma_wait3A_330] : memref<2x32x50x5x40xi32, #tpu.memory_space<hbm>> -> memref<1x1x1x5x40xi32, #tpu.memory_space<hbm>>
      %dma_wait3A_332 = tpu.memref_squeeze %dma_wait3A_331 : memref<1x1x1x5x40xi32, #tpu.memory_space<hbm>> -> memref<5x40xi32, #tpu.memory_space<hbm>>
      tpu.wait_dma2 semaphore(%arg11 : memref<!tpu.dma_semaphore, #tpu.memory_space<semaphore_mem>>) src(%dma_wait3A_332 : memref<5x40xi32, #tpu.memory_space<hbm>>) dst(%dma_wait3A_328 : memref<5x40xi32, #tpu.memory_space<vmem>>)
      %dma_wait3A_333 = arith.constant 1 : i32
      %dma_wait3A_334 = arith.constant 5 : i32
      %dma_wait3A_335 = arith.constant 0 : i32
      %dma_wait3A_336 = tpu.memref_slice %arg8[%dma_wait3A_334, %dma_wait3A_335] : memref<10x40xi32, #tpu.memory_space<vmem>> -> memref<5x40xi32, #tpu.memory_space<vmem>>
      %dma_wait3A_337 = arith.constant 0 : i32
      %dma_wait3A_338 = arith.constant 0 : i32
      %dma_wait3A_339 = tpu.memref_slice %arg3[%dma_wait3A_333, %add3A, %add3A_317, %dma_wait3A_337, %dma_wait3A_338] : memref<2x32x50x5x40xi32, #tpu.memory_space<hbm>> -> memref<1x1x1x5x40xi32, #tpu.memory_space<hbm>>
      %dma_wait3A_340 = tpu.memref_squeeze %dma_wait3A_339 : memref<1x1x1x5x40xi32, #tpu.memory_space<hbm>> -> memref<5x40xi32, #tpu.memory_space<hbm>>
      %dma_wait3A_341 = arith.constant 5 : i32
      %dma_wait3A_342 = arith.constant 0 : i32
      %dma_wait3A_343 = tpu.memref_slice %arg8[%dma_wait3A_341, %dma_wait3A_342] : memref<10x40xi32, #tpu.memory_space<vmem>> -> memref<5x40xi32, #tpu.memory_space<vmem>>
      %dma_wait3A_344 = arith.constant 0 : i32
      %dma_wait3A_345 = arith.constant 0 : i32
      %dma_wait3A_346 = tpu.memref_slice %arg3[%dma_wait3A_333, %add3A, %add3A_317, %dma_wait3A_344, %dma_wait3A_345] : memref<2x32x50x5x40xi32, #tpu.memory_space<hbm>> -> memref<1x1x1x5x40xi32, #tpu.memory_space<hbm>>
      %dma_wait3A_347 = tpu.memref_squeeze %dma_wait3A_346 : memref<1x1x1x5x40xi32, #tpu.memory_space<hbm>> -> memref<5x40xi32, #tpu.memory_space<hbm>>
      tpu.wait_dma2 semaphore(%arg11 : memref<!tpu.dma_semaphore, #tpu.memory_space<semaphore_mem>>) src(%dma_wait3A_347 : memref<5x40xi32, #tpu.memory_space<hbm>>) dst(%dma_wait3A_343 : memref<5x40xi32, #tpu.memory_space<vmem>>)
      %lt3A_348 = arith.constant 49 : i32
      %lt3A_349 = arith.cmpi slt, %add3A_317, %lt3A_348 : i32
      %convert_element_type3A_350 = arith.extui %lt3A_349 : i1 to i32
      %cond3A_351 = arith.constant 0 : i32
      %cond3A_352 = arith.cmpi ne, %convert_element_type3A_350, %cond3A_351 : i32
      scf.if %cond3A_352 {
        %add3A_593 = arith.constant 1 : i32
        %add3A_594 = arith.addi %add3A_317, %add3A_593 : i32
        %dma_start3A_595 = arith.constant 0 : i32
        %dma_start3A_596 = arith.constant 0 : i32
        %dma_start3A_597 = arith.constant 0 : i32
        %dma_start3A_598 = tpu.memref_slice %arg7[%dma_start3A_596, %dma_start3A_597] : memref<10x40xi32, #tpu.memory_space<vmem>> -> memref<5x40xi32, #tpu.memory_space<vmem>>
        %dma_start3A_599 = arith.constant 0 : i32
        %dma_start3A_600 = arith.constant 0 : i32
        %dma_start3A_601 = tpu.memref_slice %arg3[%dma_start3A_595, %add3A, %add3A_594, %dma_start3A_599, %dma_start3A_600] : memref<2x32x50x5x40xi32, #tpu.memory_space<hbm>> -> memref<1x1x1x5x40xi32, #tpu.memory_space<hbm>>
        %dma_start3A_602 = tpu.memref_squeeze %dma_start3A_601 : memref<1x1x1x5x40xi32, #tpu.memory_space<hbm>> -> memref<5x40xi32, #tpu.memory_space<hbm>>
        %dma_start3A_603 = arith.constant 0 : i32
        %dma_start3A_604 = arith.constant 0 : i32
        %dma_start3A_605 = tpu.memref_slice %arg7[%dma_start3A_603, %dma_start3A_604] : memref<10x40xi32, #tpu.memory_space<vmem>> -> memref<5x40xi32, #tpu.memory_space<vmem>>
        %dma_start3A_606 = arith.constant 0 : i32
        %dma_start3A_607 = arith.constant 0 : i32
        %dma_start3A_608 = tpu.memref_slice %arg3[%dma_start3A_595, %add3A, %add3A_594, %dma_start3A_606, %dma_start3A_607] : memref<2x32x50x5x40xi32, #tpu.memory_space<hbm>> -> memref<1x1x1x5x40xi32, #tpu.memory_space<hbm>>
        %dma_start3A_609 = tpu.memref_squeeze %dma_start3A_608 : memref<1x1x1x5x40xi32, #tpu.memory_space<hbm>> -> memref<5x40xi32, #tpu.memory_space<hbm>>
        tpu.enqueue_dma source(%dma_start3A_609 : memref<5x40xi32, #tpu.memory_space<hbm>>) target(%dma_start3A_605 : memref<5x40xi32, #tpu.memory_space<vmem>>) target_semaphore(%arg11 : memref<!tpu.dma_semaphore, #tpu.memory_space<semaphore_mem>>)
        %add3A_610 = arith.constant 1 : i32
        %add3A_611 = arith.addi %add3A_317, %add3A_610 : i32
        %dma_start3A_612 = arith.constant 1 : i32
        %dma_start3A_613 = arith.constant 0 : i32
        %dma_start3A_614 = arith.constant 0 : i32
        %dma_start3A_615 = tpu.memref_slice %arg8[%dma_start3A_613, %dma_start3A_614] : memref<10x40xi32, #tpu.memory_space<vmem>> -> memref<5x40xi32, #tpu.memory_space<vmem>>
        %dma_start3A_616 = arith.constant 0 : i32
        %dma_start3A_617 = arith.constant 0 : i32
        %dma_start3A_618 = tpu.memref_slice %arg3[%dma_start3A_612, %add3A, %add3A_611, %dma_start3A_616, %dma_start3A_617] : memref<2x32x50x5x40xi32, #tpu.memory_space<hbm>> -> memref<1x1x1x5x40xi32, #tpu.memory_space<hbm>>
        %dma_start3A_619 = tpu.memref_squeeze %dma_start3A_618 : memref<1x1x1x5x40xi32, #tpu.memory_space<hbm>> -> memref<5x40xi32, #tpu.memory_space<hbm>>
        %dma_start3A_620 = arith.constant 0 : i32
        %dma_start3A_621 = arith.constant 0 : i32
        %dma_start3A_622 = tpu.memref_slice %arg8[%dma_start3A_620, %dma_start3A_621] : memref<10x40xi32, #tpu.memory_space<vmem>> -> memref<5x40xi32, #tpu.memory_space<vmem>>
        %dma_start3A_623 = arith.constant 0 : i32
        %dma_start3A_624 = arith.constant 0 : i32
        %dma_start3A_625 = tpu.memref_slice %arg3[%dma_start3A_612, %add3A, %add3A_611, %dma_start3A_623, %dma_start3A_624] : memref<2x32x50x5x40xi32, #tpu.memory_space<hbm>> -> memref<1x1x1x5x40xi32, #tpu.memory_space<hbm>>
        %dma_start3A_626 = tpu.memref_squeeze %dma_start3A_625 : memref<1x1x1x5x40xi32, #tpu.memory_space<hbm>> -> memref<5x40xi32, #tpu.memory_space<hbm>>
        tpu.enqueue_dma source(%dma_start3A_626 : memref<5x40xi32, #tpu.memory_space<hbm>>) target(%dma_start3A_622 : memref<5x40xi32, #tpu.memory_space<vmem>>) target_semaphore(%arg11 : memref<!tpu.dma_semaphore, #tpu.memory_space<semaphore_mem>>)
      } else {
      }
      %dma_start3A_353 = arith.constant 5 : i32
      %dma_start3A_354 = arith.constant 0 : i32
      %dma_start3A_355 = arith.constant 0 : i32
      %dma_start3A_356 = arith.constant 0 : i32
      %dma_start3A_357 = tpu.memref_slice %arg9[%dma_start3A_354, %dma_start3A_355, %dma_start3A_356] : memref<5x40x128xf32, #tpu.memory_space<vmem>> -> memref<1x40x128xf32, #tpu.memory_space<vmem>>
      %dma_start3A_358 = tpu.memref_squeeze %dma_start3A_357 : memref<1x40x128xf32, #tpu.memory_space<vmem>> -> memref<40x128xf32, #tpu.memory_space<vmem>>
      %dma_start3A_359 = arith.constant 0 : i32
      %dma_start3A_360 = tpu.memref_slice %arg7[%dma_start3A_353, %dma_start3A_359] : memref<10x40xi32, #tpu.memory_space<vmem>> -> memref<1x40xi32, #tpu.memory_space<vmem>>
      %dma_start3A_361 = tpu.memref_squeeze %dma_start3A_360 : memref<1x40xi32, #tpu.memory_space<vmem>> -> memref<40xi32, #tpu.memory_space<vmem>>
      %dma_start3A_362 = arith.constant 0 : i32
      %dma_start3A_363 = arith.constant 0 : i32
      %dma_start3A_364 = tpu.memref_slice %arg2[%dma_start3A_362, %dma_start3A_363] : memref<10240x128xf32, #tpu.memory_space<hbm>> -> memref<10240x128xf32, #tpu.memory_space<hbm>>
      tpu.enqueue_indirect_dma source(%dma_start3A_364 : memref<10240x128xf32, #tpu.memory_space<hbm>>) target(%dma_start3A_358 : memref<40x128xf32, #tpu.memory_space<vmem>>) offsets(%dma_start3A_361 : memref<40xi32, #tpu.memory_space<vmem>>) semaphore(%arg12 : memref<!tpu.dma_semaphore, #tpu.memory_space<semaphore_mem>>)
      %dma_start3A_365 = arith.constant 6 : i32
      %dma_start3A_366 = arith.constant 1 : i32
      %dma_start3A_367 = arith.constant 0 : i32
      %dma_start3A_368 = arith.constant 0 : i32
      %dma_start3A_369 = tpu.memref_slice %arg9[%dma_start3A_366, %dma_start3A_367, %dma_start3A_368] : memref<5x40x128xf32, #tpu.memory_space<vmem>> -> memref<1x40x128xf32, #tpu.memory_space<vmem>>
      %dma_start3A_370 = tpu.memref_squeeze %dma_start3A_369 : memref<1x40x128xf32, #tpu.memory_space<vmem>> -> memref<40x128xf32, #tpu.memory_space<vmem>>
      %dma_start3A_371 = arith.constant 0 : i32
      %dma_start3A_372 = tpu.memref_slice %arg7[%dma_start3A_365, %dma_start3A_371] : memref<10x40xi32, #tpu.memory_space<vmem>> -> memref<1x40xi32, #tpu.memory_space<vmem>>
      %dma_start3A_373 = tpu.memref_squeeze %dma_start3A_372 : memref<1x40xi32, #tpu.memory_space<vmem>> -> memref<40xi32, #tpu.memory_space<vmem>>
      %dma_start3A_374 = arith.constant 0 : i32
      %dma_start3A_375 = arith.constant 0 : i32
      %dma_start3A_376 = tpu.memref_slice %arg2[%dma_start3A_374, %dma_start3A_375] : memref<10240x128xf32, #tpu.memory_space<hbm>> -> memref<10240x128xf32, #tpu.memory_space<hbm>>
      tpu.enqueue_indirect_dma source(%dma_start3A_376 : memref<10240x128xf32, #tpu.memory_space<hbm>>) target(%dma_start3A_370 : memref<40x128xf32, #tpu.memory_space<vmem>>) offsets(%dma_start3A_373 : memref<40xi32, #tpu.memory_space<vmem>>) semaphore(%arg13 : memref<!tpu.dma_semaphore, #tpu.memory_space<semaphore_mem>>)
      %dma_start3A_377 = arith.constant 7 : i32
      %dma_start3A_378 = arith.constant 2 : i32
      %dma_start3A_379 = arith.constant 0 : i32
      %dma_start3A_380 = arith.constant 0 : i32
      %dma_start3A_381 = tpu.memref_slice %arg9[%dma_start3A_378, %dma_start3A_379, %dma_start3A_380] : memref<5x40x128xf32, #tpu.memory_space<vmem>> -> memref<1x40x128xf32, #tpu.memory_space<vmem>>
      %dma_start3A_382 = tpu.memref_squeeze %dma_start3A_381 : memref<1x40x128xf32, #tpu.memory_space<vmem>> -> memref<40x128xf32, #tpu.memory_space<vmem>>
      %dma_start3A_383 = arith.constant 0 : i32
      %dma_start3A_384 = tpu.memref_slice %arg7[%dma_start3A_377, %dma_start3A_383] : memref<10x40xi32, #tpu.memory_space<vmem>> -> memref<1x40xi32, #tpu.memory_space<vmem>>
      %dma_start3A_385 = tpu.memref_squeeze %dma_start3A_384 : memref<1x40xi32, #tpu.memory_space<vmem>> -> memref<40xi32, #tpu.memory_space<vmem>>
      %dma_start3A_386 = arith.constant 0 : i32
      %dma_start3A_387 = arith.constant 0 : i32
      %dma_start3A_388 = tpu.memref_slice %arg2[%dma_start3A_386, %dma_start3A_387] : memref<10240x128xf32, #tpu.memory_space<hbm>> -> memref<10240x128xf32, #tpu.memory_space<hbm>>
      tpu.enqueue_indirect_dma source(%dma_start3A_388 : memref<10240x128xf32, #tpu.memory_space<hbm>>) target(%dma_start3A_382 : memref<40x128xf32, #tpu.memory_space<vmem>>) offsets(%dma_start3A_385 : memref<40xi32, #tpu.memory_space<vmem>>) semaphore(%arg14 : memref<!tpu.dma_semaphore, #tpu.memory_space<semaphore_mem>>)
      %dma_start3A_389 = arith.constant 8 : i32
      %dma_start3A_390 = arith.constant 3 : i32
      %dma_start3A_391 = arith.constant 0 : i32
      %dma_start3A_392 = arith.constant 0 : i32
      %dma_start3A_393 = tpu.memref_slice %arg9[%dma_start3A_390, %dma_start3A_391, %dma_start3A_392] : memref<5x40x128xf32, #tpu.memory_space<vmem>> -> memref<1x40x128xf32, #tpu.memory_space<vmem>>
      %dma_start3A_394 = tpu.memref_squeeze %dma_start3A_393 : memref<1x40x128xf32, #tpu.memory_space<vmem>> -> memref<40x128xf32, #tpu.memory_space<vmem>>
      %dma_start3A_395 = arith.constant 0 : i32
      %dma_start3A_396 = tpu.memref_slice %arg7[%dma_start3A_389, %dma_start3A_395] : memref<10x40xi32, #tpu.memory_space<vmem>> -> memref<1x40xi32, #tpu.memory_space<vmem>>
      %dma_start3A_397 = tpu.memref_squeeze %dma_start3A_396 : memref<1x40xi32, #tpu.memory_space<vmem>> -> memref<40xi32, #tpu.memory_space<vmem>>
      %dma_start3A_398 = arith.constant 0 : i32
      %dma_start3A_399 = arith.constant 0 : i32
      %dma_start3A_400 = tpu.memref_slice %arg2[%dma_start3A_398, %dma_start3A_399] : memref<10240x128xf32, #tpu.memory_space<hbm>> -> memref<10240x128xf32, #tpu.memory_space<hbm>>
      tpu.enqueue_indirect_dma source(%dma_start3A_400 : memref<10240x128xf32, #tpu.memory_space<hbm>>) target(%dma_start3A_394 : memref<40x128xf32, #tpu.memory_space<vmem>>) offsets(%dma_start3A_397 : memref<40xi32, #tpu.memory_space<vmem>>) semaphore(%arg15 : memref<!tpu.dma_semaphore, #tpu.memory_space<semaphore_mem>>)
      %dma_start3A_401 = arith.constant 9 : i32
      %dma_start3A_402 = arith.constant 4 : i32
      %dma_start3A_403 = arith.constant 0 : i32
      %dma_start3A_404 = arith.constant 0 : i32
      %dma_start3A_405 = tpu.memref_slice %arg9[%dma_start3A_402, %dma_start3A_403, %dma_start3A_404] : memref<5x40x128xf32, #tpu.memory_space<vmem>> -> memref<1x40x128xf32, #tpu.memory_space<vmem>>
      %dma_start3A_406 = tpu.memref_squeeze %dma_start3A_405 : memref<1x40x128xf32, #tpu.memory_space<vmem>> -> memref<40x128xf32, #tpu.memory_space<vmem>>
      %dma_start3A_407 = arith.constant 0 : i32
      %dma_start3A_408 = tpu.memref_slice %arg7[%dma_start3A_401, %dma_start3A_407] : memref<10x40xi32, #tpu.memory_space<vmem>> -> memref<1x40xi32, #tpu.memory_space<vmem>>
      %dma_start3A_409 = tpu.memref_squeeze %dma_start3A_408 : memref<1x40xi32, #tpu.memory_space<vmem>> -> memref<40xi32, #tpu.memory_space<vmem>>
      %dma_start3A_410 = arith.constant 0 : i32
      %dma_start3A_411 = arith.constant 0 : i32
      %dma_start3A_412 = tpu.memref_slice %arg2[%dma_start3A_410, %dma_start3A_411] : memref<10240x128xf32, #tpu.memory_space<hbm>> -> memref<10240x128xf32, #tpu.memory_space<hbm>>
      tpu.enqueue_indirect_dma source(%dma_start3A_412 : memref<10240x128xf32, #tpu.memory_space<hbm>>) target(%dma_start3A_406 : memref<40x128xf32, #tpu.memory_space<vmem>>) offsets(%dma_start3A_409 : memref<40xi32, #tpu.memory_space<vmem>>) semaphore(%arg16 : memref<!tpu.dma_semaphore, #tpu.memory_space<semaphore_mem>>)
      %dma_wait3A_413 = arith.constant 5 : i32
      %dma_wait3A_414 = arith.constant 0 : i32
      %dma_wait3A_415 = arith.constant 0 : i32
      %dma_wait3A_416 = arith.constant 0 : i32
      %dma_wait3A_417 = tpu.memref_slice %arg9[%dma_wait3A_414, %dma_wait3A_415, %dma_wait3A_416] : memref<5x40x128xf32, #tpu.memory_space<vmem>> -> memref<1x40x128xf32, #tpu.memory_space<vmem>>
      %dma_wait3A_418 = tpu.memref_squeeze %dma_wait3A_417 : memref<1x40x128xf32, #tpu.memory_space<vmem>> -> memref<40x128xf32, #tpu.memory_space<vmem>>
      %dma_wait3A_419 = arith.constant 0 : i32
      %dma_wait3A_420 = tpu.memref_slice %arg7[%dma_wait3A_413, %dma_wait3A_419] : memref<10x40xi32, #tpu.memory_space<vmem>> -> memref<1x40xi32, #tpu.memory_space<vmem>>
      %dma_wait3A_421 = tpu.memref_squeeze %dma_wait3A_420 : memref<1x40xi32, #tpu.memory_space<vmem>> -> memref<40xi32, #tpu.memory_space<vmem>>
      %dma_wait3A_422 = arith.constant 0 : i32
      %dma_wait3A_423 = arith.constant 0 : i32
      %dma_wait3A_424 = tpu.memref_slice %arg2[%dma_wait3A_422, %dma_wait3A_423] : memref<10240x128xf32, #tpu.memory_space<hbm>> -> memref<10240x128xf32, #tpu.memory_space<hbm>>
      tpu.wait_indirect_dma semaphore(%arg12 : memref<!tpu.dma_semaphore, #tpu.memory_space<semaphore_mem>>) src(%dma_wait3A_424 : memref<10240x128xf32, #tpu.memory_space<hbm>>) dst(%dma_wait3A_418 : memref<40x128xf32, #tpu.memory_space<vmem>>)
      %dma_start3A_425 = arith.constant 0 : i32
      %dma_start3A_426 = arith.constant 5 : i32
      %dma_start3A_427 = arith.constant 0 : i32
      %dma_start3A_428 = arith.constant 0 : i32
      %dma_start3A_429 = tpu.memref_slice %arg9[%dma_start3A_425, %dma_start3A_427, %dma_start3A_428] : memref<5x40x128xf32, #tpu.memory_space<vmem>> -> memref<1x40x128xf32, #tpu.memory_space<vmem>>
      %dma_start3A_430 = tpu.memref_squeeze %dma_start3A_429 : memref<1x40x128xf32, #tpu.memory_space<vmem>> -> memref<40x128xf32, #tpu.memory_space<vmem>>
      %dma_start3A_431 = arith.constant 0 : i32
      %dma_start3A_432 = tpu.memref_slice %arg8[%dma_start3A_426, %dma_start3A_431] : memref<10x40xi32, #tpu.memory_space<vmem>> -> memref<1x40xi32, #tpu.memory_space<vmem>>
      %dma_start3A_433 = tpu.memref_squeeze %dma_start3A_432 : memref<1x40xi32, #tpu.memory_space<vmem>> -> memref<40xi32, #tpu.memory_space<vmem>>
      %dma_start3A_434 = arith.constant 0 : i32
      %dma_start3A_435 = arith.constant 0 : i32
      %dma_start3A_436 = tpu.memref_slice %arg10[%dma_start3A_434, %dma_start3A_435] : memref<10240x128xf32, #tpu.memory_space<vmem_shared>> -> memref<10240x128xf32, #tpu.memory_space<vmem_shared>>
      tpu.enqueue_indirect_dma source(%dma_start3A_430 : memref<40x128xf32, #tpu.memory_space<vmem>>) target(%dma_start3A_436 : memref<10240x128xf32, #tpu.memory_space<vmem_shared>>) offsets(%dma_start3A_433 : memref<40xi32, #tpu.memory_space<vmem>>) semaphore(%arg17 : memref<!tpu.dma_semaphore, #tpu.memory_space<semaphore_mem>>) {add = true}
      %dma_wait3A_437 = arith.constant 6 : i32
      %dma_wait3A_438 = arith.constant 1 : i32
      %dma_wait3A_439 = arith.constant 0 : i32
      %dma_wait3A_440 = arith.constant 0 : i32
      %dma_wait3A_441 = tpu.memref_slice %arg9[%dma_wait3A_438, %dma_wait3A_439, %dma_wait3A_440] : memref<5x40x128xf32, #tpu.memory_space<vmem>> -> memref<1x40x128xf32, #tpu.memory_space<vmem>>
      %dma_wait3A_442 = tpu.memref_squeeze %dma_wait3A_441 : memref<1x40x128xf32, #tpu.memory_space<vmem>> -> memref<40x128xf32, #tpu.memory_space<vmem>>
      %dma_wait3A_443 = arith.constant 0 : i32
      %dma_wait3A_444 = tpu.memref_slice %arg7[%dma_wait3A_437, %dma_wait3A_443] : memref<10x40xi32, #tpu.memory_space<vmem>> -> memref<1x40xi32, #tpu.memory_space<vmem>>
      %dma_wait3A_445 = tpu.memref_squeeze %dma_wait3A_444 : memref<1x40xi32, #tpu.memory_space<vmem>> -> memref<40xi32, #tpu.memory_space<vmem>>
      %dma_wait3A_446 = arith.constant 0 : i32
      %dma_wait3A_447 = arith.constant 0 : i32
      %dma_wait3A_448 = tpu.memref_slice %arg2[%dma_wait3A_446, %dma_wait3A_447] : memref<10240x128xf32, #tpu.memory_space<hbm>> -> memref<10240x128xf32, #tpu.memory_space<hbm>>
      tpu.wait_indirect_dma semaphore(%arg13 : memref<!tpu.dma_semaphore, #tpu.memory_space<semaphore_mem>>) src(%dma_wait3A_448 : memref<10240x128xf32, #tpu.memory_space<hbm>>) dst(%dma_wait3A_442 : memref<40x128xf32, #tpu.memory_space<vmem>>)
      %dma_start3A_449 = arith.constant 1 : i32
      %dma_start3A_450 = arith.constant 6 : i32
      %dma_start3A_451 = arith.constant 0 : i32
      %dma_start3A_452 = arith.constant 0 : i32
      %dma_start3A_453 = tpu.memref_slice %arg9[%dma_start3A_449, %dma_start3A_451, %dma_start3A_452] : memref<5x40x128xf32, #tpu.memory_space<vmem>> -> memref<1x40x128xf32, #tpu.memory_space<vmem>>
      %dma_start3A_454 = tpu.memref_squeeze %dma_start3A_453 : memref<1x40x128xf32, #tpu.memory_space<vmem>> -> memref<40x128xf32, #tpu.memory_space<vmem>>
      %dma_start3A_455 = arith.constant 0 : i32
      %dma_start3A_456 = tpu.memref_slice %arg8[%dma_start3A_450, %dma_start3A_455] : memref<10x40xi32, #tpu.memory_space<vmem>> -> memref<1x40xi32, #tpu.memory_space<vmem>>
      %dma_start3A_457 = tpu.memref_squeeze %dma_start3A_456 : memref<1x40xi32, #tpu.memory_space<vmem>> -> memref<40xi32, #tpu.memory_space<vmem>>
      %dma_start3A_458 = arith.constant 0 : i32
      %dma_start3A_459 = arith.constant 0 : i32
      %dma_start3A_460 = tpu.memref_slice %arg10[%dma_start3A_458, %dma_start3A_459] : memref<10240x128xf32, #tpu.memory_space<vmem_shared>> -> memref<10240x128xf32, #tpu.memory_space<vmem_shared>>
      tpu.enqueue_indirect_dma source(%dma_start3A_454 : memref<40x128xf32, #tpu.memory_space<vmem>>) target(%dma_start3A_460 : memref<10240x128xf32, #tpu.memory_space<vmem_shared>>) offsets(%dma_start3A_457 : memref<40xi32, #tpu.memory_space<vmem>>) semaphore(%arg18 : memref<!tpu.dma_semaphore, #tpu.memory_space<semaphore_mem>>) {add = true}
      %dma_wait3A_461 = arith.constant 7 : i32
      %dma_wait3A_462 = arith.constant 2 : i32
      %dma_wait3A_463 = arith.constant 0 : i32
      %dma_wait3A_464 = arith.constant 0 : i32
      %dma_wait3A_465 = tpu.memref_slice %arg9[%dma_wait3A_462, %dma_wait3A_463, %dma_wait3A_464] : memref<5x40x128xf32, #tpu.memory_space<vmem>> -> memref<1x40x128xf32, #tpu.memory_space<vmem>>
      %dma_wait3A_466 = tpu.memref_squeeze %dma_wait3A_465 : memref<1x40x128xf32, #tpu.memory_space<vmem>> -> memref<40x128xf32, #tpu.memory_space<vmem>>
      %dma_wait3A_467 = arith.constant 0 : i32
      %dma_wait3A_468 = tpu.memref_slice %arg7[%dma_wait3A_461, %dma_wait3A_467] : memref<10x40xi32, #tpu.memory_space<vmem>> -> memref<1x40xi32, #tpu.memory_space<vmem>>
      %dma_wait3A_469 = tpu.memref_squeeze %dma_wait3A_468 : memref<1x40xi32, #tpu.memory_space<vmem>> -> memref<40xi32, #tpu.memory_space<vmem>>
      %dma_wait3A_470 = arith.constant 0 : i32
      %dma_wait3A_471 = arith.constant 0 : i32
      %dma_wait3A_472 = tpu.memref_slice %arg2[%dma_wait3A_470, %dma_wait3A_471] : memref<10240x128xf32, #tpu.memory_space<hbm>> -> memref<10240x128xf32, #tpu.memory_space<hbm>>
      tpu.wait_indirect_dma semaphore(%arg14 : memref<!tpu.dma_semaphore, #tpu.memory_space<semaphore_mem>>) src(%dma_wait3A_472 : memref<10240x128xf32, #tpu.memory_space<hbm>>) dst(%dma_wait3A_466 : memref<40x128xf32, #tpu.memory_space<vmem>>)
      %dma_start3A_473 = arith.constant 2 : i32
      %dma_start3A_474 = arith.constant 7 : i32
      %dma_start3A_475 = arith.constant 0 : i32
      %dma_start3A_476 = arith.constant 0 : i32
      %dma_start3A_477 = tpu.memref_slice %arg9[%dma_start3A_473, %dma_start3A_475, %dma_start3A_476] : memref<5x40x128xf32, #tpu.memory_space<vmem>> -> memref<1x40x128xf32, #tpu.memory_space<vmem>>
      %dma_start3A_478 = tpu.memref_squeeze %dma_start3A_477 : memref<1x40x128xf32, #tpu.memory_space<vmem>> -> memref<40x128xf32, #tpu.memory_space<vmem>>
      %dma_start3A_479 = arith.constant 0 : i32
      %dma_start3A_480 = tpu.memref_slice %arg8[%dma_start3A_474, %dma_start3A_479] : memref<10x40xi32, #tpu.memory_space<vmem>> -> memref<1x40xi32, #tpu.memory_space<vmem>>
      %dma_start3A_481 = tpu.memref_squeeze %dma_start3A_480 : memref<1x40xi32, #tpu.memory_space<vmem>> -> memref<40xi32, #tpu.memory_space<vmem>>
      %dma_start3A_482 = arith.constant 0 : i32
      %dma_start3A_483 = arith.constant 0 : i32
      %dma_start3A_484 = tpu.memref_slice %arg10[%dma_start3A_482, %dma_start3A_483] : memref<10240x128xf32, #tpu.memory_space<vmem_shared>> -> memref<10240x128xf32, #tpu.memory_space<vmem_shared>>
      tpu.enqueue_indirect_dma source(%dma_start3A_478 : memref<40x128xf32, #tpu.memory_space<vmem>>) target(%dma_start3A_484 : memref<10240x128xf32, #tpu.memory_space<vmem_shared>>) offsets(%dma_start3A_481 : memref<40xi32, #tpu.memory_space<vmem>>) semaphore(%arg19 : memref<!tpu.dma_semaphore, #tpu.memory_space<semaphore_mem>>) {add = true}
      %dma_wait3A_485 = arith.constant 8 : i32
      %dma_wait3A_486 = arith.constant 3 : i32
      %dma_wait3A_487 = arith.constant 0 : i32
      %dma_wait3A_488 = arith.constant 0 : i32
      %dma_wait3A_489 = tpu.memref_slice %arg9[%dma_wait3A_486, %dma_wait3A_487, %dma_wait3A_488] : memref<5x40x128xf32, #tpu.memory_space<vmem>> -> memref<1x40x128xf32, #tpu.memory_space<vmem>>
      %dma_wait3A_490 = tpu.memref_squeeze %dma_wait3A_489 : memref<1x40x128xf32, #tpu.memory_space<vmem>> -> memref<40x128xf32, #tpu.memory_space<vmem>>
      %dma_wait3A_491 = arith.constant 0 : i32
      %dma_wait3A_492 = tpu.memref_slice %arg7[%dma_wait3A_485, %dma_wait3A_491] : memref<10x40xi32, #tpu.memory_space<vmem>> -> memref<1x40xi32, #tpu.memory_space<vmem>>
      %dma_wait3A_493 = tpu.memref_squeeze %dma_wait3A_492 : memref<1x40xi32, #tpu.memory_space<vmem>> -> memref<40xi32, #tpu.memory_space<vmem>>
      %dma_wait3A_494 = arith.constant 0 : i32
      %dma_wait3A_495 = arith.constant 0 : i32
      %dma_wait3A_496 = tpu.memref_slice %arg2[%dma_wait3A_494, %dma_wait3A_495] : memref<10240x128xf32, #tpu.memory_space<hbm>> -> memref<10240x128xf32, #tpu.memory_space<hbm>>
      tpu.wait_indirect_dma semaphore(%arg15 : memref<!tpu.dma_semaphore, #tpu.memory_space<semaphore_mem>>) src(%dma_wait3A_496 : memref<10240x128xf32, #tpu.memory_space<hbm>>) dst(%dma_wait3A_490 : memref<40x128xf32, #tpu.memory_space<vmem>>)
      %dma_start3A_497 = arith.constant 3 : i32
      %dma_start3A_498 = arith.constant 8 : i32
      %dma_start3A_499 = arith.constant 0 : i32
      %dma_start3A_500 = arith.constant 0 : i32
      %dma_start3A_501 = tpu.memref_slice %arg9[%dma_start3A_497, %dma_start3A_499, %dma_start3A_500] : memref<5x40x128xf32, #tpu.memory_space<vmem>> -> memref<1x40x128xf32, #tpu.memory_space<vmem>>
      %dma_start3A_502 = tpu.memref_squeeze %dma_start3A_501 : memref<1x40x128xf32, #tpu.memory_space<vmem>> -> memref<40x128xf32, #tpu.memory_space<vmem>>
      %dma_start3A_503 = arith.constant 0 : i32
      %dma_start3A_504 = tpu.memref_slice %arg8[%dma_start3A_498, %dma_start3A_503] : memref<10x40xi32, #tpu.memory_space<vmem>> -> memref<1x40xi32, #tpu.memory_space<vmem>>
      %dma_start3A_505 = tpu.memref_squeeze %dma_start3A_504 : memref<1x40xi32, #tpu.memory_space<vmem>> -> memref<40xi32, #tpu.memory_space<vmem>>
      %dma_start3A_506 = arith.constant 0 : i32
      %dma_start3A_507 = arith.constant 0 : i32
      %dma_start3A_508 = tpu.memref_slice %arg10[%dma_start3A_506, %dma_start3A_507] : memref<10240x128xf32, #tpu.memory_space<vmem_shared>> -> memref<10240x128xf32, #tpu.memory_space<vmem_shared>>
      tpu.enqueue_indirect_dma source(%dma_start3A_502 : memref<40x128xf32, #tpu.memory_space<vmem>>) target(%dma_start3A_508 : memref<10240x128xf32, #tpu.memory_space<vmem_shared>>) offsets(%dma_start3A_505 : memref<40xi32, #tpu.memory_space<vmem>>) semaphore(%arg20 : memref<!tpu.dma_semaphore, #tpu.memory_space<semaphore_mem>>) {add = true}
      %dma_wait3A_509 = arith.constant 9 : i32
      %dma_wait3A_510 = arith.constant 4 : i32
      %dma_wait3A_511 = arith.constant 0 : i32
      %dma_wait3A_512 = arith.constant 0 : i32
      %dma_wait3A_513 = tpu.memref_slice %arg9[%dma_wait3A_510, %dma_wait3A_511, %dma_wait3A_512] : memref<5x40x128xf32, #tpu.memory_space<vmem>> -> memref<1x40x128xf32, #tpu.memory_space<vmem>>
      %dma_wait3A_514 = tpu.memref_squeeze %dma_wait3A_513 : memref<1x40x128xf32, #tpu.memory_space<vmem>> -> memref<40x128xf32, #tpu.memory_space<vmem>>
      %dma_wait3A_515 = arith.constant 0 : i32
      %dma_wait3A_516 = tpu.memref_slice %arg7[%dma_wait3A_509, %dma_wait3A_515] : memref<10x40xi32, #tpu.memory_space<vmem>> -> memref<1x40xi32, #tpu.memory_space<vmem>>
      %dma_wait3A_517 = tpu.memref_squeeze %dma_wait3A_516 : memref<1x40xi32, #tpu.memory_space<vmem>> -> memref<40xi32, #tpu.memory_space<vmem>>
      %dma_wait3A_518 = arith.constant 0 : i32
      %dma_wait3A_519 = arith.constant 0 : i32
      %dma_wait3A_520 = tpu.memref_slice %arg2[%dma_wait3A_518, %dma_wait3A_519] : memref<10240x128xf32, #tpu.memory_space<hbm>> -> memref<10240x128xf32, #tpu.memory_space<hbm>>
      tpu.wait_indirect_dma semaphore(%arg16 : memref<!tpu.dma_semaphore, #tpu.memory_space<semaphore_mem>>) src(%dma_wait3A_520 : memref<10240x128xf32, #tpu.memory_space<hbm>>) dst(%dma_wait3A_514 : memref<40x128xf32, #tpu.memory_space<vmem>>)
      %dma_start3A_521 = arith.constant 4 : i32
      %dma_start3A_522 = arith.constant 9 : i32
      %dma_start3A_523 = arith.constant 0 : i32
      %dma_start3A_524 = arith.constant 0 : i32
      %dma_start3A_525 = tpu.memref_slice %arg9[%dma_start3A_521, %dma_start3A_523, %dma_start3A_524] : memref<5x40x128xf32, #tpu.memory_space<vmem>> -> memref<1x40x128xf32, #tpu.memory_space<vmem>>
      %dma_start3A_526 = tpu.memref_squeeze %dma_start3A_525 : memref<1x40x128xf32, #tpu.memory_space<vmem>> -> memref<40x128xf32, #tpu.memory_space<vmem>>
      %dma_start3A_527 = arith.constant 0 : i32
      %dma_start3A_528 = tpu.memref_slice %arg8[%dma_start3A_522, %dma_start3A_527] : memref<10x40xi32, #tpu.memory_space<vmem>> -> memref<1x40xi32, #tpu.memory_space<vmem>>
      %dma_start3A_529 = tpu.memref_squeeze %dma_start3A_528 : memref<1x40xi32, #tpu.memory_space<vmem>> -> memref<40xi32, #tpu.memory_space<vmem>>
      %dma_start3A_530 = arith.constant 0 : i32
      %dma_start3A_531 = arith.constant 0 : i32
      %dma_start3A_532 = tpu.memref_slice %arg10[%dma_start3A_530, %dma_start3A_531] : memref<10240x128xf32, #tpu.memory_space<vmem_shared>> -> memref<10240x128xf32, #tpu.memory_space<vmem_shared>>
      tpu.enqueue_indirect_dma source(%dma_start3A_526 : memref<40x128xf32, #tpu.memory_space<vmem>>) target(%dma_start3A_532 : memref<10240x128xf32, #tpu.memory_space<vmem_shared>>) offsets(%dma_start3A_529 : memref<40xi32, #tpu.memory_space<vmem>>) semaphore(%arg21 : memref<!tpu.dma_semaphore, #tpu.memory_space<semaphore_mem>>) {add = true}
      %dma_wait3A_533 = arith.constant 0 : i32
      %dma_wait3A_534 = arith.constant 5 : i32
      %dma_wait3A_535 = arith.constant 0 : i32
      %dma_wait3A_536 = arith.constant 0 : i32
      %dma_wait3A_537 = tpu.memref_slice %arg9[%dma_wait3A_533, %dma_wait3A_535, %dma_wait3A_536] : memref<5x40x128xf32, #tpu.memory_space<vmem>> -> memref<1x40x128xf32, #tpu.memory_space<vmem>>
      %dma_wait3A_538 = tpu.memref_squeeze %dma_wait3A_537 : memref<1x40x128xf32, #tpu.memory_space<vmem>> -> memref<40x128xf32, #tpu.memory_space<vmem>>
      %dma_wait3A_539 = arith.constant 0 : i32
      %dma_wait3A_540 = tpu.memref_slice %arg8[%dma_wait3A_534, %dma_wait3A_539] : memref<10x40xi32, #tpu.memory_space<vmem>> -> memref<1x40xi32, #tpu.memory_space<vmem>>
      %dma_wait3A_541 = tpu.memref_squeeze %dma_wait3A_540 : memref<1x40xi32, #tpu.memory_space<vmem>> -> memref<40xi32, #tpu.memory_space<vmem>>
      %dma_wait3A_542 = arith.constant 0 : i32
      %dma_wait3A_543 = arith.constant 0 : i32
      %dma_wait3A_544 = tpu.memref_slice %arg10[%dma_wait3A_542, %dma_wait3A_543] : memref<10240x128xf32, #tpu.memory_space<vmem_shared>> -> memref<10240x128xf32, #tpu.memory_space<vmem_shared>>
      tpu.wait_indirect_dma semaphore(%arg17 : memref<!tpu.dma_semaphore, #tpu.memory_space<semaphore_mem>>) src(%dma_wait3A_538 : memref<40x128xf32, #tpu.memory_space<vmem>>) dst(%dma_wait3A_544 : memref<10240x128xf32, #tpu.memory_space<vmem_shared>>)
      %dma_wait3A_545 = arith.constant 1 : i32
      %dma_wait3A_546 = arith.constant 6 : i32
      %dma_wait3A_547 = arith.constant 0 : i32
      %dma_wait3A_548 = arith.constant 0 : i32
      %dma_wait3A_549 = tpu.memref_slice %arg9[%dma_wait3A_545, %dma_wait3A_547, %dma_wait3A_548] : memref<5x40x128xf32, #tpu.memory_space<vmem>> -> memref<1x40x128xf32, #tpu.memory_space<vmem>>
      %dma_wait3A_550 = tpu.memref_squeeze %dma_wait3A_549 : memref<1x40x128xf32, #tpu.memory_space<vmem>> -> memref<40x128xf32, #tpu.memory_space<vmem>>
      %dma_wait3A_551 = arith.constant 0 : i32
      %dma_wait3A_552 = tpu.memref_slice %arg8[%dma_wait3A_546, %dma_wait3A_551] : memref<10x40xi32, #tpu.memory_space<vmem>> -> memref<1x40xi32, #tpu.memory_space<vmem>>
      %dma_wait3A_553 = tpu.memref_squeeze %dma_wait3A_552 : memref<1x40xi32, #tpu.memory_space<vmem>> -> memref<40xi32, #tpu.memory_space<vmem>>
      %dma_wait3A_554 = arith.constant 0 : i32
      %dma_wait3A_555 = arith.constant 0 : i32
      %dma_wait3A_556 = tpu.memref_slice %arg10[%dma_wait3A_554, %dma_wait3A_555] : memref<10240x128xf32, #tpu.memory_space<vmem_shared>> -> memref<10240x128xf32, #tpu.memory_space<vmem_shared>>
      tpu.wait_indirect_dma semaphore(%arg18 : memref<!tpu.dma_semaphore, #tpu.memory_space<semaphore_mem>>) src(%dma_wait3A_550 : memref<40x128xf32, #tpu.memory_space<vmem>>) dst(%dma_wait3A_556 : memref<10240x128xf32, #tpu.memory_space<vmem_shared>>)
      %dma_wait3A_557 = arith.constant 2 : i32
      %dma_wait3A_558 = arith.constant 7 : i32
      %dma_wait3A_559 = arith.constant 0 : i32
      %dma_wait3A_560 = arith.constant 0 : i32
      %dma_wait3A_561 = tpu.memref_slice %arg9[%dma_wait3A_557, %dma_wait3A_559, %dma_wait3A_560] : memref<5x40x128xf32, #tpu.memory_space<vmem>> -> memref<1x40x128xf32, #tpu.memory_space<vmem>>
      %dma_wait3A_562 = tpu.memref_squeeze %dma_wait3A_561 : memref<1x40x128xf32, #tpu.memory_space<vmem>> -> memref<40x128xf32, #tpu.memory_space<vmem>>
      %dma_wait3A_563 = arith.constant 0 : i32
      %dma_wait3A_564 = tpu.memref_slice %arg8[%dma_wait3A_558, %dma_wait3A_563] : memref<10x40xi32, #tpu.memory_space<vmem>> -> memref<1x40xi32, #tpu.memory_space<vmem>>
      %dma_wait3A_565 = tpu.memref_squeeze %dma_wait3A_564 : memref<1x40xi32, #tpu.memory_space<vmem>> -> memref<40xi32, #tpu.memory_space<vmem>>
      %dma_wait3A_566 = arith.constant 0 : i32
      %dma_wait3A_567 = arith.constant 0 : i32
      %dma_wait3A_568 = tpu.memref_slice %arg10[%dma_wait3A_566, %dma_wait3A_567] : memref<10240x128xf32, #tpu.memory_space<vmem_shared>> -> memref<10240x128xf32, #tpu.memory_space<vmem_shared>>
      tpu.wait_indirect_dma semaphore(%arg19 : memref<!tpu.dma_semaphore, #tpu.memory_space<semaphore_mem>>) src(%dma_wait3A_562 : memref<40x128xf32, #tpu.memory_space<vmem>>) dst(%dma_wait3A_568 : memref<10240x128xf32, #tpu.memory_space<vmem_shared>>)
      %dma_wait3A_569 = arith.constant 3 : i32
      %dma_wait3A_570 = arith.constant 8 : i32
      %dma_wait3A_571 = arith.constant 0 : i32
      %dma_wait3A_572 = arith.constant 0 : i32
      %dma_wait3A_573 = tpu.memref_slice %arg9[%dma_wait3A_569, %dma_wait3A_571, %dma_wait3A_572] : memref<5x40x128xf32, #tpu.memory_space<vmem>> -> memref<1x40x128xf32, #tpu.memory_space<vmem>>
      %dma_wait3A_574 = tpu.memref_squeeze %dma_wait3A_573 : memref<1x40x128xf32, #tpu.memory_space<vmem>> -> memref<40x128xf32, #tpu.memory_space<vmem>>
      %dma_wait3A_575 = arith.constant 0 : i32
      %dma_wait3A_576 = tpu.memref_slice %arg8[%dma_wait3A_570, %dma_wait3A_575] : memref<10x40xi32, #tpu.memory_space<vmem>> -> memref<1x40xi32, #tpu.memory_space<vmem>>
      %dma_wait3A_577 = tpu.memref_squeeze %dma_wait3A_576 : memref<1x40xi32, #tpu.memory_space<vmem>> -> memref<40xi32, #tpu.memory_space<vmem>>
      %dma_wait3A_578 = arith.constant 0 : i32
      %dma_wait3A_579 = arith.constant 0 : i32
      %dma_wait3A_580 = tpu.memref_slice %arg10[%dma_wait3A_578, %dma_wait3A_579] : memref<10240x128xf32, #tpu.memory_space<vmem_shared>> -> memref<10240x128xf32, #tpu.memory_space<vmem_shared>>
      tpu.wait_indirect_dma semaphore(%arg20 : memref<!tpu.dma_semaphore, #tpu.memory_space<semaphore_mem>>) src(%dma_wait3A_574 : memref<40x128xf32, #tpu.memory_space<vmem>>) dst(%dma_wait3A_580 : memref<10240x128xf32, #tpu.memory_space<vmem_shared>>)
      %dma_wait3A_581 = arith.constant 4 : i32
      %dma_wait3A_582 = arith.constant 9 : i32
      %dma_wait3A_583 = arith.constant 0 : i32
      %dma_wait3A_584 = arith.constant 0 : i32
      %dma_wait3A_585 = tpu.memref_slice %arg9[%dma_wait3A_581, %dma_wait3A_583, %dma_wait3A_584] : memref<5x40x128xf32, #tpu.memory_space<vmem>> -> memref<1x40x128xf32, #tpu.memory_space<vmem>>
      %dma_wait3A_586 = tpu.memref_squeeze %dma_wait3A_585 : memref<1x40x128xf32, #tpu.memory_space<vmem>> -> memref<40x128xf32, #tpu.memory_space<vmem>>
      %dma_wait3A_587 = arith.constant 0 : i32
      %dma_wait3A_588 = tpu.memref_slice %arg8[%dma_wait3A_582, %dma_wait3A_587] : memref<10x40xi32, #tpu.memory_space<vmem>> -> memref<1x40xi32, #tpu.memory_space<vmem>>
      %dma_wait3A_589 = tpu.memref_squeeze %dma_wait3A_588 : memref<1x40xi32, #tpu.memory_space<vmem>> -> memref<40xi32, #tpu.memory_space<vmem>>
      %dma_wait3A_590 = arith.constant 0 : i32
      %dma_wait3A_591 = arith.constant 0 : i32
      %dma_wait3A_592 = tpu.memref_slice %arg10[%dma_wait3A_590, %dma_wait3A_591] : memref<10240x128xf32, #tpu.memory_space<vmem_shared>> -> memref<10240x128xf32, #tpu.memory_space<vmem_shared>>
      tpu.wait_indirect_dma semaphore(%arg21 : memref<!tpu.dma_semaphore, #tpu.memory_space<semaphore_mem>>) src(%dma_wait3A_586 : memref<40x128xf32, #tpu.memory_space<vmem>>) dst(%dma_wait3A_592 : memref<10240x128xf32, #tpu.memory_space<vmem_shared>>)
    }
    %scan3A_38 = arith.constant 25 : i32
    %barrier3A_39 = arith.constant 0 : index
    tpu.barrier barrier_id(%barrier3A_39)
    "tpu.region"() ({
      %run_scoped3A = tpu.sem_alloc : memref<!tpu.dma_semaphore, #tpu.memory_space<semaphore_mem>>
      %dma_start3A_40 = arith.constant 0 : i32
      %dma_start3A_41 = tpu.memref_slice %arg6[%arg0, %mul3A_33, %dma_start3A_40] : memref<2x10240x128xf32, #tpu.memory_space<hbm>> -> memref<1x640x128xf32, #tpu.memory_space<hbm>>
      %dma_start3A_42 = tpu.memref_squeeze %dma_start3A_41 : memref<1x640x128xf32, #tpu.memory_space<hbm>> -> memref<640x128xf32, #tpu.memory_space<hbm>>
      %dma_start3A_43 = arith.constant 0 : i32
      %dma_start3A_44 = tpu.memref_slice %arg10[%mul3A_33, %dma_start3A_43] : memref<10240x128xf32, #tpu.memory_space<vmem_shared>> -> memref<640x128xf32, #tpu.memory_space<vmem_shared>>
      tpu.enqueue_dma source(%dma_start3A_44 : memref<640x128xf32, #tpu.memory_space<vmem_shared>>) target(%dma_start3A_42 : memref<640x128xf32, #tpu.memory_space<hbm>>) target_semaphore(%run_scoped3A : memref<!tpu.dma_semaphore, #tpu.memory_space<semaphore_mem>>)
      %dma_wait3A = arith.constant 0 : i32
      %dma_wait3A_45 = tpu.memref_slice %arg6[%arg0, %mul3A_33, %dma_wait3A] : memref<2x10240x128xf32, #tpu.memory_space<hbm>> -> memref<1x640x128xf32, #tpu.memory_space<hbm>>
      %dma_wait3A_46 = tpu.memref_squeeze %dma_wait3A_45 : memref<1x640x128xf32, #tpu.memory_space<hbm>> -> memref<640x128xf32, #tpu.memory_space<hbm>>
      %dma_wait3A_47 = arith.constant 0 : i32
      %dma_wait3A_48 = tpu.memref_slice %arg10[%mul3A_33, %dma_wait3A_47] : memref<10240x128xf32, #tpu.memory_space<vmem_shared>> -> memref<640x128xf32, #tpu.memory_space<vmem_shared>>
      tpu.wait_dma2 semaphore(%run_scoped3A : memref<!tpu.dma_semaphore, #tpu.memory_space<semaphore_mem>>) src(%dma_wait3A_48 : memref<640x128xf32, #tpu.memory_space<vmem_shared>>) dst(%dma_wait3A_46 : memref<640x128xf32, #tpu.memory_space<hbm>>)
      tpu.yield
    }) : () -> ()
    return
  }
}

module attributes {stable_mosaic.version = 14 : i64} {
  func.func @body(%arg0: i32, %arg1: memref<1024x128xf32, #tpu.memory_space<vmem>>, %arg2: memref<128x128xf32, #tpu.memory_space<vmem>>, %arg3: memref<128x128xf32, #tpu.memory_space<vmem>>, %arg4: memref<1x128xf32, #tpu.memory_space<vmem>>, %arg5: memref<1024x128xf32, #tpu.memory_space<vmem>>, %arg6: memref<1024x128xf32, #tpu.memory_space<vmem>>) attributes {dimension_semantics = [#tpu.dimension_semantics<arbitrary>], iteration_bounds = array<i64: 10>, scalar_prefetch = 0 : i64, scratch_operands = 0 : i64, tpu.core_type = #tpu.core_type<tc>, window_params = [{transform_indices = @transform_0, window_bounds = array<i64: 1024, 128>}, {pipeline_mode = #tpu.pipeline_mode<synchronous>, transform_indices = @transform_1, window_bounds = array<i64: 128, 128>}, {pipeline_mode = #tpu.pipeline_mode<synchronous>, transform_indices = @transform_2, window_bounds = array<i64: 128, 128>}, {pipeline_mode = #tpu.pipeline_mode<synchronous>, transform_indices = @transform_3, window_bounds = array<i64: 1, 128>}, {transform_indices = @transform_4, window_bounds = array<i64: 1024, 128>}, {transform_indices = @transform_5, window_bounds = array<i64: 1024, 128>}]} {
    %get3A = arith.constant 0 : index
    %get3A_0 = arith.constant 0 : index
    %get3A_1 = vector.load %arg1[%get3A, %get3A_0] : memref<1024x128xf32, #tpu.memory_space<vmem>>, vector<1024x128xf32>
    %get3A_2 = arith.constant 0 : index
    %get3A_3 = arith.constant 0 : index
    %get3A_4 = vector.load %arg2[%get3A_2, %get3A_3] : memref<128x128xf32, #tpu.memory_space<vmem>>, vector<128x128xf32>
    %dot_general3A = arith.constant dense<0.000000e+00> : vector<1024x128xf32>
    %dot_general3A_5 = tpu.matmul %get3A_1, %get3A_4, %dot_general3A {dimension_numbers = #tpu.dot_dimension_numbers<[1], [0], [0], [1], [0, 0, 1, 1], [], []>, transpose_lhs_hint = false} : vector<1024x128xf32>, vector<128x128xf32>, vector<1024x128xf32> -> vector<1024x128xf32>
    %get3A_6 = arith.constant 0 : index
    %get3A_7 = arith.constant 0 : index
    %get3A_8 = vector.load %arg4[%get3A_6, %get3A_7] : memref<1x128xf32, #tpu.memory_space<vmem>>, vector<1x128xf32>
    %add3A = vector.broadcast %get3A_8 : vector<1x128xf32> to vector<1024x128xf32>
    %add3A_9 = arith.addf %dot_general3A_5, %add3A : vector<1024x128xf32>
    %swap3A = arith.constant 0 : index
    %swap3A_10 = arith.constant 0 : index
    %swap3A_11 = vector.load %arg5[%swap3A, %swap3A_10] : memref<1024x128xf32, #tpu.memory_space<vmem>>, vector<1024x128xf32>
    tpu.vector_store %arg5[%swap3A, %swap3A_10], %add3A_9 {strides = array<i32>} : memref<1024x128xf32, #tpu.memory_space<vmem>>, vector<1024x128xf32>,
    %get3A_12 = arith.constant 0 : index
    %get3A_13 = arith.constant 0 : index
    %get3A_14 = vector.load %arg3[%get3A_12, %get3A_13] : memref<128x128xf32, #tpu.memory_space<vmem>>, vector<128x128xf32>
    %dot_general3A_15 = arith.constant dense<0.000000e+00> : vector<1024x128xf32>
    %dot_general3A_16 = tpu.matmul %get3A_1, %get3A_14, %dot_general3A_15 {dimension_numbers = #tpu.dot_dimension_numbers<[1], [0], [0], [1], [0, 0, 1, 1], [], []>, transpose_lhs_hint = false} : vector<1024x128xf32>, vector<128x128xf32>, vector<1024x128xf32> -> vector<1024x128xf32>
    %swap3A_17 = arith.constant 0 : index
    %swap3A_18 = arith.constant 0 : index
    %swap3A_19 = vector.load %arg6[%swap3A_17, %swap3A_18] : memref<1024x128xf32, #tpu.memory_space<vmem>>, vector<1024x128xf32>
    tpu.vector_store %arg6[%swap3A_17, %swap3A_18], %dot_general3A_16 {strides = array<i32>} : memref<1024x128xf32, #tpu.memory_space<vmem>>, vector<1024x128xf32>,
    return
  }
  func.func @transform_0(%arg0: i32) -> (i32, i32) {
    %c0_i32 = arith.constant 0 : i32
    %c0_i32_0 = arith.constant 0 : i32
    return %arg0, %c0_i32 : i32, i32
  }
  func.func @transform_1(%arg0: i32) -> (i32, i32) {
    %c0_i32 = arith.constant 0 : i32
    %c0_i32_0 = arith.constant 0 : i32
    %c0_i32_1 = arith.constant 0 : i32
    return %c0_i32, %c0_i32_0 : i32, i32
  }
  func.func @transform_2(%arg0: i32) -> (i32, i32) {
    %c0_i32 = arith.constant 0 : i32
    %c0_i32_0 = arith.constant 0 : i32
    %c0_i32_1 = arith.constant 0 : i32
    return %c0_i32, %c0_i32_0 : i32, i32
  }
  func.func @transform_3(%arg0: i32) -> (i32, i32) {
    %c0_i32 = arith.constant 0 : i32
    %c0_i32_0 = arith.constant 0 : i32
    %c0_i32_1 = arith.constant 0 : i32
    return %c0_i32, %c0_i32_0 : i32, i32
  }
  func.func @transform_4(%arg0: i32) -> (i32, i32) {
    %c0_i32 = arith.constant 0 : i32
    %c0_i32_0 = arith.constant 0 : i32
    return %arg0, %c0_i32 : i32, i32
  }
  func.func @transform_5(%arg0: i32) -> (i32, i32) {
    %c0_i32 = arith.constant 0 : i32
    %c0_i32_0 = arith.constant 0 : i32
    return %arg0, %c0_i32 : i32, i32
  }
}

module attributes {stable_mosaic.version = 14 : i64} {
  func.func @body(%arg0: i32, %arg1: memref<1024x128xf32, #tpu.memory_space<vmem>>, %arg2: memref<2x1024x128xf32, #tpu.memory_space<vmem>>, %arg3: memref<32x1024xf32, #tpu.memory_space<vmem>>, %arg4: memref<1024x64xf32, #tpu.memory_space<vmem>>) attributes {dimension_semantics = [#tpu.dimension_semantics<arbitrary>], iteration_bounds = array<i64: 10>, scalar_prefetch = 0 : i64, scratch_operands = 0 : i64, tpu.core_type = #tpu.core_type<tc>, window_params = [{transform_indices = @transform_0, window_bounds = array<i64: 1024, 128>}, {transform_indices = @transform_1, window_bounds = array<i64: 2, 1024, 128>}, {transform_indices = @transform_2, window_bounds = array<i64: 32, 1024>}, {transform_indices = @transform_3, window_bounds = array<i64: 1024, 64>}]} {
    %get3A = arith.constant 0 : index
    %get3A_0 = arith.constant 0 : index
    %get3A_1 = arith.constant 0 : index
    %get3A_2 = vector.load %arg2[%get3A, %get3A_0, %get3A_1] : memref<2x1024x128xf32, #tpu.memory_space<vmem>>, vector<1x1024x128xf32>
    %get3A_3 = vector.shape_cast %get3A_2 : vector<1x1024x128xf32> to vector<1024x128xf32>
    %get3A_4 = arith.constant 1 : index
    %get3A_5 = arith.constant 0 : index
    %get3A_6 = arith.constant 0 : index
    %get3A_7 = vector.load %arg2[%get3A_4, %get3A_5, %get3A_6] : memref<2x1024x128xf32, #tpu.memory_space<vmem>>, vector<1x1024x128xf32>
    %get3A_8 = vector.shape_cast %get3A_7 : vector<1x1024x128xf32> to vector<1024x128xf32>
    %add3A = arith.addf %get3A_3, %get3A_8 : vector<1024x128xf32>
    %get3A_9 = arith.constant 0 : index
    %get3A_10 = arith.constant 0 : index
    %get3A_11 = vector.load %arg3[%get3A_9, %get3A_10] : memref<32x1024xf32, #tpu.memory_space<vmem>>, vector<32x1024xf32>
    %broadcast_in_dim3A = arith.constant 1.000000e+00 : f32
    %broadcast_in_dim3A_12 = vector.broadcast %broadcast_in_dim3A : f32 to vector<32x1xf32>
    %dot_general3A = arith.constant dense<0.000000e+00> : vector<1024x1xf32>
    %dot_general3A_13 = tpu.matmul %get3A_11, %broadcast_in_dim3A_12, %dot_general3A {dimension_numbers = #tpu.dot_dimension_numbers<[0], [0], [1], [1], [0, 1, 1, 1], [], []>, transpose_lhs_hint = false} : vector<32x1024xf32>, vector<32x1xf32>, vector<1024x1xf32> -> vector<1024x1xf32>
    %max3A = arith.constant 1.000000e+00 : f32
    %max3A_14 = vector.broadcast %max3A : f32 to vector<1024x1xf32>
    %max3A_15 = arith.maximumf %dot_general3A_13, %max3A_14 : vector<1024x1xf32>
    %div3A = arith.constant 1.000000e+00 : f32
    %div3A_16 = vector.broadcast %div3A : f32 to vector<1024x1xf32>
    %div3A_17 = arith.divf %div3A_16, %max3A_15 : vector<1024x1xf32>
    %get3A_18 = arith.constant 0 : index
    %get3A_19 = arith.constant 0 : index
    %get3A_20 = vector.load %arg1[%get3A_18, %get3A_19] : memref<1024x128xf32, #tpu.memory_space<vmem>>, vector<1024x128xf32>
    %mul3A = vector.broadcast %div3A_17 : vector<1024x1xf32> to vector<1024x128xf32>
    %mul3A_21 = arith.mulf %add3A, %mul3A : vector<1024x128xf32>
    %add3A_22 = arith.addf %get3A_20, %mul3A_21 : vector<1024x128xf32>
    %slice3A = vector.extract_strided_slice %add3A_22 {offsets = [0, 0], sizes = [1024, 64], strides = [1, 1]} : vector<1024x128xf32> to vector<1024x64xf32>
    %swap3A = arith.constant 0 : index
    %swap3A_23 = arith.constant 0 : index
    %swap3A_24 = vector.load %arg4[%swap3A, %swap3A_23] : memref<1024x64xf32, #tpu.memory_space<vmem>>, vector<1024x64xf32>
    tpu.vector_store %arg4[%swap3A, %swap3A_23], %slice3A {strides = array<i32>} : memref<1024x64xf32, #tpu.memory_space<vmem>>, vector<1024x64xf32>,
    return
  }
  func.func @transform_0(%arg0: i32) -> (i32, i32) {
    %c0_i32 = arith.constant 0 : i32
    %c0_i32_0 = arith.constant 0 : i32
    return %arg0, %c0_i32 : i32, i32
  }
  func.func @transform_1(%arg0: i32) -> (i32, i32, i32) {
    %c0_i32 = arith.constant 0 : i32
    %c0_i32_0 = arith.constant 0 : i32
    %c0_i32_1 = arith.constant 0 : i32
    return %c0_i32, %arg0, %c0_i32_0 : i32, i32, i32
  }
  func.func @transform_2(%arg0: i32) -> (i32, i32) {
    %c0_i32 = arith.constant 0 : i32
    %c0_i32_0 = arith.constant 0 : i32
    return %c0_i32, %arg0 : i32, i32
  }
  func.func @transform_3(%arg0: i32) -> (i32, i32) {
    %c0_i32 = arith.constant 0 : i32
    %c0_i32_0 = arith.constant 0 : i32
    return %arg0, %c0_i32 : i32, i32
  }
}

module attributes {stable_mosaic.version = 14 : i64} {
  func.func @body(%arg0: i32, %arg1: memref<1024x128xf32, #tpu.memory_space<vmem>>, %arg2: memref<2x1024x128xf32, #tpu.memory_space<vmem>>, %arg3: memref<32x1024xf32, #tpu.memory_space<vmem>>, %arg4: memref<128x128xf32, #tpu.memory_space<vmem>>, %arg5: memref<128x128xf32, #tpu.memory_space<vmem>>, %arg6: memref<1x128xf32, #tpu.memory_space<vmem>>, %arg7: memref<1024x128xf32, #tpu.memory_space<vmem>>, %arg8: memref<1024x128xf32, #tpu.memory_space<vmem>>) attributes {dimension_semantics = [#tpu.dimension_semantics<arbitrary>], iteration_bounds = array<i64: 10>, scalar_prefetch = 0 : i64, scratch_operands = 0 : i64, tpu.core_type = #tpu.core_type<tc>, window_params = [{transform_indices = @transform_0, window_bounds = array<i64: 1024, 128>}, {transform_indices = @transform_1, window_bounds = array<i64: 2, 1024, 128>}, {transform_indices = @transform_2, window_bounds = array<i64: 32, 1024>}, {pipeline_mode = #tpu.pipeline_mode<synchronous>, transform_indices = @transform_3, window_bounds = array<i64: 128, 128>}, {pipeline_mode = #tpu.pipeline_mode<synchronous>, transform_indices = @transform_4, window_bounds = array<i64: 128, 128>}, {pipeline_mode = #tpu.pipeline_mode<synchronous>, transform_indices = @transform_5, window_bounds = array<i64: 1, 128>}, {transform_indices = @transform_6, window_bounds = array<i64: 1024, 128>}, {transform_indices = @transform_7, window_bounds = array<i64: 1024, 128>}]} {
    %get3A = arith.constant 0 : index
    %get3A_0 = arith.constant 0 : index
    %get3A_1 = arith.constant 0 : index
    %get3A_2 = vector.load %arg2[%get3A, %get3A_0, %get3A_1] : memref<2x1024x128xf32, #tpu.memory_space<vmem>>, vector<1x1024x128xf32>
    %get3A_3 = vector.shape_cast %get3A_2 : vector<1x1024x128xf32> to vector<1024x128xf32>
    %get3A_4 = arith.constant 1 : index
    %get3A_5 = arith.constant 0 : index
    %get3A_6 = arith.constant 0 : index
    %get3A_7 = vector.load %arg2[%get3A_4, %get3A_5, %get3A_6] : memref<2x1024x128xf32, #tpu.memory_space<vmem>>, vector<1x1024x128xf32>
    %get3A_8 = vector.shape_cast %get3A_7 : vector<1x1024x128xf32> to vector<1024x128xf32>
    %add3A = arith.addf %get3A_3, %get3A_8 : vector<1024x128xf32>
    %get3A_9 = arith.constant 0 : index
    %get3A_10 = arith.constant 0 : index
    %get3A_11 = vector.load %arg3[%get3A_9, %get3A_10] : memref<32x1024xf32, #tpu.memory_space<vmem>>, vector<32x1024xf32>
    %broadcast_in_dim3A = arith.constant 1.000000e+00 : f32
    %broadcast_in_dim3A_12 = vector.broadcast %broadcast_in_dim3A : f32 to vector<32x1xf32>
    %dot_general3A = arith.constant dense<0.000000e+00> : vector<1024x1xf32>
    %dot_general3A_13 = tpu.matmul %get3A_11, %broadcast_in_dim3A_12, %dot_general3A {dimension_numbers = #tpu.dot_dimension_numbers<[0], [0], [1], [1], [0, 1, 1, 1], [], []>, transpose_lhs_hint = false} : vector<32x1024xf32>, vector<32x1xf32>, vector<1024x1xf32> -> vector<1024x1xf32>
    %max3A = arith.constant 1.000000e+00 : f32
    %max3A_14 = vector.broadcast %max3A : f32 to vector<1024x1xf32>
    %max3A_15 = arith.maximumf %dot_general3A_13, %max3A_14 : vector<1024x1xf32>
    %div3A = arith.constant 1.000000e+00 : f32
    %div3A_16 = vector.broadcast %div3A : f32 to vector<1024x1xf32>
    %div3A_17 = arith.divf %div3A_16, %max3A_15 : vector<1024x1xf32>
    %get3A_18 = arith.constant 0 : index
    %get3A_19 = arith.constant 0 : index
    %get3A_20 = vector.load %arg1[%get3A_18, %get3A_19] : memref<1024x128xf32, #tpu.memory_space<vmem>>, vector<1024x128xf32>
    %mul3A = vector.broadcast %div3A_17 : vector<1024x1xf32> to vector<1024x128xf32>
    %mul3A_21 = arith.mulf %add3A, %mul3A : vector<1024x128xf32>
    %add3A_22 = arith.addf %get3A_20, %mul3A_21 : vector<1024x128xf32>
    %max3A_23 = arith.constant 0.000000e+00 : f32
    %max3A_24 = vector.broadcast %max3A_23 : f32 to vector<1024x128xf32>
    %max3A_25 = arith.maximumf %add3A_22, %max3A_24 : vector<1024x128xf32>
    %get3A_26 = arith.constant 0 : index
    %get3A_27 = arith.constant 0 : index
    %get3A_28 = vector.load %arg4[%get3A_26, %get3A_27] : memref<128x128xf32, #tpu.memory_space<vmem>>, vector<128x128xf32>
    %dot_general3A_29 = arith.constant dense<0.000000e+00> : vector<1024x128xf32>
    %dot_general3A_30 = tpu.matmul %max3A_25, %get3A_28, %dot_general3A_29 {dimension_numbers = #tpu.dot_dimension_numbers<[1], [0], [0], [1], [0, 0, 1, 1], [], []>, transpose_lhs_hint = false} : vector<1024x128xf32>, vector<128x128xf32>, vector<1024x128xf32> -> vector<1024x128xf32>
    %get3A_31 = arith.constant 0 : index
    %get3A_32 = arith.constant 0 : index
    %get3A_33 = vector.load %arg6[%get3A_31, %get3A_32] : memref<1x128xf32, #tpu.memory_space<vmem>>, vector<1x128xf32>
    %add3A_34 = vector.broadcast %get3A_33 : vector<1x128xf32> to vector<1024x128xf32>
    %add3A_35 = arith.addf %dot_general3A_30, %add3A_34 : vector<1024x128xf32>
    %swap3A = arith.constant 0 : index
    %swap3A_36 = arith.constant 0 : index
    %swap3A_37 = vector.load %arg7[%swap3A, %swap3A_36] : memref<1024x128xf32, #tpu.memory_space<vmem>>, vector<1024x128xf32>
    tpu.vector_store %arg7[%swap3A, %swap3A_36], %add3A_35 {strides = array<i32>} : memref<1024x128xf32, #tpu.memory_space<vmem>>, vector<1024x128xf32>,
    %get3A_38 = arith.constant 0 : index
    %get3A_39 = arith.constant 0 : index
    %get3A_40 = vector.load %arg5[%get3A_38, %get3A_39] : memref<128x128xf32, #tpu.memory_space<vmem>>, vector<128x128xf32>
    %dot_general3A_41 = arith.constant dense<0.000000e+00> : vector<1024x128xf32>
    %dot_general3A_42 = tpu.matmul %max3A_25, %get3A_40, %dot_general3A_41 {dimension_numbers = #tpu.dot_dimension_numbers<[1], [0], [0], [1], [0, 0, 1, 1], [], []>, transpose_lhs_hint = false} : vector<1024x128xf32>, vector<128x128xf32>, vector<1024x128xf32> -> vector<1024x128xf32>
    %swap3A_43 = arith.constant 0 : index
    %swap3A_44 = arith.constant 0 : index
    %swap3A_45 = vector.load %arg8[%swap3A_43, %swap3A_44] : memref<1024x128xf32, #tpu.memory_space<vmem>>, vector<1024x128xf32>
    tpu.vector_store %arg8[%swap3A_43, %swap3A_44], %dot_general3A_42 {strides = array<i32>} : memref<1024x128xf32, #tpu.memory_space<vmem>>, vector<1024x128xf32>,
    return
  }
  func.func @transform_0(%arg0: i32) -> (i32, i32) {
    %c0_i32 = arith.constant 0 : i32
    %c0_i32_0 = arith.constant 0 : i32
    return %arg0, %c0_i32 : i32, i32
  }
  func.func @transform_1(%arg0: i32) -> (i32, i32, i32) {
    %c0_i32 = arith.constant 0 : i32
    %c0_i32_0 = arith.constant 0 : i32
    %c0_i32_1 = arith.constant 0 : i32
    return %c0_i32, %arg0, %c0_i32_0 : i32, i32, i32
  }
  func.func @transform_2(%arg0: i32) -> (i32, i32) {
    %c0_i32 = arith.constant 0 : i32
    %c0_i32_0 = arith.constant 0 : i32
    return %c0_i32, %arg0 : i32, i32
  }
  func.func @transform_3(%arg0: i32) -> (i32, i32) {
    %c0_i32 = arith.constant 0 : i32
    %c0_i32_0 = arith.constant 0 : i32
    %c0_i32_1 = arith.constant 0 : i32
    return %c0_i32, %c0_i32_0 : i32, i32
  }
  func.func @transform_4(%arg0: i32) -> (i32, i32) {
    %c0_i32 = arith.constant 0 : i32
    %c0_i32_0 = arith.constant 0 : i32
    %c0_i32_1 = arith.constant 0 : i32
    return %c0_i32, %c0_i32_0 : i32, i32
  }
  func.func @transform_5(%arg0: i32) -> (i32, i32) {
    %c0_i32 = arith.constant 0 : i32
    %c0_i32_0 = arith.constant 0 : i32
    %c0_i32_1 = arith.constant 0 : i32
    return %c0_i32, %c0_i32_0 : i32, i32
  }
  func.func @transform_6(%arg0: i32) -> (i32, i32) {
    %c0_i32 = arith.constant 0 : i32
    %c0_i32_0 = arith.constant 0 : i32
    return %arg0, %c0_i32 : i32, i32
  }
  func.func @transform_7(%arg0: i32) -> (i32, i32) {
    %c0_i32 = arith.constant 0 : i32
    %c0_i32_0 = arith.constant 0 : i32
    return %arg0, %c0_i32 : i32, i32
  }
}

</mosaic_0001>

<sc_bundles>
// kernel: kernel.10.cloned.1.call-start
scs
__scs_entry_jumppad:
0x0: {  	(pc) =	sbr.rel $0x88, $3  }
0x1: {  	(tag) =	ssettag $0x0;
	lr =	simm.s32 $0x1  }
0x2: {  	[smem:$0x3F99] =	sst lr;
	_ =	strace $0xD0000000  }
0x3: {  	_ = 	snop  }
0x4: {  	_ = 	snop  }
0x5: {  	_ = 	snop  }
0x6: {  	_ = 	snop  }
0x7: {  	_ = 	snop  }
__scs_overlays_trampoline_lowered:
0x8: {  	[smem:$0x3FA8] =	sst s0  }
0x9: {  	[smem:$0x3FA9] =	sst s1  }
0xa: {  	[smem:$0x3FAA] =	sst s2  }
0xb: {  	[smem:$0x3FAB] =	sst s3  }
0xc: {  	[smem:$0x3FAC] =	sst s4  }
0xd: {  	[smem:$0x3FAD] =	sst s5  }
0xe: {  	[smem:$0x3FAE] =	sst s6  }
0xf: {  	[smem:$0x3FAF] =	sst s7  }
0x10: {  	[smem:$0x3FB0] =	sst s8  }
0x11: {  	[smem:$0x3FB1] =	sst s9;
	s0 =	simm.s32 @!p0 $0x0  }
0x12: {  	s1 =	sld [smem:$0x3F97];
	s0 =	simm.s32 @p0 $0x1  }
0x13: {  	[smem:$0x3FB2] =	sst s0;
	s0 =	simm.s32 @!p1 $0x0  }
0x14: {  	s2 =	sld [smem:$0x3F96];
	s0 =	simm.s32 @p1 $0x1  }
0x15: {  	[smem:$0x3FB3] =	sst s0;
	s0 =	simm.s32 @!p2 $0x0  }
0x16: {  	s3 =	sld [smem:$0x3FDB];
	s0 =	simm.s32 @p2 $0x1  }
0x17: {  	s4 =	simm.s32 $0x1BF5;
	[smem:$0x3FB5] =	sst s0  }
0x18: {  	s0 =	sld [smem:$0x3F98];
	_ =	swait.ge [sflag:s4], $0x0  }
0x19: {  	s7 =	sld [smem:$0x3F99]  }
0x1a: {  	s8 =	sadd.s32 $0xFFFFE003, lr  }
0x1b: {  	s9 =	sadd.s32 $0xFFFFFEF7, lr;
	s5 =	simm.s32 $0xFFFFFFFF;
	p2 =	slt.u32 s8, $0xFFFFF086  }
0x1c: {  	p1 =	slt.u32 s9, $0xF7A;
	s5 =	simm.s32 @!p2 $0x0  }
0x1d: {  	s5 =	simm.s32 @p1 $0x1;
	p0 =	seq.s32 s7, s2  }
0x1e: {  	s7 =	smul.u32 @!p0 $0xF7A, s2;
	p2 =	seq.s32 @!p0 s5, $0x0  }
0x1f: {  	s9 =	smul.u32 $0xF7A, s1;
	s8 =	simm.s32 @!p0 $0x1BF5;
	p2 =	por !p2, p0  }
0x20: {  	[sflag:s8] =	ssyncset.s32 @!p0 $0xFFFFF086;
	s6 =	sadd.s32 @!p0 s3, s7;
	s7 =	simm.s32 @!p0 $0x108  }
0x21: {  	s3 =	sadd.s32 s3, s9;
	s6 =	sadd.s32 @!p0 $0x88, s6;
	s7 =	simm.s32 @p2 $0x1082  }
0x22: {  	[simem:s7], [sflag:s8] =	dma.local @!p0 [hbm:s6], $0xF7A  }
0x23: {  	s9 =	sor.u32 $0xD0000000, s2;
	s6 =	simm.s32 $0x108;
	_ =	swait.ge @!p0 [sflag:s8], $0x0  }
0x24: {  	s3 =	sadd.s32 $0x88, s3;
	s6 =	simm.s32 @!p1 $0x1082;
	[sflag:s4] =	ssyncset.s32 $0xFFFFF086  }
0x25: {  	[simem:s6], [sflag:s4] =	dma.local [hbm:s3], $0xF7A  }
0x26: {  	[smem:$0x3F99] =	sst s1;
	(tag) =	ssettag s2;
	_ =	strace s9  }
0x27: {  	s1 =	sld [smem:$0x3FA9]  }
0x28: {  	s2 =	sld [smem:$0x3FAA]  }
0x29: {  	s4 =	sld [smem:$0x3FAC]  }
0x2a: {  	p0 =	seq.s32 s5, $0x0;
	s5 =	sld [smem:$0x3FAD]  }
0x2b: {  	s6 =	sld [smem:$0x3FAE]  }
0x2c: {  	s7 =	sld [smem:$0x3FAF]  }
0x2d: {  	s3 =	simm.s32 $0x108;
	s8 =	sld [smem:$0x3FB0]  }
0x2e: {  	s3 =	simm.s32 @!p0 $0x1082;
	s9 =	sld [smem:$0x3FB1]  }
0x2f: {  	lr =	sadd.s32 s0, s3;
	s0 =	sld [smem:$0x3FA8]  }
0x30: {  	s3 =	sld [smem:$0x3FAB]  }
0x31: {  	[smem:$0x3FB4] =	sst s10  }
0x32: {  	s10 =	sld [smem:$0x3FB2];
	_ =	sdelay $0x3  }
0x33: {  	p0 =	seq.s32 s10, $0x1;
	s10 =	sld [smem:$0x3FB4];
	_ =	sdelay $0x3  }
0x34: {  	[smem:$0x3FB4] =	sst s10  }
0x35: {  	s10 =	sld [smem:$0x3FB3];
	_ =	sdelay $0x3  }
0x36: {  	p1 =	seq.s32 s10, $0x1;
	s10 =	sld [smem:$0x3FB4];
	_ =	sdelay $0x3  }
0x37: {  	[smem:$0x3FB4] =	sst s10  }
0x38: {  	s10 =	sld [smem:$0x3FB5]  }
0x39: {  	_ = 	snop;
	(pc) =	sbr.ind lr, $3  }
0x3a: {  	_ = 	snop  }
0x3b: {  	_ = 	snop  }
0x3c: {  	p2 =	seq.s32 s10, $0x1;
	s10 =	sld [smem:$0x3FB4]  }
0x3d: {  	_ =	shalt  }
0x3e: {  	_ =	shalt  }
0x3f: {  	_ =	shalt  }
0x40: {  	_ =	shalt  }
0x41: {  	_ =	shalt  }
0x42: {  	_ =	shalt  }
0x43: {  	_ =	shalt  }
0x44: {  	_ =	shalt  }
0x45: {  	_ =	shalt  }
0x46: {  	_ =	shalt  }
0x47: {  	_ =	shalt  }
0x48: {  	_ =	shalt  }
0x49: {  	_ =	shalt  }
0x4a: {  	_ =	shalt  }
0x4b: {  	_ =	shalt  }
0x4c: {  	_ =	shalt  }
0x4d: {  	_ =	shalt  }
0x4e: {  	_ =	shalt  }
0x4f: {  	_ =	shalt  }
0x50: {  	_ =	shalt  }
0x51: {  	_ =	shalt  }
0x52: {  	_ =	shalt  }
0x53: {  	_ =	shalt  }
0x54: {  	_ =	shalt  }
0x55: {  	_ =	shalt  }
0x56: {  	_ =	shalt  }
0x57: {  	_ =	shalt  }
0x58: {  	_ =	shalt  }
0x59: {  	_ =	shalt  }
0x5a: {  	_ =	shalt  }
0x5b: {  	_ =	shalt  }
0x5c: {  	_ =	shalt  }
0x5d: {  	_ =	shalt  }
0x5e: {  	_ =	shalt  }
0x5f: {  	_ =	shalt  }
0x60: {  	_ =	shalt  }
0x61: {  	_ =	shalt  }
0x62: {  	_ =	shalt  }
0x63: {  	_ =	shalt  }
0x64: {  	_ =	shalt  }
0x65: {  	_ =	shalt  }
0x66: {  	_ =	shalt  }
0x67: {  	_ =	shalt  }
0x68: {  	_ =	shalt  }
0x69: {  	_ =	shalt  }
0x6a: {  	_ =	shalt  }
0x6b: {  	_ =	shalt  }
0x6c: {  	_ =	shalt  }
0x6d: {  	_ =	shalt  }
0x6e: {  	_ =	shalt  }
0x6f: {  	_ =	shalt  }
0x70: {  	_ =	shalt  }
0x71: {  	_ =	shalt  }
0x72: {  	_ =	shalt  }
0x73: {  	_ =	shalt  }
0x74: {  	_ =	shalt  }
0x75: {  	_ =	shalt  }
0x76: {  	_ =	shalt  }
0x77: {  	_ =	shalt  }
0x78: {  	_ =	shalt  }
0x79: {  	_ =	shalt  }
0x7a: {  	_ =	shalt  }
0x7b: {  	_ =	shalt  }
0x7c: {  	_ =	shalt  }
0x7d: {  	_ =	shalt  }
0x7e: {  	_ =	shalt  }
0x7f: {  	_ =	shalt  }
0x80: {  	_ =	shalt  }
0x81: {  	_ =	shalt  }
0x82: {  	_ =	shalt  }
0x83: {  	_ =	shalt  }
0x84: {  	_ =	shalt  }
0x85: {  	_ =	shalt  }
0x86: {  	_ =	shalt  }
0x87: {  	_ =	shalt  }
.Lfunc_end0:
.L_simem_size_0:
called_computation.1_lowered:
.L_overlay_start_0:
0x88: {  	s2 =	sld [smem:$0x3FD9]  }
0x89: {  	s3 =	sld [smem:$0x3FFE];
	_ =	sdelay $0x1  }
0x8a: {  	s1 =	srdreg.scid  }
0x8b: {  	s0 =	sand.u32 $0x1, s1  }
0x8c: {  	s16 =	sshll.u32 s0, $0xA;
	s2 =	sadd.s32 s3, s2  }
0x8d: {  	s2 =	sadd.s32 s2, s16  }
0x8e: {  	[smem:$0x3FC0] =	sst s2  }
0x8f: {  	_ = 	snop  }
0x90: {  	(tm) =	ssettm $0x1  }
0x91: {  	s17 =	sld [smem:$0x3FFB];
	_ =	sdelay $0x3  }
0x92: {  	_ =	strace s17  }
0x93: {  	s2 =	sld [smem:$0x3FFC];
	_ =	sdelay $0x3  }
0x94: {  	_ =	strace s2  }
0x95: {  	s2 =	sld [smem:$0x3FFD];
	_ =	sdelay $0x3  }
0x96: {  	_ =	strace s2  }
0x97: {  	_ =	strace $0x8FFFFFFF  }
0x98: {  	s18 =	sld [smem:$0x3FDB];
	_ =	sdelay $0x1  }
0x99: {  	s19 =	simm.s32 $_scs_section_size  }
0x9a: {  	s4 =	simm.s32 $_size__tile_overlayer_lowered;
	s5 =	simm.s32 $_tile_overlayer_lowered  }
0x9b: {  	s22 =	simm.s32 $0x1BFF;
	s21 =	sshll.u32 s5, $0x1;
	s2 =	sadd.s32 s19, s18  }
0x9c: {  	s6 =	simm.s32 $0x0;
	s20 =	sshll.u32 s4, $0x1;
	s4 =	sadd.s32 s21, s2  }
0x9d: {  	[timem:s6], [sflag:s22] =	dma.local [hbm:s4], s20  }
0x9e: {  	_ =	swait.ge [sflag:s22], s20  }
0x9f: {  	s3 =	ssub.s32 $0x0, s20;
	[sflag:s22] =	ssyncset.done $0x0  }
0xa0: {  	[sflag:s22] =	ssyncadd.s32 s3;
	_ =	sdelay $0x1  }
0xa1: {  	s23 =	simm.s32 $0x1B8B  }
0xa2: {  	_ =	swait.ge [sflag:s23], $0x1  }
0xa3: {  	[sflag:s23] =	ssyncset.done $0x0  }
0xa4: {  	s25 =	simm.s32 $0x1B8E;
	s24 =	sld [smem:$0x3FFE];
	[sflag:s23] =	ssyncadd.s32 $0xFFFFFFFF  }
0xa5: {  	s26 =	simm.s32 $execute0_lowered;
	[smem:$0x3FD2] =	sst s25  }
0xa6: {  	s4 =	sshll.u32 s26, $0x1;
	_ =	strace $0x80000049;
	[dreg:$0x1] =	wrdreg $0xFFFFFFFF  }
0xa7: {  	s28 =	simm.s32 $_size_execute0_lowered;
	s2 =	sadd.s32 s2, s4;
	[dreg:$0x0] =	wrdreg $0x0  }
0xa8: {  	s4 =	sshll.u32 s28, $0x1;
	[dreg:$0x2] =	wrdreg s2  }
0xa9: {  	[dreg:$0x3] =	wrdreg s4  }
0xaa: {  	[dreg:$0x4] =	wrdreg $0xC0  }
0xab: {  	_ =	task [dreg:s6], $0x5FFFF  }
0xac: {  	[dreg:$0x1] =	wrdreg $0xFFFFFFFF  }
0xad: {  	[dreg:$0x0] =	wrdreg $0x60  }
0xae: {  	[dreg:$0x2] =	wrdreg s24  }
0xaf: {  	[dreg:$0x3] =	wrdreg $0x74000  }
0xb0: {  	[dreg:$0x4] =	wrdreg $0x9  }
0xb1: {  	_ =	task.clear_ibuf [dreg:s6], $0x5FFFF;
	_ =	strace $0x90000049  }
0xb2: {  	s29 =	simm.s32 $0x9;
	_ =	strace $0x8000004B  }
0xb3: {  	_ =	swait.ge [sflag:s29], $0x1  }
0xb4: {  	[sflag:s29] =	ssyncadd.s32 $0xFFFFFFFF  }
0xb5: {  	_ =	strace $0x9000004B  }
0xb6: {  	_ =	sfence  }
0xb7: {  	s30 =	sld [smem:$0x0];
	_ =	sdelay $0x2  }
0xb8: {  	s31 =	sshll.u32 s1, $0xD;
	s1 =	sshrl.u32 s1, $0x2  }
0xb9: {  	s3 =	sand.u32 $0x4000, s31;
	s1 =	sadd.s32 s1, s30  }
0xba: {  	s0 =	sor.u32 s3, s0;
	s1 =	sshll.u32 s1, $0x11  }
0xbb: {  	s0 =	sor.u32 s1, s0  }
0xbc: {  	s0 =	sadd.s32 $0x8F2B, s0  }
0xbd: {  	[sflag:s0] =	ssyncadd.remote.s32 $0x1  }
0xbe: {  	_ =	sfence.sel $0xFFFF  }
0xbf: {  	[dreg:$0x0] =	wrdreg $0xFFFFFFFF;
	(pc) =	sbr.abs _section_cstart, $3  }
0xc0: {  	[dreg:$0x1] =	wrdreg $0xFFFFFFFF  }
0xc1: {  	_ =	task.clear_ibuf [dreg:s6], $0x2FFFF;
	_ =	strace $0x9FFFFFFF  }
0xc2: {  	(tm) =	ssettm $0x7FFFFFFF  }
0xc3: {  	_ =	shalt  }
tec
execute0_lowered:
.L_overlay_start_1:
0x0: {  	(tag) =	ssettag $0x1  }
0x1: {  	s0 =	rddreg [dreg:$0x0]  }
0x2: {  	s1 =	rddreg [dreg:$0x1];
	s2 =	srdreg.scid  }
0x3: {  	s3 =	simm.s32 $0x0;
	s11 =	stileid.u32;
	s13 =	simm.s32 $0x180  }
0x4: {  	s14 =	simm.s32 $0x200;
	s15 =	simm.s32 $0x880;
	s16 =	simm.s32 $0x900  }
0x5: {  	s28 =	simm.s32 $0x6000;
	s29 =	simm.s32 $0x2;
	s30 =	simm.s32 $0x3  }
0x6: {  	s31 =	simm.s32 $0x4;
	s2 =	sand.u32 $0x1, s2;
	[smem:$0x7FF] =	sst s3  }
0x7: {  	s7 =	smul.u32 $0x14000, s11;
	s4 =	sadd.s32 $0x66600, s0;
	s18 =	sadd.s32 $0x8EC00, s0  }
0x8: {  	s19 =	smul.u32 $0x50000, s11;
	_ =	strace $0x8000004A;
	[dreg:$0x13] =	wrdreg s18  }
0x9: {  	s20 =	smul.u32 $0xC800, s11;
	s23 =	sshll.u32 s11, $0x6;
	[dreg:$0x5] =	wrdreg s13  }
0xa: {  	s6 =	smul.u32 $0x140000, s2;
	s5 =	sshll.u32 s2, $0x4;
	[dreg:$0x6] =	wrdreg s14  }
0xb: {  	s9 =	ssub.s32 $0x2, s2;
	s2 =	smul.u32 $0xC8000, s2;
	[dreg:$0x7] =	wrdreg s15  }
0xc: {  	[dreg:$0x8] =	wrdreg s16;
	s16 =	simm.s32 $0x800;
	s18 =	simm.s32 $0xA00  }
0xd: {  	s14 =	simm.s32 $0xC;
	s15 =	simm.s32 $0x0;
	s8 =	sor.u32 s11, s5  }
0xe: {  	s5 =	sadd.s32 $0x2600, s0;
	s10 =	sshrl.u32 s9, $0x1;
	s11 =	simm.s32 $0x100  }
0xf: {  	[dreg:$0xa] =	wrdreg s18;
	s6 =	sadd.s32 s7, s6;
	s17 =	smul.u32 $0xC800, s8  }
0x10: {  	s21 =	ssub.s32 s9, s10;
	s8 =	sshrl.u32 s19, $0x2;
	s2 =	sadd.s32 s20, s2  }
0x11: {  	s9 =	simm.s32 $0x80;
	[dreg:$0x4] =	wrdreg s11;
	s19 =	simm.s32 $0x300  }
0x12: {  	s20 =	simm.s32 $0x380;
	s11 =	simm.s32 $0xA;
	s6 =	sshrl.u32 s6, $0x3  }
0x13: {  	s24 =	sadd.s32 s8, s1;
	s25 =	sadd.s32 $0x190800, s2;
	[dreg:$0x3] =	wrdreg s9  }
0x14: {  	s26 =	smax.u32 s21, $0x1;
	s8 =	sadd.s32 $0x800, s2;
	[dreg:$0xb] =	wrdreg s19  }
0x15: {  	s10 =	sadd.s32 $0x190400, s2;
	s2 =	sor.u32 $0x400, s2;
	[dreg:$0xc] =	wrdreg s20  }
0x16: {  	s19 =	simm.s32 $0x1;
	s21 =	simm.s32 $0x400;
	[dreg:$0x18] =	wrdreg s26  }
0x17: {  	s20 =	simm.s32 $0x280;
	s7 =	sshrl.u32 s17, $0x3;
	[dreg:$0x1a] =	wrdreg s8  }
0x18: {  	s0 =	sadd.s32 s6, s0;
	s17 =	simm.s32 $0x980;
	[dreg:$0xd] =	wrdreg s21  }
0x19: {  	s13 =	sshrl.u32 s24, $0x3;
	s24 =	simm.s32 $0xB80;
	[dreg:$0x9] =	wrdreg s17  }
0x1a: {  	s6 =	sshrl.u32 s25, $0x3;
	s25 =	simm.s32 $0xC00;
	[dreg:$0x10] =	wrdreg s24  }
0x1b: {  	s2 =	sshrl.u32 s2, $0x3;
	s26 =	simm.s32 $0xC80;
	[dreg:$0x11] =	wrdreg s25  }
0x1c: {  	s21 =	simm.s32 $0xA80;
	s8 =	simm.s32 $0x8;
	[dreg:$0x12] =	wrdreg s26  }
0x1d: {  	s12 =	sadd.s32 s5, s7;
	s0 =	sadd.s32 $0x91400, s0;
	[dreg:$0x1d] =	wrdreg s13  }
0x1e: {  	s2 =	sadd.s32 s2, s5;
	s24 =	simm.s32 $0x2400;
	[dreg:$0x14] =	wrdreg s12  }
0x1f: {  	s25 =	simm.s32 $0x3800;
	s26 =	simm.s32 $0x4C00;
	[dreg:$0x17] =	wrdreg s0  }
0x20: {  	s7 =	simm.s32 $0xB;
	s22 =	sadd.s32 $0x32000, s12;
	[dreg:$0x1c] =	wrdreg s2  }
0x21: {  	s12 =	sor.u32 $0x1C0C, s23;
	s0 =	sadd.s32 s6, s5;
	[dreg:$0x15] =	wrdreg s22  }
0x22: {  	s6 =	sshrl.u32 s10, $0x3;
	s23 =	simm.s32 $0xB00;
	[dreg:$0x19] =	wrdreg s0  }
0x23: {  	s2 =	simm.s32 $0x6;
	s10 =	simm.s32 $0x9;
	[dreg:$0xf] =	wrdreg s23  }
0x24: {  	s6 =	sadd.s32 s6, s5;
	s22 =	simm.s32 $0x480;
	[dreg:$0x16] =	wrdreg s12  }
0x25: {  	s23 =	simm.s32 $0x1000;
	s0 =	simm.s32 $0x5;
	[dreg:$0x1b] =	wrdreg s6  }
0x26: {  	[dreg:$0xe] =	wrdreg s22;
	s22 =	simm.s32 $0x28;
	s6 =	simm.s32 $0x7  }
.LBB2_1:
0x27: {  	[dreg:$0x1e] =	wrdreg s15  }
0x28: {  	s9 =	rddreg [dreg:$0x14]  }
0x29: {  	s17 =	rddreg [dreg:$0x15]  }
0x2a: {  	[tilespmem:s3], [sflag:$0x1] =	stream.linear.gather [hbm4b:s9+s3], $0x280, $0x38;
	[tilespmem:$0x1B400] =	vst v63  }
0x2b: {  	s18 =	rddreg [dreg:$0x13]  }
0x2c: {  	[tilespmem:s16], [sflag:$0x1] =	stream.linear.gather [hbm4b:s17+s3], $0x280, $0x38;
	[tilespmem:$0x1B400] =	vst v63  }
0x2d: {  	[spmem:s13], [sflag:s12] =	dma.local [hbm:s18], $0x2800  }
0x2e: {  	_ =	swait.ge [sflag:s14], $0x2800  }
0x2f: {  	[sflag:s14] =	ssyncset.done $0x0  }
0x30: {  	[sflag:s14] =	ssyncadd.s32 $0xFFFFD800  }
0x31: {  	[bflag:$0x0] =	sbarrier.arrive $0xFFFF  }
0x32: {  	_ =	swait.ge [sflag:s19], $0x280  }
0x33: {  	[sflag:s19] =	ssyncset.done $0x0  }
0x34: {  	[sflag:s19] =	ssyncadd.s32 $0xFFFFFD80  }
0x35: {  	_ =	swait.ge [sflag:s19], $0x280  }
0x36: {  	[sflag:s19] =	ssyncset.done $0x0  }
0x37: {  	s14 =	rddreg [dreg:$0x1c];
	[sflag:s19] =	ssyncadd.s32 $0xFFFFFD80  }
0x38: {  	[tilespmem:s20], [sflag:$0x1] =	stream.linear.gather [hbm4b:s14+s3], $0x280, $0x38;
	[tilespmem:$0x1B400] =	vst v63  }
0x39: {  	s15 =	rddreg [dreg:$0x1b]  }
0x3a: {  	[tilespmem:s21], [sflag:$0x1] =	stream.linear.gather [hbm4b:s15+s3], $0x280, $0x38;
	[tilespmem:$0x1B400] =	vst v63  }
0x3b: {  	_ = 	snop  }
0x3c: {  	[tilespmem:s23], [sflag:$0x2] =	stream.indirect.gather [hbm4b:s4+s22], $0x80, s3, s22, $0xb8;
	[tilespmem:$0x1B400] =	vst v63  }
0x3d: {  	s13 =	rddreg [dreg:$0x3]  }
0x3e: {  	[tilespmem:s24], [sflag:$0x3] =	stream.indirect.gather [hbm4b:s4+s22], $0x80, s13, s22, $0xb8;
	[tilespmem:$0x1B400] =	vst v63  }
0x3f: {  	s17 =	rddreg [dreg:$0x4]  }
0x40: {  	[tilespmem:s25], [sflag:$0x4] =	stream.indirect.gather [hbm4b:s4+s22], $0x80, s17, s22, $0xb8;
	[tilespmem:$0x1B400] =	vst v63  }
0x41: {  	s18 =	rddreg [dreg:$0x5]  }
0x42: {  	[tilespmem:s26], [sflag:$0x5] =	stream.indirect.gather [hbm4b:s4+s22], $0x80, s18, s22, $0xb8;
	[tilespmem:$0x1B400] =	vst v63  }
0x43: {  	s9 =	rddreg [dreg:$0x6]  }
0x44: {  	[tilespmem:s28], [sflag:$0x6] =	stream.indirect.gather [hbm4b:s4+s22], $0x80, s9, s22, $0xb8;
	[tilespmem:$0x1B400] =	vst v63  }
0x45: {  	_ =	swait.ge [sflag:s29], $0x1400  }
0x46: {  	[sflag:s29] =	ssyncset.done $0x0  }
0x47: {  	[sflag:s29] =	ssyncadd.s32 $0xFFFFEC00  }
0x48: {  	[spmem:s1] =	stream.indirect.scatter.add.f32 [tilespmem:s23], [sflag:$0x7], $0x80, s16, s22, $0xb8;
	[tilespmem:$0x1B400] =	vst v63  }
0x49: {  	_ =	swait.ge [sflag:s30], $0x1400  }
0x4a: {  	[sflag:s30] =	ssyncset.done $0x0  }
0x4b: {  	s16 =	rddreg [dreg:$0x7];
	[sflag:s30] =	ssyncadd.s32 $0xFFFFEC00  }
0x4c: {  	[spmem:s1] =	stream.indirect.scatter.add.f32 [tilespmem:s24], [sflag:$0x8], $0x80, s16, s22, $0xb8;
	[tilespmem:$0x1B400] =	vst v63  }
0x4d: {  	_ =	swait.ge [sflag:s31], $0x1400  }
0x4e: {  	[sflag:s31] =	ssyncset.done $0x0  }
0x4f: {  	s17 =	rddreg [dreg:$0x8];
	[sflag:s31] =	ssyncadd.s32 $0xFFFFEC00  }
0x50: {  	[spmem:s1] =	stream.indirect.scatter.add.f32 [tilespmem:s25], [sflag:$0x9], $0x80, s17, s22, $0xb8;
	[tilespmem:$0x1B400] =	vst v63  }
0x51: {  	_ =	swait.ge [sflag:s0], $0x1400  }
0x52: {  	[sflag:s0] =	ssyncset.done $0x0  }
0x53: {  	s18 =	rddreg [dreg:$0x9];
	[sflag:s0] =	ssyncadd.s32 $0xFFFFEC00  }
0x54: {  	[spmem:s1] =	stream.indirect.scatter.add.f32 [tilespmem:s26], [sflag:$0xA], $0x80, s18, s22, $0xb8;
	[tilespmem:$0x1B400] =	vst v63  }
0x55: {  	_ =	swait.ge [sflag:s2], $0x1400  }
0x56: {  	[sflag:s2] =	ssyncset.done $0x0  }
0x57: {  	s9 =	rddreg [dreg:$0xa];
	[sflag:s2] =	ssyncadd.s32 $0xFFFFEC00  }
0x58: {  	[spmem:s1] =	stream.indirect.scatter.add.f32 [tilespmem:s28], [sflag:$0xB], $0x80, s9, s22, $0xb8;
	[tilespmem:$0x1B400] =	vst v63  }
0x59: {  	_ =	swait.ge [sflag:s6], $0x1400  }
0x5a: {  	[sflag:s6] =	ssyncset.done $0x0  }
0x5b: {  	[sflag:s6] =	ssyncadd.s32 $0xFFFFEC00  }
0x5c: {  	_ =	swait.ge [sflag:s8], $0x1400  }
0x5d: {  	[sflag:s8] =	ssyncset.done $0x0  }
0x5e: {  	[sflag:s8] =	ssyncadd.s32 $0xFFFFEC00  }
0x5f: {  	_ =	swait.ge [sflag:s10], $0x1400  }
0x60: {  	[sflag:s10] =	ssyncset.done $0x0  }
0x61: {  	[sflag:s10] =	ssyncadd.s32 $0xFFFFEC00  }
0x62: {  	_ =	swait.ge [sflag:s11], $0x1400  }
0x63: {  	[sflag:s11] =	ssyncset.done $0x0  }
0x64: {  	[sflag:s11] =	ssyncadd.s32 $0xFFFFEC00  }
0x65: {  	_ =	swait.ge [sflag:s7], $0x1400  }
0x66: {  	[sflag:s7] =	ssyncset.done $0x0  }
0x67: {  	[sflag:s7] =	ssyncadd.s32 $0xFFFFEC00  }
0x68: {  	_ =	swait.ge [sflag:s19], $0x280  }
0x69: {  	[sflag:s19] =	ssyncset.done $0x0  }
0x6a: {  	[sflag:s19] =	ssyncadd.s32 $0xFFFFFD80  }
0x6b: {  	_ =	swait.ge [sflag:s19], $0x280  }
0x6c: {  	p0 =	por $0x0, $0x0;
	s9 =	rddreg [dreg:$0x1a]  }
0x6d: {  	[sflag:s19] =	ssyncset.done $0x0;
	s12 =	sshrl.u32 @!p0 s9, $0x3  }
0x6e: {  	s13 =	simm.s32 @!p0 $0x0;
	[sflag:s19] =	ssyncadd.s32 $0xFFFFFD80;
	s12 =	sadd.s32 @!p0 s5, s12  }
0x6f: {  	[tilespmem:s13], [sflag:$0x1] =	stream.linear.gather @!p0 [hbm4b:s12+s13], $0x280, $0x38;
	[tilespmem:$0x1B400] =	vst v63  }
0x70: {  	s17 =	rddreg [dreg:$0x19];
	s12 =	simm.s32 @!p0 $0x800  }
0x71: {  	[tilespmem:s12], [sflag:$0x1] =	stream.linear.gather @!p0 [hbm4b:s17+s13], $0x280, $0x38;
	[tilespmem:$0x1B400] =	vst v63  }
0x72: {  	_ = 	snop  }
0x73: {  	[tilespmem:s23], [sflag:$0x2] =	stream.indirect.gather [hbm4b:s4+s22], $0x80, s20, s22, $0xb8;
	[tilespmem:$0x1B400] =	vst v63  }
0x74: {  	s13 =	rddreg [dreg:$0xb]  }
0x75: {  	[tilespmem:s24], [sflag:$0x3] =	stream.indirect.gather [hbm4b:s4+s22], $0x80, s13, s22, $0xb8;
	[tilespmem:$0x1B400] =	vst v63  }
0x76: {  	s16 =	rddreg [dreg:$0xc]  }
0x77: {  	[tilespmem:s25], [sflag:$0x4] =	stream.indirect.gather [hbm4b:s4+s22], $0x80, s16, s22, $0xb8;
	[tilespmem:$0x1B400] =	vst v63  }
0x78: {  	s18 =	rddreg [dreg:$0xd]  }
0x79: {  	[tilespmem:s26], [sflag:$0x5] =	stream.indirect.gather [hbm4b:s4+s22], $0x80, s18, s22, $0xb8;
	[tilespmem:$0x1B400] =	vst v63  }
0x7a: {  	s16 =	rddreg [dreg:$0xe]  }
0x7b: {  	[tilespmem:s28], [sflag:$0x6] =	stream.indirect.gather [hbm4b:s4+s22], $0x80, s16, s22, $0xb8;
	[tilespmem:$0x1B400] =	vst v63  }
0x7c: {  	_ =	swait.ge [sflag:s29], $0x1400  }
0x7d: {  	[sflag:s29] =	ssyncset.done $0x0  }
0x7e: {  	[sflag:s29] =	ssyncadd.s32 $0xFFFFEC00  }
0x7f: {  	[spmem:s1] =	stream.indirect.scatter.add.f32 [tilespmem:s23], [sflag:$0x7], $0x80, s21, s22, $0xb8;
	[tilespmem:$0x1B400] =	vst v63  }
0x80: {  	_ =	swait.ge [sflag:s30], $0x1400  }
0x81: {  	[sflag:s30] =	ssyncset.done $0x0  }
0x82: {  	s18 =	rddreg [dreg:$0xf];
	[sflag:s30] =	ssyncadd.s32 $0xFFFFEC00  }
0x83: {  	[spmem:s1] =	stream.indirect.scatter.add.f32 [tilespmem:s24], [sflag:$0x8], $0x80, s18, s22, $0xb8;
	[tilespmem:$0x1B400] =	vst v63  }
0x84: {  	_ =	swait.ge [sflag:s31], $0x1400  }
0x85: {  	[sflag:s31] =	ssyncset.done $0x0  }
0x86: {  	s13 =	rddreg [dreg:$0x10];
	[sflag:s31] =	ssyncadd.s32 $0xFFFFEC00  }
0x87: {  	[spmem:s1] =	stream.indirect.scatter.add.f32 [tilespmem:s25], [sflag:$0x9], $0x80, s13, s22, $0xb8;
	[tilespmem:$0x1B400] =	vst v63  }
0x88: {  	_ =	swait.ge [sflag:s0], $0x1400  }
0x89: {  	[sflag:s0] =	ssyncset.done $0x0  }
0x8a: {  	s16 =	rddreg [dreg:$0x11];
	[sflag:s0] =	ssyncadd.s32 $0xFFFFEC00  }
0x8b: {  	[spmem:s1] =	stream.indirect.scatter.add.f32 [tilespmem:s26], [sflag:$0xA], $0x80, s16, s22, $0xb8;
	[tilespmem:$0x1B400] =	vst v63  }
0x8c: {  	_ =	swait.ge [sflag:s2], $0x1400  }
0x8d: {  	[sflag:s2] =	ssyncset.done $0x0  }
0x8e: {  	s18 =	rddreg [dreg:$0x12];
	[sflag:s2] =	ssyncadd.s32 $0xFFFFEC00  }
0x8f: {  	[spmem:s1] =	stream.indirect.scatter.add.f32 [tilespmem:s28], [sflag:$0xB], $0x80, s18, s22, $0xb8;
	[tilespmem:$0x1B400] =	vst v63  }
0x90: {  	_ =	swait.ge [sflag:s6], $0x1400  }
0x91: {  	[sflag:s6] =	ssyncset.done $0x0  }
0x92: {  	[sflag:s6] =	ssyncadd.s32 $0xFFFFEC00  }
0x93: {  	_ =	swait.ge [sflag:s8], $0x1400  }
0x94: {  	[sflag:s8] =	ssyncset.done $0x0  }
0x95: {  	[sflag:s8] =	ssyncadd.s32 $0xFFFFEC00  }
0x96: {  	_ =	swait.ge [sflag:s10], $0x1400  }
0x97: {  	[sflag:s10] =	ssyncset.done $0x0  }
0x98: {  	[sflag:s10] =	ssyncadd.s32 $0xFFFFEC00  }
0x99: {  	_ =	swait.ge [sflag:s11], $0x1400  }
0x9a: {  	[sflag:s11] =	ssyncset.done $0x0  }
0x9b: {  	[sflag:s11] =	ssyncadd.s32 $0xFFFFEC00  }
0x9c: {  	s15 =	sadd.s32 $0x100, s15;
	s12 =	sadd.s32 $0x100, s14;
	_ =	swait.ge [sflag:s7], $0x1400  }
0x9d: {  	s14 =	sadd.s32 $0x800, s9;
	s13 =	simm.s32 $0x1;
	[sflag:s7] =	ssyncset.done $0x0  }
.LBB2_2:
0x9e: {  	[sflag:s7] =	ssyncadd.s32 $0xFFFFEC00  }
0x9f: {  	_ =	swait.ge [sflag:s19], $0x280  }
0xa0: {  	[sflag:s19] =	ssyncset.done $0x0  }
0xa1: {  	[sflag:s19] =	ssyncadd.s32 $0xFFFFFD80  }
0xa2: {  	_ =	swait.ge [sflag:s19], $0x280  }
0xa3: {  	[sflag:s19] =	ssyncset.done $0x0  }
0xa4: {  	[sflag:s19] =	ssyncadd.s32 $0xFFFFFD80  }
0xa5: {  	[tilespmem:s20], [sflag:$0x1] =	stream.linear.gather [hbm4b:s12+s3], $0x280, $0x38;
	[tilespmem:$0x1B400] =	vst v63  }
0xa6: {  	_ = 	snop  }
0xa7: {  	[tilespmem:s21], [sflag:$0x1] =	stream.linear.gather [hbm4b:s15+s3], $0x280, $0x38;
	[tilespmem:$0x1B400] =	vst v63  }
0xa8: {  	_ = 	snop  }
0xa9: {  	[tilespmem:s23], [sflag:$0x2] =	stream.indirect.gather [hbm4b:s4+s22], $0x80, s3, s22, $0xb8;
	[tilespmem:$0x1B400] =	vst v63  }
0xaa: {  	s9 =	rddreg [dreg:$0x3]  }
0xab: {  	[tilespmem:s24], [sflag:$0x3] =	stream.indirect.gather [hbm4b:s4+s22], $0x80, s9, s22, $0xb8;
	[tilespmem:$0x1B400] =	vst v63  }
0xac: {  	s16 =	rddreg [dreg:$0x4]  }
0xad: {  	[tilespmem:s25], [sflag:$0x4] =	stream.indirect.gather [hbm4b:s4+s22], $0x80, s16, s22, $0xb8;
	[tilespmem:$0x1B400] =	vst v63  }
0xae: {  	s9 =	rddreg [dreg:$0x5]  }
0xaf: {  	[tilespmem:s26], [sflag:$0x5] =	stream.indirect.gather [hbm4b:s4+s22], $0x80, s9, s22, $0xb8;
	[tilespmem:$0x1B400] =	vst v63  }
0xb0: {  	s16 =	rddreg [dreg:$0x6]  }
0xb1: {  	[tilespmem:s28], [sflag:$0x6] =	stream.indirect.gather [hbm4b:s4+s22], $0x80, s16, s22, $0xb8;
	[tilespmem:$0x1B400] =	vst v63  }
0xb2: {  	_ =	swait.ge [sflag:s29], $0x1400  }
0xb3: {  	[sflag:s29] =	ssyncset.done $0x0  }
0xb4: {  	s16 =	simm.s32 $0x800;
	[sflag:s29] =	ssyncadd.s32 $0xFFFFEC00  }
0xb5: {  	[spmem:s1] =	stream.indirect.scatter.add.f32 [tilespmem:s23], [sflag:$0x7], $0x80, s16, s22, $0xb8;
	[tilespmem:$0x1B400] =	vst v63  }
0xb6: {  	_ =	swait.ge [sflag:s30], $0x1400  }
0xb7: {  	[sflag:s30] =	ssyncset.done $0x0  }
0xb8: {  	s16 =	rddreg [dreg:$0x7];
	[sflag:s30] =	ssyncadd.s32 $0xFFFFEC00  }
0xb9: {  	[spmem:s1] =	stream.indirect.scatter.add.f32 [tilespmem:s24], [sflag:$0x8], $0x80, s16, s22, $0xb8;
	[tilespmem:$0x1B400] =	vst v63  }
0xba: {  	_ =	swait.ge [sflag:s31], $0x1400  }
0xbb: {  	[sflag:s31] =	ssyncset.done $0x0  }
0xbc: {  	s16 =	rddreg [dreg:$0x8];
	[sflag:s31] =	ssyncadd.s32 $0xFFFFEC00  }
0xbd: {  	[spmem:s1] =	stream.indirect.scatter.add.f32 [tilespmem:s25], [sflag:$0x9], $0x80, s16, s22, $0xb8;
	[tilespmem:$0x1B400] =	vst v63  }
0xbe: {  	_ =	swait.ge [sflag:s0], $0x1400  }
0xbf: {  	[sflag:s0] =	ssyncset.done $0x0  }
0xc0: {  	s16 =	rddreg [dreg:$0x9];
	[sflag:s0] =	ssyncadd.s32 $0xFFFFEC00  }
0xc1: {  	[spmem:s1] =	stream.indirect.scatter.add.f32 [tilespmem:s26], [sflag:$0xA], $0x80, s16, s22, $0xb8;
	[tilespmem:$0x1B400] =	vst v63  }
0xc2: {  	_ =	swait.ge [sflag:s2], $0x1400  }
0xc3: {  	[sflag:s2] =	ssyncset.done $0x0  }
0xc4: {  	s16 =	rddreg [dreg:$0xa];
	[sflag:s2] =	ssyncadd.s32 $0xFFFFEC00  }
0xc5: {  	[spmem:s1] =	stream.indirect.scatter.add.f32 [tilespmem:s28], [sflag:$0xB], $0x80, s16, s22, $0xb8;
	[tilespmem:$0x1B400] =	vst v63  }
0xc6: {  	_ =	swait.ge [sflag:s6], $0x1400  }
0xc7: {  	[sflag:s6] =	ssyncset.done $0x0  }
0xc8: {  	[sflag:s6] =	ssyncadd.s32 $0xFFFFEC00  }
0xc9: {  	_ =	swait.ge [sflag:s8], $0x1400  }
0xca: {  	[sflag:s8] =	ssyncset.done $0x0  }
0xcb: {  	[sflag:s8] =	ssyncadd.s32 $0xFFFFEC00  }
0xcc: {  	_ =	swait.ge [sflag:s10], $0x1400  }
0xcd: {  	[sflag:s10] =	ssyncset.done $0x0  }
0xce: {  	[sflag:s10] =	ssyncadd.s32 $0xFFFFEC00  }
0xcf: {  	_ =	swait.ge [sflag:s11], $0x1400  }
0xd0: {  	[sflag:s11] =	ssyncset.done $0x0  }
0xd1: {  	[sflag:s11] =	ssyncadd.s32 $0xFFFFEC00  }
0xd2: {  	_ =	swait.ge [sflag:s7], $0x1400  }
0xd3: {  	[sflag:s7] =	ssyncset.done $0x0  }
0xd4: {  	[sflag:s7] =	ssyncadd.s32 $0xFFFFEC00  }
0xd5: {  	_ =	swait.ge [sflag:s19], $0x280  }
0xd6: {  	[sflag:s19] =	ssyncset.done $0x0  }
0xd7: {  	s18 =	smov.u32 s13;
	[sflag:s19] =	ssyncadd.s32 $0xFFFFFD80  }
0xd8: {  	p1 =	sgt.u32 s18, $0x17;
	_ =	swait.ge [sflag:s19], $0x280  }
0xd9: {  	s9 =	sshrl.u32 @!p1 s14, $0x3;
	[sflag:s19] =	ssyncset.done $0x0  }
0xda: {  	s9 =	sadd.s32 @!p1 s5, s9;
	s16 =	simm.s32 @!p1 $0x0;
	[sflag:s19] =	ssyncadd.s32 $0xFFFFFD80  }
0xdb: {  	[tilespmem:s16], [sflag:$0x1] =	stream.linear.gather @!p1 [hbm4b:s9+s16], $0x280, $0x38;
	[tilespmem:$0x1B400] =	vst v63  }
0xdc: {  	s17 =	sadd.s32 $0x100, s17;
	s9 =	simm.s32 @!p1 $0x800  }
0xdd: {  	[tilespmem:s9], [sflag:$0x1] =	stream.linear.gather @!p1 [hbm4b:s17+s16], $0x280, $0x38;
	[tilespmem:$0x1B400] =	vst v63  }
0xde: {  	_ = 	snop  }
0xdf: {  	[tilespmem:s23], [sflag:$0x2] =	stream.indirect.gather [hbm4b:s4+s22], $0x80, s20, s22, $0xb8;
	[tilespmem:$0x1B400] =	vst v63  }
0xe0: {  	s16 =	rddreg [dreg:$0xb]  }
0xe1: {  	[tilespmem:s24], [sflag:$0x3] =	stream.indirect.gather [hbm4b:s4+s22], $0x80, s16, s22, $0xb8;
	[tilespmem:$0x1B400] =	vst v63  }
0xe2: {  	s18 =	rddreg [dreg:$0xc]  }
0xe3: {  	[tilespmem:s25], [sflag:$0x4] =	stream.indirect.gather [hbm4b:s4+s22], $0x80, s18, s22, $0xb8;
	[tilespmem:$0x1B400] =	vst v63  }
0xe4: {  	s9 =	rddreg [dreg:$0xd]  }
0xe5: {  	[tilespmem:s26], [sflag:$0x5] =	stream.indirect.gather [hbm4b:s4+s22], $0x80, s9, s22, $0xb8;
	[tilespmem:$0x1B400] =	vst v63  }
0xe6: {  	s18 =	rddreg [dreg:$0xe]  }
0xe7: {  	[tilespmem:s28], [sflag:$0x6] =	stream.indirect.gather [hbm4b:s4+s22], $0x80, s18, s22, $0xb8;
	[tilespmem:$0x1B400] =	vst v63  }
0xe8: {  	_ =	swait.ge [sflag:s29], $0x1400  }
0xe9: {  	[sflag:s29] =	ssyncset.done $0x0  }
0xea: {  	[sflag:s29] =	ssyncadd.s32 $0xFFFFEC00  }
0xeb: {  	[spmem:s1] =	stream.indirect.scatter.add.f32 [tilespmem:s23], [sflag:$0x7], $0x80, s21, s22, $0xb8;
	[tilespmem:$0x1B400] =	vst v63  }
0xec: {  	_ =	swait.ge [sflag:s30], $0x1400  }
0xed: {  	[sflag:s30] =	ssyncset.done $0x0  }
0xee: {  	s16 =	rddreg [dreg:$0xf];
	[sflag:s30] =	ssyncadd.s32 $0xFFFFEC00  }
0xef: {  	[spmem:s1] =	stream.indirect.scatter.add.f32 [tilespmem:s24], [sflag:$0x8], $0x80, s16, s22, $0xb8;
	[tilespmem:$0x1B400] =	vst v63  }
0xf0: {  	_ =	swait.ge [sflag:s31], $0x1400  }
0xf1: {  	[sflag:s31] =	ssyncset.done $0x0  }
0xf2: {  	s18 =	rddreg [dreg:$0x10];
	[sflag:s31] =	ssyncadd.s32 $0xFFFFEC00  }
0xf3: {  	[spmem:s1] =	stream.indirect.scatter.add.f32 [tilespmem:s25], [sflag:$0x9], $0x80, s18, s22, $0xb8;
	[tilespmem:$0x1B400] =	vst v63  }
0xf4: {  	_ =	swait.ge [sflag:s0], $0x1400  }
0xf5: {  	[sflag:s0] =	ssyncset.done $0x0  }
0xf6: {  	s16 =	rddreg [dreg:$0x11];
	[sflag:s0] =	ssyncadd.s32 $0xFFFFEC00  }
0xf7: {  	[spmem:s1] =	stream.indirect.scatter.add.f32 [tilespmem:s26], [sflag:$0xA], $0x80, s16, s22, $0xb8;
	[tilespmem:$0x1B400] =	vst v63  }
0xf8: {  	_ =	swait.ge [sflag:s2], $0x1400  }
0xf9: {  	[sflag:s2] =	ssyncset.done $0x0  }
0xfa: {  	s18 =	rddreg [dreg:$0x12];
	[sflag:s2] =	ssyncadd.s32 $0xFFFFEC00  }
0xfb: {  	[spmem:s1] =	stream.indirect.scatter.add.f32 [tilespmem:s28], [sflag:$0xB], $0x80, s18, s22, $0xb8;
	[tilespmem:$0x1B400] =	vst v63  }
0xfc: {  	_ =	swait.ge [sflag:s6], $0x1400  }
0xfd: {  	[sflag:s6] =	ssyncset.done $0x0  }
0xfe: {  	[sflag:s6] =	ssyncadd.s32 $0xFFFFEC00  }
0xff: {  	_ =	swait.ge [sflag:s8], $0x1400  }
0x100: {  	[sflag:s8] =	ssyncset.done $0x0  }
0x101: {  	[sflag:s8] =	ssyncadd.s32 $0xFFFFEC00  }
0x102: {  	_ =	swait.ge [sflag:s10], $0x1400  }
0x103: {  	s13 =	sadd.s32 $0x1, s13;
	[sflag:s10] =	ssyncset.done $0x0  }
0x104: {  	p0 =	sne.s32 s13, $0x19;
	[sflag:s10] =	ssyncadd.s32 $0xFFFFEC00  }
.Ltmp0:
0x105: {  	_ =	swait.ge [sflag:s11], $0x1400;
	(pc) =	sbr.rel @p0 .LBB2_2-.Ltmp0, $4  }
0x106: {  	[sflag:s11] =	ssyncset.done $0x0  }
0x107: {  	[sflag:s11] =	ssyncadd.s32 $0xFFFFEC00  }
0x108: {  	s12 =	sadd.s32 $0x100, s12;
	_ =	swait.ge [sflag:s7], $0x1400  }
0x109: {  	s15 =	sadd.s32 $0x100, s15;
	s14 =	sadd.s32 $0x800, s14;
	[sflag:s7] =	ssyncset.done $0x0  }
0x10a: {  	[sflag:s7] =	ssyncadd.s32 $0xFFFFEC00  }
0x10b: {  	[bflag:$0x0] =	sbarrier.arrive $0xFFFF  }
0x10c: {  	s12 =	rddreg [dreg:$0x16]  }
0x10d: {  	s9 =	rddreg [dreg:$0x17]  }
0x10e: {  	s14 =	simm.s32 $0xC;
	s13 =	rddreg [dreg:$0x1d]  }
0x10f: {  	[hbm:s9], [sflag:s12] =	dma.local [spmem:s13], $0x2800  }
0x110: {  	_ =	swait.ge [sflag:s14], $0x2800  }
0x111: {  	s15 =	rddreg [dreg:$0x1e]  }
0x112: {  	s18 =	rddreg [dreg:$0x18];
	s15 =	sadd.s32 $0x1, s15  }
0x113: {  	p0 =	sne.s32 s15, s18  }
.Ltmp1:
0x114: {  	_ = 	snop;
	(pc) =	sbr.rel @p0 .LBB2_1-.Ltmp1, $3  }
0x115: {  	_ =	sdelay $0x1  }
0x116: {  	[sflag:s14] =	ssyncset.done $0x0  }
0x117: {  	s16 =	simm.s32 $0x800;
	[sflag:s14] =	ssyncadd.s32 $0xFFFFD800  }
0x118: {  	_ =	sfence.sel $0x180000  }
0x119: {  	[bflag:$0x0] =	sbarrier.arrive $0xFFFF  }
0x11a: {  	_ =	strace $0x9000004A  }
0x11b: {  	s0 =	stileid.u32;
	[bflag:$0x2] =	sbarrier.arrive $0xFFFF  }
0x11c: {  	p0 =	sne.s32 s0, $0x0;
	s0 =	rddreg [dreg:$0x2]  }
0x11d: {  	s0 =	sadd.s32 @!p0 $0x100000, s0  }
0x11e: {  	[sflag:s0] =	ssyncadd.tile.s32 @!p0 $0x1;
	_ =	shalt  }
.Lfunc_end2:
_tile_overlayer_lowered:
.L_overlay_start_2:
0x11f: {  	(tag) =	ssettag $0x2  }
0x120: {  	s0 =	rddreg [dreg:$0x0];
	s2 =	stileid.u32  }
0x121: {  	s1 =	rddreg [dreg:$0x1];
	p0 =	sne.s32 s2, $0x0  }
0x122: {  	s3 =	rddreg [dreg:$0x2];
	[bflag:$0x3] =	sbarrier.arrive $0xFFFF;
	s2 =	simm.s32 @!p0 $0x1C0C  }
0x123: {  	[timem:s3], [sflag:s2] =	dma.local @!p0 [hbm:s0], s1  }
0x124: {  	s0 =	simm.s32 @!p0 $0xC  }
0x125: {  	_ =	swait.ge @!p0 [sflag:s0], s1  }
0x126: {  	s1 =	ssub.s32 @!p0 $0x0, s1;
	[sflag:s0] =	ssyncset.done @!p0 $0x0  }
0x127: {  	[sflag:s0] =	ssyncadd.s32 @!p0 s1  }
0x128: {  	[bflag:$0x3] =	sbarrier.arrive $0xFFFF  }
0x129: {  	_ =	shalt  }

// kernel: kernel.7.cloned.1.call-start
scs
__scs_entry_jumppad:
0x0: {  	(pc) =	sbr.rel $0x88, $3  }
0x1: {  	(tag) =	ssettag $0x0;
	lr =	simm.s32 $0x1  }
0x2: {  	[smem:$0x3F99] =	sst lr;
	_ =	strace $0xD0000000  }
0x3: {  	_ = 	snop  }
0x4: {  	_ = 	snop  }
0x5: {  	_ = 	snop  }
0x6: {  	_ = 	snop  }
0x7: {  	_ = 	snop  }
__scs_overlays_trampoline_lowered:
0x8: {  	[smem:$0x3FA8] =	sst s0  }
0x9: {  	[smem:$0x3FA9] =	sst s1  }
0xa: {  	[smem:$0x3FAA] =	sst s2  }
0xb: {  	[smem:$0x3FAB] =	sst s3  }
0xc: {  	[smem:$0x3FAC] =	sst s4  }
0xd: {  	[smem:$0x3FAD] =	sst s5  }
0xe: {  	[smem:$0x3FAE] =	sst s6  }
0xf: {  	[smem:$0x3FAF] =	sst s7  }
0x10: {  	[smem:$0x3FB0] =	sst s8  }
0x11: {  	[smem:$0x3FB1] =	sst s9;
	s0 =	simm.s32 @!p0 $0x0  }
0x12: {  	s1 =	sld [smem:$0x3F97];
	s0 =	simm.s32 @p0 $0x1  }
0x13: {  	[smem:$0x3FB2] =	sst s0;
	s0 =	simm.s32 @!p1 $0x0  }
0x14: {  	s2 =	sld [smem:$0x3F96];
	s0 =	simm.s32 @p1 $0x1  }
0x15: {  	[smem:$0x3FB3] =	sst s0;
	s0 =	simm.s32 @!p2 $0x0  }
0x16: {  	s3 =	sld [smem:$0x3FDB];
	s0 =	simm.s32 @p2 $0x1  }
0x17: {  	s4 =	simm.s32 $0x1BF5;
	[smem:$0x3FB5] =	sst s0  }
0x18: {  	s0 =	sld [smem:$0x3F98];
	_ =	swait.ge [sflag:s4], $0x0  }
0x19: {  	s7 =	sld [smem:$0x3F99]  }
0x1a: {  	s8 =	sadd.s32 $0xFFFFE003, lr  }
0x1b: {  	s9 =	sadd.s32 $0xFFFFFEF7, lr;
	s5 =	simm.s32 $0xFFFFFFFF;
	p2 =	slt.u32 s8, $0xFFFFF086  }
0x1c: {  	p1 =	slt.u32 s9, $0xF7A;
	s5 =	simm.s32 @!p2 $0x0  }
0x1d: {  	s5 =	simm.s32 @p1 $0x1;
	p0 =	seq.s32 s7, s2  }
0x1e: {  	s7 =	smul.u32 @!p0 $0xF7A, s2;
	p2 =	seq.s32 @!p0 s5, $0x0  }
0x1f: {  	s9 =	smul.u32 $0xF7A, s1;
	s8 =	simm.s32 @!p0 $0x1BF5;
	p2 =	por !p2, p0  }
0x20: {  	[sflag:s8] =	ssyncset.s32 @!p0 $0xFFFFF086;
	s6 =	sadd.s32 @!p0 s3, s7;
	s7 =	simm.s32 @!p0 $0x108  }
0x21: {  	s3 =	sadd.s32 s3, s9;
	s6 =	sadd.s32 @!p0 $0x88, s6;
	s7 =	simm.s32 @p2 $0x1082  }
0x22: {  	[simem:s7], [sflag:s8] =	dma.local @!p0 [hbm:s6], $0xF7A  }
0x23: {  	s9 =	sor.u32 $0xD0000000, s2;
	s6 =	simm.s32 $0x108;
	_ =	swait.ge @!p0 [sflag:s8], $0x0  }
0x24: {  	s3 =	sadd.s32 $0x88, s3;
	s6 =	simm.s32 @!p1 $0x1082;
	[sflag:s4] =	ssyncset.s32 $0xFFFFF086  }
0x25: {  	[simem:s6], [sflag:s4] =	dma.local [hbm:s3], $0xF7A  }
0x26: {  	[smem:$0x3F99] =	sst s1;
	(tag) =	ssettag s2;
	_ =	strace s9  }
0x27: {  	s1 =	sld [smem:$0x3FA9]  }
0x28: {  	s2 =	sld [smem:$0x3FAA]  }
0x29: {  	s4 =	sld [smem:$0x3FAC]  }
0x2a: {  	p0 =	seq.s32 s5, $0x0;
	s5 =	sld [smem:$0x3FAD]  }
0x2b: {  	s6 =	sld [smem:$0x3FAE]  }
0x2c: {  	s7 =	sld [smem:$0x3FAF]  }
0x2d: {  	s3 =	simm.s32 $0x108;
	s8 =	sld [smem:$0x3FB0]  }
0x2e: {  	s3 =	simm.s32 @!p0 $0x1082;
	s9 =	sld [smem:$0x3FB1]  }
0x2f: {  	lr =	sadd.s32 s0, s3;
	s0 =	sld [smem:$0x3FA8]  }
0x30: {  	s3 =	sld [smem:$0x3FAB]  }
0x31: {  	[smem:$0x3FB4] =	sst s10  }
0x32: {  	s10 =	sld [smem:$0x3FB2];
	_ =	sdelay $0x3  }
0x33: {  	p0 =	seq.s32 s10, $0x1;
	s10 =	sld [smem:$0x3FB4];
	_ =	sdelay $0x3  }
0x34: {  	[smem:$0x3FB4] =	sst s10  }
0x35: {  	s10 =	sld [smem:$0x3FB3];
	_ =	sdelay $0x3  }
0x36: {  	p1 =	seq.s32 s10, $0x1;
	s10 =	sld [smem:$0x3FB4];
	_ =	sdelay $0x3  }
0x37: {  	[smem:$0x3FB4] =	sst s10  }
0x38: {  	s10 =	sld [smem:$0x3FB5]  }
0x39: {  	_ = 	snop;
	(pc) =	sbr.ind lr, $3  }
0x3a: {  	_ = 	snop  }
0x3b: {  	_ = 	snop  }
0x3c: {  	p2 =	seq.s32 s10, $0x1;
	s10 =	sld [smem:$0x3FB4]  }
0x3d: {  	_ =	shalt  }
0x3e: {  	_ =	shalt  }
0x3f: {  	_ =	shalt  }
0x40: {  	_ =	shalt  }
0x41: {  	_ =	shalt  }
0x42: {  	_ =	shalt  }
0x43: {  	_ =	shalt  }
0x44: {  	_ =	shalt  }
0x45: {  	_ =	shalt  }
0x46: {  	_ =	shalt  }
0x47: {  	_ =	shalt  }
0x48: {  	_ =	shalt  }
0x49: {  	_ =	shalt  }
0x4a: {  	_ =	shalt  }
0x4b: {  	_ =	shalt  }
0x4c: {  	_ =	shalt  }
0x4d: {  	_ =	shalt  }
0x4e: {  	_ =	shalt  }
0x4f: {  	_ =	shalt  }
0x50: {  	_ =	shalt  }
0x51: {  	_ =	shalt  }
0x52: {  	_ =	shalt  }
0x53: {  	_ =	shalt  }
0x54: {  	_ =	shalt  }
0x55: {  	_ =	shalt  }
0x56: {  	_ =	shalt  }
0x57: {  	_ =	shalt  }
0x58: {  	_ =	shalt  }
0x59: {  	_ =	shalt  }
0x5a: {  	_ =	shalt  }
0x5b: {  	_ =	shalt  }
0x5c: {  	_ =	shalt  }
0x5d: {  	_ =	shalt  }
0x5e: {  	_ =	shalt  }
0x5f: {  	_ =	shalt  }
0x60: {  	_ =	shalt  }
0x61: {  	_ =	shalt  }
0x62: {  	_ =	shalt  }
0x63: {  	_ =	shalt  }
0x64: {  	_ =	shalt  }
0x65: {  	_ =	shalt  }
0x66: {  	_ =	shalt  }
0x67: {  	_ =	shalt  }
0x68: {  	_ =	shalt  }
0x69: {  	_ =	shalt  }
0x6a: {  	_ =	shalt  }
0x6b: {  	_ =	shalt  }
0x6c: {  	_ =	shalt  }
0x6d: {  	_ =	shalt  }
0x6e: {  	_ =	shalt  }
0x6f: {  	_ =	shalt  }
0x70: {  	_ =	shalt  }
0x71: {  	_ =	shalt  }
0x72: {  	_ =	shalt  }
0x73: {  	_ =	shalt  }
0x74: {  	_ =	shalt  }
0x75: {  	_ =	shalt  }
0x76: {  	_ =	shalt  }
0x77: {  	_ =	shalt  }
0x78: {  	_ =	shalt  }
0x79: {  	_ =	shalt  }
0x7a: {  	_ =	shalt  }
0x7b: {  	_ =	shalt  }
0x7c: {  	_ =	shalt  }
0x7d: {  	_ =	shalt  }
0x7e: {  	_ =	shalt  }
0x7f: {  	_ =	shalt  }
0x80: {  	_ =	shalt  }
0x81: {  	_ =	shalt  }
0x82: {  	_ =	shalt  }
0x83: {  	_ =	shalt  }
0x84: {  	_ =	shalt  }
0x85: {  	_ =	shalt  }
0x86: {  	_ =	shalt  }
0x87: {  	_ =	shalt  }
.Lfunc_end0:
.L_simem_size_0:
called_computation_lowered:
.L_overlay_start_0:
0x88: {  	s2 =	sld [smem:$0x3FD9]  }
0x89: {  	s3 =	sld [smem:$0x3FFE];
	_ =	sdelay $0x1  }
0x8a: {  	s1 =	srdreg.scid  }
0x8b: {  	s0 =	sand.u32 $0x1, s1  }
0x8c: {  	s17 =	sshll.u32 s0, $0xA;
	s2 =	sadd.s32 s3, s2  }
0x8d: {  	s2 =	sadd.s32 s2, s17  }
0x8e: {  	[smem:$0x3FC0] =	sst s2  }
0x8f: {  	_ = 	snop  }
0x90: {  	s2 =	sld [smem:$0x3FD0];
	(tm) =	ssettm $0x1  }
0x91: {  	s18 =	sld [smem:$0x3FFB];
	_ =	sdelay $0x3  }
0x92: {  	_ =	strace s18  }
0x93: {  	s3 =	sld [smem:$0x3FFC];
	_ =	sdelay $0x3  }
0x94: {  	_ =	strace s3  }
0x95: {  	s3 =	sld [smem:$0x3FFD];
	_ =	sdelay $0x3  }
0x96: {  	_ =	strace s3  }
0x97: {  	_ =	strace $0x8FFFFFFF  }
0x98: {  	s19 =	sld [smem:$0x3FDB];
	_ =	sdelay $0x1  }
0x99: {  	s4 =	simm.s32 $_scs_section_size  }
0x9a: {  	s5 =	simm.s32 $_size__tile_overlayer_lowered;
	s6 =	simm.s32 $_tile_overlayer_lowered  }
0x9b: {  	s22 =	simm.s32 $0x1BFF;
	s21 =	sshll.u32 s6, $0x1;
	s3 =	sadd.s32 s4, s19  }
0x9c: {  	s7 =	simm.s32 $0x0;
	s20 =	sshll.u32 s5, $0x1;
	s5 =	sadd.s32 s21, s3  }
0x9d: {  	[timem:s7], [sflag:s22] =	dma.local [hbm:s5], s20  }
0x9e: {  	_ =	swait.ge [sflag:s22], s20  }
0x9f: {  	s4 =	ssub.s32 $0x0, s20;
	[sflag:s22] =	ssyncset.done $0x0  }
0xa0: {  	[sflag:s22] =	ssyncadd.s32 s4;
	_ =	sdelay $0x1  }
0xa1: {  	s23 =	simm.s32 $0x1B8B  }
0xa2: {  	_ =	swait.ge [sflag:s23], $0x1  }
0xa3: {  	[sflag:s23] =	ssyncset.done $0x0  }
0xa4: {  	s25 =	simm.s32 $0x1B8E;
	s24 =	sld [smem:$0x3FFE];
	[sflag:s23] =	ssyncadd.s32 $0xFFFFFFFF  }
0xa5: {  	s26 =	simm.s32 $execute0_lowered;
	[smem:$0x3FD2] =	sst s25  }
0xa6: {  	s5 =	sshll.u32 s26, $0x1;
	_ =	strace $0x80000046;
	[dreg:$0x1] =	wrdreg $0xFFFFFFFF  }
0xa7: {  	s28 =	simm.s32 $_size_execute0_lowered;
	s3 =	sadd.s32 s3, s5;
	[dreg:$0x0] =	wrdreg $0x0  }
0xa8: {  	s5 =	sshll.u32 s28, $0x1;
	[dreg:$0x2] =	wrdreg s3  }
0xa9: {  	[dreg:$0x3] =	wrdreg s5  }
0xaa: {  	[dreg:$0x4] =	wrdreg $0xC0  }
0xab: {  	_ =	task [dreg:s7], $0x5FFFF  }
0xac: {  	[dreg:$0x1] =	wrdreg $0xFFFFFFFF  }
0xad: {  	[dreg:$0x0] =	wrdreg $0x60  }
0xae: {  	[dreg:$0x2] =	wrdreg s24  }
0xaf: {  	[dreg:$0x3] =	wrdreg s2  }
0xb0: {  	[dreg:$0x4] =	wrdreg $0x74000  }
0xb1: {  	[dreg:$0x5] =	wrdreg $0x9  }
0xb2: {  	_ =	task.clear_ibuf [dreg:s7], $0x6FFFF;
	_ =	strace $0x90000046  }
0xb3: {  	s29 =	simm.s32 $0x9;
	_ =	strace $0x80000048  }
0xb4: {  	_ =	swait.ge [sflag:s29], $0x1  }
0xb5: {  	[sflag:s29] =	ssyncadd.s32 $0xFFFFFFFF  }
0xb6: {  	_ =	strace $0x90000048  }
0xb7: {  	_ =	sfence  }
0xb8: {  	s30 =	sld [smem:$0x0];
	_ =	sdelay $0x2  }
0xb9: {  	s31 =	sshll.u32 s1, $0xD;
	s1 =	sshrl.u32 s1, $0x2  }
0xba: {  	s3 =	sand.u32 $0x4000, s31;
	s1 =	sadd.s32 s1, s30  }
0xbb: {  	s0 =	sor.u32 s3, s0;
	s1 =	sshll.u32 s1, $0x11  }
0xbc: {  	s0 =	sor.u32 s1, s0  }
0xbd: {  	s0 =	sadd.s32 $0x8F2B, s0  }
0xbe: {  	[sflag:s0] =	ssyncadd.remote.s32 $0x1  }
0xbf: {  	_ =	sfence.sel $0xFFFF  }
0xc0: {  	[dreg:$0x0] =	wrdreg $0xFFFFFFFF;
	(pc) =	sbr.abs _section_cstart, $3  }
0xc1: {  	[dreg:$0x1] =	wrdreg $0xFFFFFFFF  }
0xc2: {  	_ =	task.clear_ibuf [dreg:s7], $0x2FFFF;
	_ =	strace $0x9FFFFFFF  }
0xc3: {  	(tm) =	ssettm $0x7FFFFFFF  }
tec
execute0_lowered:
.L_overlay_start_1:
0x0: {  	(tag) =	ssettag $0x1  }
0x1: {  	s0 =	rddreg [dreg:$0x0]  }
0x2: {  	s2 =	rddreg [dreg:$0x1]  }
0x3: {  	s1 =	rddreg [dreg:$0x2]  }
0x4: {  	s3 =	srdreg.scid;
	s12 =	stileid.u32  }
0x5: {  	s14 =	simm.s32 $0x200;
	s15 =	simm.s32 $0x880;
	s17 =	simm.s32 $0x900  }
0x6: {  	s19 =	simm.s32 $0x980;
	s29 =	simm.s32 $0x2400;
	s30 =	simm.s32 $0x3800  }
0x7: {  	s31 =	simm.s32 $0x4C00;
	s6 =	sand.u32 $0x1, s3;
	s3 =	simm.s32 $0x0  }
0x8: {  	s8 =	smul.u32 $0x14000, s12;
	s4 =	sadd.s32 $0x66600, s0;
	s5 =	sadd.s32 $0x2600, s0  }
0x9: {  	s9 =	sadd.s32 $0x8EC00, s0;
	s21 =	sadd.s32 $0x8E600, s0;
	[smem:$0x7FF] =	sst s3  }
0xa: {  	s10 =	smul.u32 $0x50000, s12;
	_ =	strace $0x80000047;
	[dreg:$0x12] =	wrdreg s9  }
0xb: {  	s25 =	sshll.u32 s12, $0x7;
	s26 =	smul.u32 $0xC800, s12;
	[dreg:$0x13] =	wrdreg s21  }
0xc: {  	s7 =	smul.u32 $0x140000, s6;
	s20 =	sshll.u32 s6, $0x4;
	[dreg:$0x6] =	wrdreg s14  }
0xd: {  	s23 =	ssub.s32 $0x2, s6;
	s6 =	smul.u32 $0xC8000, s6;
	[dreg:$0x7] =	wrdreg s15  }
0xe: {  	s11 =	sshrl.u32 s23, $0x1;
	s24 =	sshrl.u32 s10, $0x2;
	[dreg:$0x8] =	wrdreg s17  }
0xf: {  	s10 =	sand.u32 $0x380, s25;
	[dreg:$0x9] =	wrdreg s19;
	s21 =	simm.s32 $0x300  }
0x10: {  	s17 =	simm.s32 $0x800;
	s19 =	simm.s32 $0xC;
	s25 =	simm.s32 $0xB80  }
0x11: {  	s14 =	simm.s32 $0xA;
	s15 =	simm.s32 $0xB;
	s7 =	sadd.s32 s8, s7  }
0x12: {  	s8 =	sor.u32 s12, s20;
	s9 =	ssub.s32 s23, s11;
	s12 =	sshll.u32 s12, $0x6  }
0x13: {  	s6 =	sadd.s32 s26, s6;
	s20 =	simm.s32 $0xA00;
	[dreg:$0xb] =	wrdreg s21  }
0x14: {  	s23 =	simm.s32 $0x480;
	s21 =	simm.s32 $0x1B400;
	[dreg:$0xf] =	wrdreg s25  }
0x15: {  	s26 =	simm.s32 $0xC00;
	s25 =	simm.s32 $0x28;
	s7 =	sshrl.u32 s7, $0x3  }
0x16: {  	s22 =	smul.u32 $0xC800, s8;
	s8 =	sshrl.u32 s8, $0x3;
	s16 =	sor.u32 $0x1C0C, s12  }
0x17: {  	s28 =	sadd.s32 $0x190800, s6;
	s9 =	smax.u32 s9, $0x1;
	[dreg:$0xa] =	wrdreg s20  }
0x18: {  	s11 =	sadd.s32 $0x800, s6;
	s12 =	simm.s32 $0x180;
	[dreg:$0xd] =	wrdreg s23  }
0x19: {  	s18 =	sor.u32 $0x400, s6;
	s23 =	simm.s32 $0x280;
	[dreg:$0x10] =	wrdreg s26  }
0x1a: {  	s26 =	simm.s32 $0x1000;
	s20 =	simm.s32 $0x0;
	[dreg:$0x19] =	wrdreg s9  }
0x1b: {  	s0 =	sadd.s32 s7, s0;
	s8 =	smul.u32 $0x14000, s8;
	[dreg:$0x1b] =	wrdreg s11  }
0x1c: {  	[dreg:$0x5] =	wrdreg s12;
	s9 =	simm.s32 $0x5;
	s11 =	simm.s32 $0x7  }
0x1d: {  	s12 =	simm.s32 $0x8;
	[dreg:$0x16] =	wrdreg s16;
	s0 =	sadd.s32 $0x91400, s0  }
0x1e: {  	s7 =	sshrl.u32 s22, $0x3;
	s22 =	simm.s32 $0x380;
	[dreg:$0x17] =	wrdreg s0  }
0x1f: {  	s13 =	sadd.s32 s5, s7;
	s7 =	sadd.s32 s24, s1;
	[dreg:$0xc] =	wrdreg s22  }
0x20: {  	s8 =	sor.u32 s10, s8;
	s10 =	simm.s32 $0x100;
	[dreg:$0x14] =	wrdreg s13  }
0x21: {  	s24 =	simm.s32 $0xB00;
	s22 =	simm.s32 $0x1;
	[dreg:$0x4] =	wrdreg s10  }
0x22: {  	s13 =	sadd.s32 $0x32000, s13;
	s8 =	sshrl.u32 s8, $0x3;
	[dreg:$0xe] =	wrdreg s24  }
0x23: {  	s24 =	simm.s32 $0xA80;
	[dreg:$0x15] =	wrdreg s13;
	s2 =	sadd.s32 s2, s8  }
0x24: {  	s8 =	sshrl.u32 s28, $0x3;
	s13 =	sadd.s32 $0x190400, s6;
	s28 =	simm.s32 $0xC80  }
0x25: {  	s6 =	simm.s32 $0x3;
	[dreg:$0x18] =	wrdreg s2;
	s0 =	sadd.s32 s8, s5  }
0x26: {  	s2 =	sshrl.u32 s13, $0x3;
	[dreg:$0x11] =	wrdreg s28;
	s8 =	simm.s32 $0x6  }
0x27: {  	s13 =	simm.s32 $0x9;
	[dreg:$0x1a] =	wrdreg s0;
	s2 =	sadd.s32 s2, s5  }
0x28: {  	[dreg:$0x1c] =	wrdreg s2;
	s2 =	sshrl.u32 s18, $0x3;
	s18 =	sshrl.u32 s7, $0x3  }
0x29: {  	s0 =	simm.s32 $0x6000;
	s2 =	sadd.s32 s2, s5;
	[dreg:$0x1e] =	wrdreg s18  }
0x2a: {  	v0 =	vimm.f32 $1.000000000e+00;
	vm0 =	vcmask $0x3F20;
	s7 =	simm.s32 $0x4;
	[dreg:$0x1d] =	wrdreg s2;
	s2 =	simm.s32 $0x2  }
.LBB2_1:
0x2b: {  	[dreg:$0x1f] =	wrdreg s20  }
0x2c: {  	s10 =	rddreg [dreg:$0x14]  }
0x2d: {  	s28 =	rddreg [dreg:$0x15]  }
0x2e: {  	[tilespmem:s3], [sflag:$0x1] =	stream.linear.gather [hbm4b:s10+s3], $0x280, $0x38;
	[tilespmem:$0x1DC00] =	vst v63  }
0x2f: {  	s20 =	rddreg [dreg:$0x12]  }
0x30: {  	[tilespmem:s17], [sflag:$0x1] =	stream.linear.gather [hbm4b:s28+s3], $0x280, $0x38;
	[tilespmem:$0x1DC00] =	vst v63  }
0x31: {  	[spmem:s18], [sflag:s16] =	dma.local [hbm:s20], $0x2800  }
0x32: {  	_ =	swait.ge [sflag:s19], $0x2800  }
0x33: {  	[sflag:s19] =	ssyncset.done $0x0  }
0x34: {  	s28 =	rddreg [dreg:$0x13];
	[sflag:s19] =	ssyncadd.s32 $0xFFFFD800  }
0x35: {  	[tilespmem:s21], [sflag:$0xC] =	stream.linear.gather [hbm4b:s28+s3], $0x2800, $0x38;
	[tilespmem:$0x1DC00] =	vst v63  }
0x36: {  	_ =	swait.ge [sflag:s19], $0x2800  }
0x37: {  	[sflag:s19] =	ssyncset.done $0x0  }
0x38: {  	[sflag:s19] =	ssyncadd.s32 $0xFFFFD800  }
0x39: {  	[bflag:$0x0] =	sbarrier.arrive $0xFFFF  }
0x3a: {  	s10 =	rddreg [dreg:$0x1d]  }
0x3b: {  	s19 =	rddreg [dreg:$0x1c]  }
0x3c: {  	s20 =	rddreg [dreg:$0x1b]  }
0x3d: {  	s18 =	simm.s32 $0x0;
	s17 =	rddreg [dreg:$0x1a]  }
.LBB2_2:
0x3e: {  	_ =	swait.ge [sflag:s22], $0x280  }
0x3f: {  	[sflag:s22] =	ssyncset.done $0x0  }
0x40: {  	[sflag:s22] =	ssyncadd.s32 $0xFFFFFD80  }
0x41: {  	_ =	swait.ge [sflag:s22], $0x280  }
0x42: {  	[sflag:s22] =	ssyncset.done $0x0  }
0x43: {  	[sflag:s22] =	ssyncadd.s32 $0xFFFFFD80  }
0x44: {  	[tilespmem:s23], [sflag:$0x1] =	stream.linear.gather [hbm4b:s10+s3], $0x280, $0x38;
	[tilespmem:$0x1DC00] =	vst v63  }
0x45: {  	_ = 	snop  }
0x46: {  	[tilespmem:s24], [sflag:$0x1] =	stream.linear.gather [hbm4b:s19+s3], $0x280, $0x38;
	[tilespmem:$0x1DC00] =	vst v63  }
0x47: {  	_ = 	snop  }
0x48: {  	[tilespmem:s26], [sflag:$0x2] =	stream.indirect.gather [hbm4b:s4+s25], $0x80, s3, s25, $0xb8;
	[tilespmem:$0x1DC00] =	vst v63  }
0x49: {  	s16 =	simm.s32 $0x80  }
0x4a: {  	[tilespmem:s29], [sflag:$0x3] =	stream.indirect.gather [hbm4b:s4+s25], $0x80, s16, s25, $0xb8;
	[tilespmem:$0x1DC00] =	vst v63  }
0x4b: {  	s28 =	rddreg [dreg:$0x4]  }
0x4c: {  	[tilespmem:s30], [sflag:$0x4] =	stream.indirect.gather [hbm4b:s4+s25], $0x80, s28, s25, $0xb8;
	[tilespmem:$0x1DC00] =	vst v63  }
0x4d: {  	s16 =	rddreg [dreg:$0x5]  }
0x4e: {  	[tilespmem:s31], [sflag:$0x5] =	stream.indirect.gather [hbm4b:s4+s25], $0x80, s16, s25, $0xb8;
	[tilespmem:$0x1DC00] =	vst v63  }
0x4f: {  	s28 =	rddreg [dreg:$0x6]  }
0x50: {  	[tilespmem:s0], [sflag:$0x6] =	stream.indirect.gather [hbm4b:s4+s25], $0x80, s28, s25, $0xb8;
	[tilespmem:$0x1DC00] =	vst v63  }
0x51: {  	v1 =	vld [tilespmem:$0x800];
	_ =	sdelay $0x7  }
0x52: {  	[tilespmem:v1+s21+$0x0] =	vst.idx.add.f32.msk $0xffff, v0  }
0x53: {  	v1 =	vld [tilespmem:$0x810];
	_ =	sdelay $0x7  }
0x54: {  	[tilespmem:v1+s21+$0x0] =	vst.idx.add.f32.msk $0xffff, v0  }
0x55: {  	v1 =	vld [tilespmem:$0x818];
	_ =	sdelay $0x7  }
0x56: {  	[tilespmem:v1+s21+$0x0] =	vst.idx.add.f32.msk vm0, v0  }
0x57: {  	v1 =	vld [tilespmem:$0x880];
	_ =	sdelay $0x7  }
0x58: {  	[tilespmem:v1+s21+$0x0] =	vst.idx.add.f32.msk $0xffff, v0  }
0x59: {  	v1 =	vld [tilespmem:$0x890];
	_ =	sdelay $0x7  }
0x5a: {  	[tilespmem:v1+s21+$0x0] =	vst.idx.add.f32.msk $0xffff, v0  }
0x5b: {  	v1 =	vld [tilespmem:$0x898];
	_ =	sdelay $0x7  }
0x5c: {  	[tilespmem:v1+s21+$0x0] =	vst.idx.add.f32.msk vm0, v0  }
0x5d: {  	v1 =	vld [tilespmem:$0x900];
	_ =	sdelay $0x7  }
0x5e: {  	[tilespmem:v1+s21+$0x0] =	vst.idx.add.f32.msk $0xffff, v0  }
0x5f: {  	v1 =	vld [tilespmem:$0x910];
	_ =	sdelay $0x7  }
0x60: {  	[tilespmem:v1+s21+$0x0] =	vst.idx.add.f32.msk $0xffff, v0  }
0x61: {  	v1 =	vld [tilespmem:$0x918];
	_ =	sdelay $0x7  }
0x62: {  	[tilespmem:v1+s21+$0x0] =	vst.idx.add.f32.msk vm0, v0  }
0x63: {  	v1 =	vld [tilespmem:$0x980];
	_ =	sdelay $0x7  }
0x64: {  	[tilespmem:v1+s21+$0x0] =	vst.idx.add.f32.msk $0xffff, v0  }
0x65: {  	v1 =	vld [tilespmem:$0x990];
	_ =	sdelay $0x7  }
0x66: {  	[tilespmem:v1+s21+$0x0] =	vst.idx.add.f32.msk $0xffff, v0  }
0x67: {  	v1 =	vld [tilespmem:$0x998];
	_ =	sdelay $0x7  }
0x68: {  	[tilespmem:v1+s21+$0x0] =	vst.idx.add.f32.msk vm0, v0  }
0x69: {  	v1 =	vld [tilespmem:$0xA00];
	_ =	sdelay $0x7  }
0x6a: {  	[tilespmem:v1+s21+$0x0] =	vst.idx.add.f32.msk $0xffff, v0  }
0x6b: {  	v1 =	vld [tilespmem:$0xA10];
	_ =	sdelay $0x7  }
0x6c: {  	[tilespmem:v1+s21+$0x0] =	vst.idx.add.f32.msk $0xffff, v0  }
0x6d: {  	v1 =	vld [tilespmem:$0xA18];
	_ =	sdelay $0x7  }
0x6e: {  	[tilespmem:v1+s21+$0x0] =	vst.idx.add.f32.msk vm0, v0  }
0x6f: {  	_ =	swait.ge [sflag:s2], $0x1400  }
0x70: {  	[sflag:s2] =	ssyncset.done $0x0  }
0x71: {  	s16 =	simm.s32 $0x800;
	[sflag:s2] =	ssyncadd.s32 $0xFFFFEC00  }
0x72: {  	[spmem:s1] =	stream.indirect.scatter.add.f32 [tilespmem:s26], [sflag:$0x7], $0x80, s16, s25, $0xb8;
	[tilespmem:$0x1DC00] =	vst v63  }
0x73: {  	_ =	swait.ge [sflag:s6], $0x1400  }
0x74: {  	[sflag:s6] =	ssyncset.done $0x0  }
0x75: {  	s16 =	rddreg [dreg:$0x7];
	[sflag:s6] =	ssyncadd.s32 $0xFFFFEC00  }
0x76: {  	[spmem:s1] =	stream.indirect.scatter.add.f32 [tilespmem:s29], [sflag:$0x8], $0x80, s16, s25, $0xb8;
	[tilespmem:$0x1DC00] =	vst v63  }
0x77: {  	_ =	swait.ge [sflag:s7], $0x1400  }
0x78: {  	[sflag:s7] =	ssyncset.done $0x0  }
0x79: {  	s16 =	rddreg [dreg:$0x8];
	[sflag:s7] =	ssyncadd.s32 $0xFFFFEC00  }
0x7a: {  	[spmem:s1] =	stream.indirect.scatter.add.f32 [tilespmem:s30], [sflag:$0x9], $0x80, s16, s25, $0xb8;
	[tilespmem:$0x1DC00] =	vst v63  }
0x7b: {  	_ =	swait.ge [sflag:s9], $0x1400  }
0x7c: {  	[sflag:s9] =	ssyncset.done $0x0  }
0x7d: {  	s16 =	rddreg [dreg:$0x9];
	[sflag:s9] =	ssyncadd.s32 $0xFFFFEC00  }
0x7e: {  	[spmem:s1] =	stream.indirect.scatter.add.f32 [tilespmem:s31], [sflag:$0xA], $0x80, s16, s25, $0xb8;
	[tilespmem:$0x1DC00] =	vst v63  }
0x7f: {  	_ =	swait.ge [sflag:s8], $0x1400  }
0x80: {  	[sflag:s8] =	ssyncset.done $0x0  }
0x81: {  	s16 =	rddreg [dreg:$0xa];
	[sflag:s8] =	ssyncadd.s32 $0xFFFFEC00  }
0x82: {  	[spmem:s1] =	stream.indirect.scatter.add.f32 [tilespmem:s0], [sflag:$0xB], $0x80, s16, s25, $0xb8;
	[tilespmem:$0x1DC00] =	vst v63  }
0x83: {  	_ =	swait.ge [sflag:s11], $0x1400  }
0x84: {  	[sflag:s11] =	ssyncset.done $0x0  }
0x85: {  	[sflag:s11] =	ssyncadd.s32 $0xFFFFEC00  }
0x86: {  	_ =	swait.ge [sflag:s12], $0x1400  }
0x87: {  	[sflag:s12] =	ssyncset.done $0x0  }
0x88: {  	[sflag:s12] =	ssyncadd.s32 $0xFFFFEC00  }
0x89: {  	_ =	swait.ge [sflag:s13], $0x1400  }
0x8a: {  	[sflag:s13] =	ssyncset.done $0x0  }
0x8b: {  	[sflag:s13] =	ssyncadd.s32 $0xFFFFEC00  }
0x8c: {  	_ =	swait.ge [sflag:s14], $0x1400  }
0x8d: {  	[sflag:s14] =	ssyncset.done $0x0  }
0x8e: {  	[sflag:s14] =	ssyncadd.s32 $0xFFFFEC00  }
0x8f: {  	_ =	swait.ge [sflag:s15], $0x1400  }
0x90: {  	[sflag:s15] =	ssyncset.done $0x0  }
0x91: {  	[sflag:s15] =	ssyncadd.s32 $0xFFFFEC00  }
0x92: {  	_ =	swait.ge [sflag:s22], $0x280  }
0x93: {  	[sflag:s22] =	ssyncset.done $0x0  }
0x94: {  	[sflag:s22] =	ssyncadd.s32 $0xFFFFFD80  }
0x95: {  	p0 =	sgt.u32 s18, $0x17;
	_ =	swait.ge [sflag:s22], $0x280  }
0x96: {  	s16 =	sshrl.u32 @!p0 s20, $0x3;
	[sflag:s22] =	ssyncset.done $0x0  }
0x97: {  	s28 =	simm.s32 @!p0 $0x0;
	s16 =	sadd.s32 @!p0 s5, s16;
	[sflag:s22] =	ssyncadd.s32 $0xFFFFFD80  }
0x98: {  	[tilespmem:s28], [sflag:$0x1] =	stream.linear.gather @!p0 [hbm4b:s16+s28], $0x280, $0x38;
	[tilespmem:$0x1DC00] =	vst v63  }
0x99: {  	s16 =	simm.s32 @!p0 $0x800  }
0x9a: {  	[tilespmem:s16], [sflag:$0x1] =	stream.linear.gather @!p0 [hbm4b:s17+s28], $0x280, $0x38;
	[tilespmem:$0x1DC00] =	vst v63  }
0x9b: {  	_ = 	snop  }
0x9c: {  	[tilespmem:s26], [sflag:$0x2] =	stream.indirect.gather [hbm4b:s4+s25], $0x80, s23, s25, $0xb8;
	[tilespmem:$0x1DC00] =	vst v63  }
0x9d: {  	s16 =	rddreg [dreg:$0xb]  }
0x9e: {  	[tilespmem:s29], [sflag:$0x3] =	stream.indirect.gather [hbm4b:s4+s25], $0x80, s16, s25, $0xb8;
	[tilespmem:$0x1DC00] =	vst v63  }
0x9f: {  	s28 =	rddreg [dreg:$0xc]  }
0xa0: {  	[tilespmem:s30], [sflag:$0x4] =	stream.indirect.gather [hbm4b:s4+s25], $0x80, s28, s25, $0xb8;
	[tilespmem:$0x1DC00] =	vst v63  }
0xa1: {  	s28 =	simm.s32 $0x400  }
0xa2: {  	[tilespmem:s31], [sflag:$0x5] =	stream.indirect.gather [hbm4b:s4+s25], $0x80, s28, s25, $0xb8;
	[tilespmem:$0x1DC00] =	vst v63  }
0xa3: {  	s16 =	rddreg [dreg:$0xd]  }
0xa4: {  	[tilespmem:s0], [sflag:$0x6] =	stream.indirect.gather [hbm4b:s4+s25], $0x80, s16, s25, $0xb8;
	[tilespmem:$0x1DC00] =	vst v63  }
0xa5: {  	v1 =	vld [tilespmem:$0xA80];
	_ =	sdelay $0x7  }
0xa6: {  	[tilespmem:v1+s21+$0x0] =	vst.idx.add.f32.msk $0xffff, v0  }
0xa7: {  	v1 =	vld [tilespmem:$0xA90];
	_ =	sdelay $0x7  }
0xa8: {  	[tilespmem:v1+s21+$0x0] =	vst.idx.add.f32.msk $0xffff, v0  }
0xa9: {  	v1 =	vld [tilespmem:$0xA98];
	_ =	sdelay $0x7  }
0xaa: {  	[tilespmem:v1+s21+$0x0] =	vst.idx.add.f32.msk vm0, v0  }
0xab: {  	v1 =	vld [tilespmem:$0xB00];
	_ =	sdelay $0x7  }
0xac: {  	[tilespmem:v1+s21+$0x0] =	vst.idx.add.f32.msk $0xffff, v0  }
0xad: {  	v1 =	vld [tilespmem:$0xB10];
	_ =	sdelay $0x7  }
0xae: {  	[tilespmem:v1+s21+$0x0] =	vst.idx.add.f32.msk $0xffff, v0  }
0xaf: {  	v1 =	vld [tilespmem:$0xB18];
	_ =	sdelay $0x7  }
0xb0: {  	[tilespmem:v1+s21+$0x0] =	vst.idx.add.f32.msk vm0, v0  }
0xb1: {  	v1 =	vld [tilespmem:$0xB80];
	_ =	sdelay $0x7  }
0xb2: {  	[tilespmem:v1+s21+$0x0] =	vst.idx.add.f32.msk $0xffff, v0  }
0xb3: {  	v1 =	vld [tilespmem:$0xB90];
	_ =	sdelay $0x7  }
0xb4: {  	[tilespmem:v1+s21+$0x0] =	vst.idx.add.f32.msk $0xffff, v0  }
0xb5: {  	v1 =	vld [tilespmem:$0xB98];
	_ =	sdelay $0x7  }
0xb6: {  	[tilespmem:v1+s21+$0x0] =	vst.idx.add.f32.msk vm0, v0  }
0xb7: {  	v1 =	vld [tilespmem:$0xC00];
	_ =	sdelay $0x7  }
0xb8: {  	[tilespmem:v1+s21+$0x0] =	vst.idx.add.f32.msk $0xffff, v0  }
0xb9: {  	v1 =	vld [tilespmem:$0xC10];
	_ =	sdelay $0x7  }
0xba: {  	[tilespmem:v1+s21+$0x0] =	vst.idx.add.f32.msk $0xffff, v0  }
0xbb: {  	v1 =	vld [tilespmem:$0xC18];
	_ =	sdelay $0x7  }
0xbc: {  	[tilespmem:v1+s21+$0x0] =	vst.idx.add.f32.msk vm0, v0  }
0xbd: {  	v1 =	vld [tilespmem:$0xC80];
	_ =	sdelay $0x7  }
0xbe: {  	[tilespmem:v1+s21+$0x0] =	vst.idx.add.f32.msk $0xffff, v0  }
0xbf: {  	v1 =	vld [tilespmem:$0xC90];
	_ =	sdelay $0x7  }
0xc0: {  	[tilespmem:v1+s21+$0x0] =	vst.idx.add.f32.msk $0xffff, v0  }
0xc1: {  	v1 =	vld [tilespmem:$0xC98];
	_ =	sdelay $0x7  }
0xc2: {  	[tilespmem:v1+s21+$0x0] =	vst.idx.add.f32.msk vm0, v0  }
0xc3: {  	_ =	swait.ge [sflag:s2], $0x1400  }
0xc4: {  	[sflag:s2] =	ssyncset.done $0x0  }
0xc5: {  	[sflag:s2] =	ssyncadd.s32 $0xFFFFEC00  }
0xc6: {  	[spmem:s1] =	stream.indirect.scatter.add.f32 [tilespmem:s26], [sflag:$0x7], $0x80, s24, s25, $0xb8;
	[tilespmem:$0x1DC00] =	vst v63  }
0xc7: {  	_ =	swait.ge [sflag:s6], $0x1400  }
0xc8: {  	[sflag:s6] =	ssyncset.done $0x0  }
0xc9: {  	s16 =	rddreg [dreg:$0xe];
	[sflag:s6] =	ssyncadd.s32 $0xFFFFEC00  }
0xca: {  	[spmem:s1] =	stream.indirect.scatter.add.f32 [tilespmem:s29], [sflag:$0x8], $0x80, s16, s25, $0xb8;
	[tilespmem:$0x1DC00] =	vst v63  }
0xcb: {  	_ =	swait.ge [sflag:s7], $0x1400  }
0xcc: {  	[sflag:s7] =	ssyncset.done $0x0  }
0xcd: {  	s16 =	rddreg [dreg:$0xf];
	[sflag:s7] =	ssyncadd.s32 $0xFFFFEC00  }
0xce: {  	[spmem:s1] =	stream.indirect.scatter.add.f32 [tilespmem:s30], [sflag:$0x9], $0x80, s16, s25, $0xb8;
	[tilespmem:$0x1DC00] =	vst v63  }
0xcf: {  	_ =	swait.ge [sflag:s9], $0x1400  }
0xd0: {  	[sflag:s9] =	ssyncset.done $0x0  }
0xd1: {  	s16 =	rddreg [dreg:$0x10];
	[sflag:s9] =	ssyncadd.s32 $0xFFFFEC00  }
0xd2: {  	[spmem:s1] =	stream.indirect.scatter.add.f32 [tilespmem:s31], [sflag:$0xA], $0x80, s16, s25, $0xb8;
	[tilespmem:$0x1DC00] =	vst v63  }
0xd3: {  	_ =	swait.ge [sflag:s8], $0x1400  }
0xd4: {  	[sflag:s8] =	ssyncset.done $0x0  }
0xd5: {  	s16 =	rddreg [dreg:$0x11];
	[sflag:s8] =	ssyncadd.s32 $0xFFFFEC00  }
0xd6: {  	[spmem:s1] =	stream.indirect.scatter.add.f32 [tilespmem:s0], [sflag:$0xB], $0x80, s16, s25, $0xb8;
	[tilespmem:$0x1DC00] =	vst v63  }
0xd7: {  	_ =	swait.ge [sflag:s11], $0x1400  }
0xd8: {  	[sflag:s11] =	ssyncset.done $0x0  }
0xd9: {  	[sflag:s11] =	ssyncadd.s32 $0xFFFFEC00  }
0xda: {  	_ =	swait.ge [sflag:s12], $0x1400  }
0xdb: {  	[sflag:s12] =	ssyncset.done $0x0  }
0xdc: {  	[sflag:s12] =	ssyncadd.s32 $0xFFFFEC00  }
0xdd: {  	_ =	swait.ge [sflag:s13], $0x1400  }
0xde: {  	[sflag:s13] =	ssyncset.done $0x0  }
0xdf: {  	s18 =	sadd.s32 $0x1, s18;
	[sflag:s13] =	ssyncadd.s32 $0xFFFFEC00  }
0xe0: {  	p0 =	sne.s32 s18, $0x19;
	_ =	swait.ge [sflag:s14], $0x1400  }
.Ltmp0:
0xe1: {  	[sflag:s14] =	ssyncset.done $0x0;
	(pc) =	sbr.rel @p0 .LBB2_2-.Ltmp0, $4  }
0xe2: {  	[sflag:s14] =	ssyncadd.s32 $0xFFFFEC00  }
0xe3: {  	_ =	swait.ge [sflag:s15], $0x1400  }
0xe4: {  	s10 =	sadd.s32 $0x100, s10;
	s19 =	sadd.s32 $0x100, s19;
	[sflag:s15] =	ssyncset.done $0x0  }
0xe5: {  	s20 =	sadd.s32 $0x800, s20;
	s17 =	sadd.s32 $0x100, s17;
	[sflag:s15] =	ssyncadd.s32 $0xFFFFEC00  }
0xe6: {  	[bflag:$0x0] =	sbarrier.arrive $0xFFFF  }
0xe7: {  	s16 =	rddreg [dreg:$0x16]  }
0xe8: {  	s10 =	rddreg [dreg:$0x17]  }
0xe9: {  	s19 =	simm.s32 $0xC;
	s18 =	rddreg [dreg:$0x1e]  }
0xea: {  	[hbm:s10], [sflag:s16] =	dma.local [spmem:s18], $0x2800  }
0xeb: {  	_ =	swait.ge [sflag:s19], $0x2800  }
0xec: {  	[sflag:s19] =	ssyncset.done $0x0  }
0xed: {  	s17 =	simm.s32 $0x80;
	s20 =	rddreg [dreg:$0x18];
	[sflag:s19] =	ssyncadd.s32 $0xFFFFD800  }
0xee: {  	[hbm4b:s20+s17] =	stream.strided.scatter [tilespmem:s21], [sflag:$0xC], $0x2800, s28, s17, $0x38;
	[tilespmem:$0x1DC00] =	vst v63  }
0xef: {  	_ =	swait.ge [sflag:s19], $0x2800  }
0xf0: {  	s20 =	rddreg [dreg:$0x1f]  }
0xf1: {  	s28 =	rddreg [dreg:$0x19];
	s20 =	sadd.s32 $0x1, s20  }
0xf2: {  	p0 =	sne.s32 s20, s28  }
.Ltmp1:
0xf3: {  	_ = 	snop;
	(pc) =	sbr.rel @p0 .LBB2_1-.Ltmp1, $3  }
0xf4: {  	_ =	sdelay $0x1  }
0xf5: {  	[sflag:s19] =	ssyncset.done $0x0  }
0xf6: {  	s17 =	simm.s32 $0x800;
	[sflag:s19] =	ssyncadd.s32 $0xFFFFD800  }
0xf7: {  	_ =	sfence.sel $0x180000  }
0xf8: {  	[bflag:$0x0] =	sbarrier.arrive $0xFFFF  }
0xf9: {  	_ =	strace $0x90000047  }
0xfa: {  	s0 =	stileid.u32;
	[bflag:$0x2] =	sbarrier.arrive $0xFFFF  }
0xfb: {  	p0 =	sne.s32 s0, $0x0;
	s0 =	rddreg [dreg:$0x3]  }
0xfc: {  	s0 =	sadd.s32 @!p0 $0x100000, s0  }
0xfd: {  	[sflag:s0] =	ssyncadd.tile.s32 @!p0 $0x1;
	_ =	shalt  }
.Lfunc_end2:
_tile_overlayer_lowered:
.L_overlay_start_2:
0xfe: {  	(tag) =	ssettag $0x2  }
0xff: {  	s0 =	rddreg [dreg:$0x0];
	s2 =	stileid.u32  }
0x100: {  	s1 =	rddreg [dreg:$0x1];
	p0 =	sne.s32 s2, $0x0  }
0x101: {  	s3 =	rddreg [dreg:$0x2];
	[bflag:$0x3] =	sbarrier.arrive $0xFFFF;
	s2 =	simm.s32 @!p0 $0x1C0C  }
0x102: {  	[timem:s3], [sflag:s2] =	dma.local @!p0 [hbm:s0], s1  }
0x103: {  	s0 =	simm.s32 @!p0 $0xC  }
0x104: {  	_ =	swait.ge @!p0 [sflag:s0], s1  }
0x105: {  	s1 =	ssub.s32 @!p0 $0x0, s1;
	[sflag:s0] =	ssyncset.done @!p0 $0x0  }
0x106: {  	[sflag:s0] =	ssyncadd.s32 @!p0 s1  }
0x107: {  	[bflag:$0x3] =	sbarrier.arrive $0xFFFF  }
0x108: {  	_ =	shalt  }

</sc_bundles>
